<compile_context>
chip_gen: v7x
topology: tpu7x:2x2x1
jax: 0.10.2.dev20260603
libtpu: 0.0.44.dev20260713+nightly
codegen_flags: <defaults>
</compile_context>

<pallas_src>
import functools

import jax
import jax.numpy as jnp
from jax import lax
from jax.experimental import pallas as pl
from jax.experimental.pallas import tpu as pltpu
from jax.experimental.pallas import tpu_sc as plsc

N = 10000
N_PAD = 10240
E = 160000
K = 128
NCH = E // K
NC, NS = 2, 16
TILE_N = N_PAD // NS
XC = 2
D = 128
R = 2000

_mesh = plsc.VectorSubcoreMesh(core_axis_name="c", subcore_axis_name="s")


def _share(nworkers, wid):
    per, extra = NCH // nworkers, NCH % nworkers
    base = wid * per + jnp.minimum(wid, extra)
    cnt = per + (wid < extra).astype(jnp.int32)
    return base, cnt


DW = 25
DCH = NCH // DW


@functools.partial(
    pl.kernel,
    out_type=jax.ShapeDtypeStruct((NC, N_PAD), jnp.float32),
    mesh=_mesh,
    scratch_types=[
        pltpu.VMEM((DCH, K), jnp.int32),
        pltpu.VMEM((K,), jnp.float32),
        pltpu.VMEM((TILE_N,), jnp.float32),
        pltpu.VMEM_SHARED((N_PAD,), jnp.float32),
        pltpu.SemaphoreType.DMA,
    ],
)
def _deg_hist(ei_hbm, deg_hbm, dst_v, ones_v, tmp_v, acc_sh, sd):
    c = lax.axis_index("c")
    s = lax.axis_index("s")
    w = c * NS + s
    base = w * DCH

    def fill(k, _):
        ones_v[pl.ds(k * 16, 16)] = jnp.full((16,), 1.0, jnp.float32)
        return 0

    lax.fori_loop(0, K // 16, fill, 0)

    def zero(k, _):
        tmp_v[pl.ds(k * 16, 16)] = jnp.zeros((16,), jnp.float32)
        return 0

    lax.fori_loop(0, TILE_N // 16, zero, 0)
    pltpu.sync_copy(tmp_v, acc_sh.at[pl.ds(s * TILE_N, TILE_N)])

    @pl.when(w < DW)
    def _():
        def ld(j, _):
            pltpu.async_copy(ei_hbm.at[1, pl.ds((base + j) * K, K)],
                             dst_v.at[j], sd)
            return 0

        lax.fori_loop(0, DCH, ld, 0)

        def dr(j, _):
            pltpu.make_async_copy(ei_hbm.at[1, pl.ds((base + j) * K, K)],
                                  dst_v.at[j], sd).wait()
            return 0

        lax.fori_loop(0, DCH, dr, 0)

    plsc.subcore_barrier()

    @pl.when(w < DW)
    def _():
        def step(j, _):
            pltpu.sync_copy(ones_v, acc_sh.at[dst_v.at[j]], add=True)
            return 0

        lax.fori_loop(0, DCH, step, 0)

    plsc.subcore_barrier()
    pltpu.sync_copy(acc_sh.at[pl.ds(s * TILE_N, TILE_N)],
                    deg_hbm.at[c, pl.ds(s * TILE_N, TILE_N)])


def _edge_loop(table, ei, base, cnt, off, ring, rows_a, rows_b, acc_sh, si0,
               si1, si2, si3, sr0, sr1, after_prologue=None):
    rows = (rows_a, rows_b)
    sems_i = (si0, si1, si2, si3)
    sems_r = (sr0, sr1)

    def iload(j, sl):
        pltpu.async_copy(ei.at[:, pl.ds((base + j) * K, K)], ring.at[sl],
                         sems_i[sl])

    def iwait(j, sl):
        pltpu.make_async_copy(ei.at[:, pl.ds((base + j) * K, K)], ring.at[sl],
                              sems_i[sl]).wait()

    def fix(sl):
        if off is None:
            return

        def add(k, _):
            ring[sl, 0, pl.ds(k * 16, 16)] = (
                ring[sl, 0, pl.ds(k * 16, 16)] + off)
            return 0

        lax.fori_loop(0, K // 16, add, 0)

    def gstart(sl, rb):
        pltpu.async_copy(table.at[ring.at[sl, 0]], rows[rb], sems_r[rb])

    def gwait(sl, rb):
        pltpu.make_async_copy(table.at[ring.at[sl, 0]], rows[rb],
                              sems_r[rb]).wait()

    def scat(sl, rb):
        pltpu.sync_copy(rows[rb], acc_sh.at[ring.at[sl, 1]], add=True)

    iload(0, 0)
    iload(1, 1)
    iload(2, 2)
    iwait(0, 0)
    fix(0)
    gstart(0, 0)
    if after_prologue is not None:
        after_prologue()

    def body(ii, _):
        j = ii * 4
        @pl.when(j + 1 < cnt)
        def _():
            iwait(j + 1, 1)
            fix(1)
            gstart(1, 1)

        gwait(0, 0)
        scat(0, 0)

        @pl.when(j + 3 < cnt)
        def _():
            iload(j + 3, 3)

        @pl.when(j + 2 < cnt)
        def _():
            iwait(j + 2, 2)
            fix(2)
            gstart(2, 0)

        @pl.when(j + 1 < cnt)
        def _():
            gwait(1, 1)
            scat(1, 1)

        @pl.when(j + 4 < cnt)
        def _():
            iload(j + 4, 0)

        @pl.when(j + 3 < cnt)
        def _():
            iwait(j + 3, 3)
            fix(3)
            gstart(3, 1)

        @pl.when(j + 2 < cnt)
        def _():
            gwait(2, 0)
            scat(2, 0)

        @pl.when(j + 5 < cnt)
        def _():
            iload(j + 5, 1)

        @pl.when(j + 4 < cnt)
        def _():
            iwait(j + 4, 0)
            fix(0)
            gstart(0, 0)

        @pl.when(j + 3 < cnt)
        def _():
            gwait(3, 1)
            scat(3, 1)

        @pl.when(j + 6 < cnt)
        def _():
            iload(j + 6, 2)

        return 0

    lax.fori_loop(0, (cnt + 3) // 4, body, 0)


_SC_SCRATCH = [
    pltpu.VMEM((4, 2, K), jnp.int32),
    pltpu.VMEM((K, D), jnp.float32),
    pltpu.VMEM((K, D), jnp.float32),
    pltpu.VMEM_SHARED((N_PAD, D), jnp.float32),
    pltpu.SemaphoreType.DMA,
    pltpu.SemaphoreType.DMA,
    pltpu.SemaphoreType.DMA,
    pltpu.SemaphoreType.DMA,
    pltpu.SemaphoreType.DMA,
    pltpu.SemaphoreType.DMA,
    pltpu.SemaphoreType.DMA,
]


@functools.partial(
    pl.kernel,
    out_type=jax.ShapeDtypeStruct((XC, N_PAD, D), jnp.float32),
    mesh=_mesh,
    scratch_types=_SC_SCRATCH,
)
def _agg1(xflat_hbm, ei_hbm, out_hbm, ring, rows_a, rows_b, acc_sh, si0, si1,
          si2, si3, sr0, sr1, sin):
    c = lax.axis_index("c")
    s = lax.axis_index("s")
    init = pltpu.make_async_copy(
        xflat_hbm.at[pl.ds(c * N_PAD + s * TILE_N, TILE_N)],
        acc_sh.at[pl.ds(s * TILE_N, TILE_N)], sin)
    init.start()

    def after_prologue():
        init.wait()
        plsc.subcore_barrier()

    base, cnt = _share(NS, s)
    _edge_loop(xflat_hbm, ei_hbm, base, cnt, c * N_PAD, ring, rows_a, rows_b,
               acc_sh, si0, si1, si2, si3, sr0, sr1, after_prologue)
    plsc.subcore_barrier()
    pltpu.sync_copy(
        acc_sh.at[pl.ds(s * TILE_N, TILE_N)],
        out_hbm.at[c, pl.ds(s * TILE_N, TILE_N)],
    )


@functools.partial(
    pl.kernel,
    out_type=jax.ShapeDtypeStruct((NC, N_PAD, D), jnp.float32),
    mesh=_mesh,
    scratch_types=_SC_SCRATCH,
)
def _agg2(h2_hbm, ei_hbm, zeros_hbm, out_hbm, ring, rows_a, rows_b, acc_sh,
          si0, si1, si2, si3, sr0, sr1, sin):
    c = lax.axis_index("c")
    s = lax.axis_index("s")

    @pl.when(c == 0)
    def _():
        pltpu.async_copy(
            h2_hbm.at[pl.ds(s * TILE_N, TILE_N)],
            acc_sh.at[pl.ds(s * TILE_N, TILE_N)], sin)

    @pl.when(c == 1)
    def _():
        pltpu.async_copy(zeros_hbm, acc_sh.at[pl.ds(s * TILE_N, TILE_N)], sin)

    def after_prologue():
        pltpu.make_async_copy(
            zeros_hbm, acc_sh.at[pl.ds(s * TILE_N, TILE_N)], sin).wait()
        plsc.subcore_barrier()

    base, cnt = _share(NC * NS, c * NS + s)
    _edge_loop(h2_hbm, ei_hbm, base, cnt, None, ring, rows_a, rows_b, acc_sh,
               si0, si1, si2, si3, sr0, sr1, after_prologue)
    plsc.subcore_barrier()
    pltpu.sync_copy(
        acc_sh.at[pl.ds(s * TILE_N, TILE_N)],
        out_hbm.at[c, pl.ds(s * TILE_N, TILE_N)],
    )


def _tcx_body(x_ref, deg_ref, out_ref):
    d = jax.lax.rsqrt(deg_ref[...].astype(jnp.float32) + 1.0)
    xb = x_ref[...]
    for q in range(XC):
        out_ref[q] = xb[:, q * D:(q + 1) * D] * d


_tcx = pl.pallas_call(
    _tcx_body,
    grid=(N // R,),
    in_specs=[
        pl.BlockSpec((R, 256), lambda i: (i, 0)),
        pl.BlockSpec((R, D), lambda i: (i, 0)),
    ],
    out_specs=pl.BlockSpec((XC, R, D), lambda i: (0, i, 0)),
    out_shape=jax.ShapeDtypeStruct((XC, N_PAD, D), jnp.float32),
)


def _tcmid_body(v_ref, deg_ref, b1_ref, w1_ref, w2_ref, out_ref):
    d = jax.lax.rsqrt(deg_ref[...].astype(jnp.float32) + 1.0)
    bf = jnp.bfloat16
    h = jnp.dot(v_ref[0].astype(bf), w1_ref[0],
                preferred_element_type=jnp.float32)
    h = h + jnp.dot(v_ref[1].astype(bf), w1_ref[1],
                    preferred_element_type=jnp.float32)
    h1 = jnp.maximum(h * d[:, :1] + b1_ref[...], 0.0)
    out_ref[...] = jnp.dot(h1.astype(bf), w2_ref[...],
                           preferred_element_type=jnp.float32) * d


_tcmid = pl.pallas_call(
    _tcmid_body,
    grid=(N // R,),
    in_specs=[
        pl.BlockSpec((XC, R, D), lambda i: (0, i, 0)),
        pl.BlockSpec((R, D), lambda i: (i, 0)),
        pl.BlockSpec((512,), lambda i: (0,)),
        pl.BlockSpec((XC, D, 512), lambda i: (0, 0, 0)),
        pl.BlockSpec((512, D), lambda i: (0, 0)),
    ],
    out_specs=pl.BlockSpec((R, D), lambda i: (i, 0)),
    out_shape=jax.ShapeDtypeStruct((N_PAD, D), jnp.float32),
)


def _tc3_body(s2_ref, deg_ref, b2_ref, out_ref):
    d = jax.lax.rsqrt(deg_ref[...].astype(jnp.float32) + 1.0)
    pre = (s2_ref[0] + s2_ref[1]) * d + b2_ref[...]
    m = jnp.max(pre, axis=1, keepdims=True)
    z = pre - m
    lse = jnp.log(jnp.sum(jnp.exp(z), axis=1, keepdims=True))
    out_ref[...] = z - lse


_tc3 = pl.pallas_call(
    _tc3_body,
    grid=(N // R,),
    in_specs=[
        pl.BlockSpec((NC, R, D), lambda i: (0, i, 0)),
        pl.BlockSpec((R, D), lambda i: (i, 0)),
        pl.BlockSpec((D,), lambda i: (0,)),
    ],
    out_specs=pl.BlockSpec((R, D), lambda i: (i, 0)),
    out_shape=jax.ShapeDtypeStruct((N, D), jnp.float32),
)


@jax.jit
def kernel(x, edge_index, W1, b1, W2, b2):
    ei = edge_index.astype(jnp.int32)

    deg = _deg_hist(ei)
    deg_b = jnp.broadcast_to(
        (deg[0] + deg[1]).astype(jnp.bfloat16)[:, None], (N_PAD, D))

    xflat = _tcx(x, deg_b).reshape(XC * N_PAD, D)
    v = _agg1(xflat, ei)
    h2 = _tcmid(v, deg_b, b1,
                W1.reshape(XC, D, 512).astype(jnp.bfloat16),
                W2.astype(jnp.bfloat16))
    zeros2 = jnp.zeros((TILE_N, D), jnp.float32)
    s2 = _agg2(h2, ei, zeros2)
    return _tc3(s2, deg_b, b2)

# --- scband reference (transcript-rebuilt; emitter-appended) ---
"""Pipeline reference for scband-gnn-65927747993601 (READ-ONLY COPY).

The authoritative reference and input builder live on the scoring server;
editing this copy changes nothing except your own understanding.
"""

import jax, jax.numpy as jnp
import numpy as np

N_NODES = 10000

def gcn_conv(x, edge_index, W, b):
    n = x.shape[0]
    loop = jnp.arange(n, dtype=edge_index.dtype)
    src = jnp.concatenate([edge_index[0], loop])
    dst = jnp.concatenate([edge_index[1], loop])
    deg = jnp.zeros((n,), dtype=x.dtype).at[dst].add(1.0)
    dinv = jnp.where(deg > 0, 1.0 / jnp.sqrt(deg), 0.0)
    norm = dinv[src] * dinv[dst]
    h = x @ W
    msg = h[src] * norm[:, None]
    out = jnp.zeros((n, W.shape[1]), dtype=x.dtype).at[dst].add(msg)
    return out + b

def setup_inputs(seed: int = 0) -> dict:
    key = jax.random.key(seed)
    k1, k2, k3, k4, k5, k6 = jax.random.split(key, 6)
    x = jax.random.normal(k1, (N_NODES, 256), dtype=jnp.float32)
    edge_index = jax.random.randint(k2, (2, 160000), 0, N_NODES, dtype=jnp.int64)
    W1 = jax.random.normal(k3, (256, 512), dtype=jnp.float32) * (1.0 / np.sqrt(256))
    b1 = jnp.zeros((512,), dtype=jnp.float32)
    W2 = jax.random.normal(k4, (512, 128), dtype=jnp.float32) * (1.0 / np.sqrt(512))
    b2 = jnp.zeros((128,), dtype=jnp.float32)
    return {"x": x, "edge_index": edge_index, "W1": W1, "b1": b1, "W2": W2, "b2": b2}

def reference(x, edge_index, W1, b1, W2, b2):
    h = gcn_conv(x, edge_index, W1, b1)
    h = jax.nn.relu(h)
    out = gcn_conv(h, edge_index, W2, b2)
    return jax.nn.log_softmax(out, axis=1)

if __name__ == "__main__":
    import jax
    _d = setup_inputs()
    print(jax.jit(kernel)(*tuple(_d.values())))

</pallas_src>

<mosaic_0001>
#map = affine_map<(d0, d1) -> (0, 0)>
#map1 = affine_map<(d0, d1) -> (0, 0, 0)>
module attributes {stable_mosaic.version = 14 : i64} {
  func.func @_agg2(%arg0: i32, %arg1: i32, %arg2: memref<10240x128xf32, #tpu.memory_space<hbm>>, %arg3: memref<2x160000xi32, #tpu.memory_space<hbm>>, %arg4: memref<640x128xf32, #tpu.memory_space<hbm>>, %arg5: memref<2x10240x128xf32, #tpu.memory_space<hbm>>, %arg6: memref<4x2x128xi32, #tpu.memory_space<vmem>>, %arg7: memref<128x128xf32, #tpu.memory_space<vmem>>, %arg8: memref<128x128xf32, #tpu.memory_space<vmem>>, %arg9: memref<10240x128xf32, #tpu.memory_space<vmem_shared>>, %arg10: memref<!tpu.dma_semaphore, #tpu.memory_space<semaphore_mem>>, %arg11: memref<!tpu.dma_semaphore, #tpu.memory_space<semaphore_mem>>, %arg12: memref<!tpu.dma_semaphore, #tpu.memory_space<semaphore_mem>>, %arg13: memref<!tpu.dma_semaphore, #tpu.memory_space<semaphore_mem>>, %arg14: memref<!tpu.dma_semaphore, #tpu.memory_space<semaphore_mem>>, %arg15: memref<!tpu.dma_semaphore, #tpu.memory_space<semaphore_mem>>, %arg16: memref<!tpu.dma_semaphore, #tpu.memory_space<semaphore_mem>>) attributes {dimension_semantics = [#tpu.dimension_semantics<core_parallel>, #tpu.dimension_semantics<subcore_parallel>], iteration_bounds = array<i64: 2, 16>, scalar_prefetch = 0 : i64, scratch_operands = 11 : i64, tpu.core_type = #tpu.core_type<sc_vector_subcore>, window_params = [{transform_indices = #map}, {transform_indices = #map}, {transform_indices = #map}, {transform_indices = #map1}]} {
    %eq3A = arith.constant 0 : i32
    %eq3A_0 = arith.cmpi eq, %arg0, %eq3A : i32
    %convert_element_type3A = arith.extui %eq3A_0 : i1 to i32
    %cond3A = arith.constant 0 : i32
    %cond3A_1 = arith.cmpi ne, %convert_element_type3A, %cond3A : i32
    scf.if %cond3A_1 {
      %mul3A_128 = arith.constant 640 : i32
      %mul3A_129 = arith.muli %arg1, %mul3A_128 : i32
      %mul3A_130 = arith.constant 640 : i32
      %mul3A_131 = arith.muli %arg1, %mul3A_130 : i32
      %dma_start3A_132 = arith.constant 0 : i32
      %dma_start3A_133 = tpu.memref_slice %arg9[%mul3A_131, %dma_start3A_132] : memref<10240x128xf32, #tpu.memory_space<vmem_shared>> -> memref<640x128xf32, #tpu.memory_space<vmem_shared>>
      %dma_start3A_134 = arith.constant 0 : i32
      %dma_start3A_135 = tpu.memref_slice %arg2[%mul3A_129, %dma_start3A_134] : memref<10240x128xf32, #tpu.memory_space<hbm>> -> memref<640x128xf32, #tpu.memory_space<hbm>>
      tpu.enqueue_dma source(%dma_start3A_135 : memref<640x128xf32, #tpu.memory_space<hbm>>) target(%dma_start3A_133 : memref<640x128xf32, #tpu.memory_space<vmem_shared>>) target_semaphore(%arg16 : memref<!tpu.dma_semaphore, #tpu.memory_space<semaphore_mem>>)
    } else {
    }
    %eq3A_2 = arith.constant 1 : i32
    %eq3A_3 = arith.cmpi eq, %arg0, %eq3A_2 : i32
    %convert_element_type3A_4 = arith.extui %eq3A_3 : i1 to i32
    %cond3A_5 = arith.constant 0 : i32
    %cond3A_6 = arith.cmpi ne, %convert_element_type3A_4, %cond3A_5 : i32
    scf.if %cond3A_6 {
      %mul3A_128 = arith.constant 640 : i32
      %mul3A_129 = arith.muli %arg1, %mul3A_128 : i32
      %dma_start3A_130 = arith.constant 0 : i32
      %dma_start3A_131 = tpu.memref_slice %arg9[%mul3A_129, %dma_start3A_130] : memref<10240x128xf32, #tpu.memory_space<vmem_shared>> -> memref<640x128xf32, #tpu.memory_space<vmem_shared>>
      tpu.enqueue_dma source(%arg4 : memref<640x128xf32, #tpu.memory_space<hbm>>) target(%dma_start3A_131 : memref<640x128xf32, #tpu.memory_space<vmem_shared>>) target_semaphore(%arg16 : memref<!tpu.dma_semaphore, #tpu.memory_space<semaphore_mem>>)
    } else {
    }
    %mul3A = arith.constant 16 : i32
    %mul3A_7 = arith.muli %arg0, %mul3A : i32
    %add3A = arith.addi %mul3A_7, %arg1 : i32
    %mul3A_8 = arith.constant 39 : i32
    %mul3A_9 = arith.muli %add3A, %mul3A_8 : i32
    %min3A = arith.constant 2 : i32
    %min3A_10 = arith.minsi %add3A, %min3A : i32
    %add3A_11 = arith.addi %mul3A_9, %min3A_10 : i32
    %lt3A = arith.constant 2 : i32
    %lt3A_12 = arith.cmpi slt, %add3A, %lt3A : i32
    %convert_element_type3A_13 = arith.extui %lt3A_12 : i1 to i32
    %add3A_14 = arith.constant 39 : i32
    %add3A_15 = arith.addi %add3A_14, %convert_element_type3A_13 : i32
    %add3A_16 = arith.constant 0 : i32
    %add3A_17 = arith.addi %add3A_11, %add3A_16 : i32
    %mul3A_18 = arith.constant 128 : i32
    %mul3A_19 = arith.muli %add3A_17, %mul3A_18 : i32
    %dma_start3A = arith.constant 0 : i32
    %dma_start3A_20 = arith.constant 0 : i32
    %dma_start3A_21 = arith.constant 0 : i32
    %dma_start3A_22 = tpu.memref_slice %arg6[%dma_start3A, %dma_start3A_20, %dma_start3A_21] : memref<4x2x128xi32, #tpu.memory_space<vmem>> -> memref<1x2x128xi32, #tpu.memory_space<vmem>>
    %dma_start3A_23 = tpu.memref_squeeze %dma_start3A_22 : memref<1x2x128xi32, #tpu.memory_space<vmem>> -> memref<2x128xi32, #tpu.memory_space<vmem>>
    %dma_start3A_24 = arith.constant 0 : i32
    %dma_start3A_25 = tpu.memref_slice %arg3[%dma_start3A_24, %mul3A_19] : memref<2x160000xi32, #tpu.memory_space<hbm>> -> memref<2x128xi32, #tpu.memory_space<hbm>>
    %dma_start3A_26 = arith.constant 0 : i32
    %dma_start3A_27 = arith.constant 0 : i32
    %dma_start3A_28 = tpu.memref_slice %arg6[%dma_start3A, %dma_start3A_26, %dma_start3A_27] : memref<4x2x128xi32, #tpu.memory_space<vmem>> -> memref<1x2x128xi32, #tpu.memory_space<vmem>>
    %dma_start3A_29 = tpu.memref_squeeze %dma_start3A_28 : memref<1x2x128xi32, #tpu.memory_space<vmem>> -> memref<2x128xi32, #tpu.memory_space<vmem>>
    %dma_start3A_30 = arith.constant 0 : i32
    %dma_start3A_31 = tpu.memref_slice %arg3[%dma_start3A_30, %mul3A_19] : memref<2x160000xi32, #tpu.memory_space<hbm>> -> memref<2x128xi32, #tpu.memory_space<hbm>>
    tpu.enqueue_dma source(%dma_start3A_31 : memref<2x128xi32, #tpu.memory_space<hbm>>) target(%dma_start3A_29 : memref<2x128xi32, #tpu.memory_space<vmem>>) target_semaphore(%arg10 : memref<!tpu.dma_semaphore, #tpu.memory_space<semaphore_mem>>)
    %add3A_32 = arith.constant 1 : i32
    %add3A_33 = arith.addi %add3A_11, %add3A_32 : i32
    %mul3A_34 = arith.constant 128 : i32
    %mul3A_35 = arith.muli %add3A_33, %mul3A_34 : i32
    %dma_start3A_36 = arith.constant 1 : i32
    %dma_start3A_37 = arith.constant 0 : i32
    %dma_start3A_38 = arith.constant 0 : i32
    %dma_start3A_39 = tpu.memref_slice %arg6[%dma_start3A_36, %dma_start3A_37, %dma_start3A_38] : memref<4x2x128xi32, #tpu.memory_space<vmem>> -> memref<1x2x128xi32, #tpu.memory_space<vmem>>
    %dma_start3A_40 = tpu.memref_squeeze %dma_start3A_39 : memref<1x2x128xi32, #tpu.memory_space<vmem>> -> memref<2x128xi32, #tpu.memory_space<vmem>>
    %dma_start3A_41 = arith.constant 0 : i32
    %dma_start3A_42 = tpu.memref_slice %arg3[%dma_start3A_41, %mul3A_35] : memref<2x160000xi32, #tpu.memory_space<hbm>> -> memref<2x128xi32, #tpu.memory_space<hbm>>
    %dma_start3A_43 = arith.constant 0 : i32
    %dma_start3A_44 = arith.constant 0 : i32
    %dma_start3A_45 = tpu.memref_slice %arg6[%dma_start3A_36, %dma_start3A_43, %dma_start3A_44] : memref<4x2x128xi32, #tpu.memory_space<vmem>> -> memref<1x2x128xi32, #tpu.memory_space<vmem>>
    %dma_start3A_46 = tpu.memref_squeeze %dma_start3A_45 : memref<1x2x128xi32, #tpu.memory_space<vmem>> -> memref<2x128xi32, #tpu.memory_space<vmem>>
    %dma_start3A_47 = arith.constant 0 : i32
    %dma_start3A_48 = tpu.memref_slice %arg3[%dma_start3A_47, %mul3A_35] : memref<2x160000xi32, #tpu.memory_space<hbm>> -> memref<2x128xi32, #tpu.memory_space<hbm>>
    tpu.enqueue_dma source(%dma_start3A_48 : memref<2x128xi32, #tpu.memory_space<hbm>>) target(%dma_start3A_46 : memref<2x128xi32, #tpu.memory_space<vmem>>) target_semaphore(%arg11 : memref<!tpu.dma_semaphore, #tpu.memory_space<semaphore_mem>>)
    %add3A_49 = arith.constant 2 : i32
    %add3A_50 = arith.addi %add3A_11, %add3A_49 : i32
    %mul3A_51 = arith.constant 128 : i32
    %mul3A_52 = arith.muli %add3A_50, %mul3A_51 : i32
    %dma_start3A_53 = arith.constant 2 : i32
    %dma_start3A_54 = arith.constant 0 : i32
    %dma_start3A_55 = arith.constant 0 : i32
    %dma_start3A_56 = tpu.memref_slice %arg6[%dma_start3A_53, %dma_start3A_54, %dma_start3A_55] : memref<4x2x128xi32, #tpu.memory_space<vmem>> -> memref<1x2x128xi32, #tpu.memory_space<vmem>>
    %dma_start3A_57 = tpu.memref_squeeze %dma_start3A_56 : memref<1x2x128xi32, #tpu.memory_space<vmem>> -> memref<2x128xi32, #tpu.memory_space<vmem>>
    %dma_start3A_58 = arith.constant 0 : i32
    %dma_start3A_59 = tpu.memref_slice %arg3[%dma_start3A_58, %mul3A_52] : memref<2x160000xi32, #tpu.memory_space<hbm>> -> memref<2x128xi32, #tpu.memory_space<hbm>>
    %dma_start3A_60 = arith.constant 0 : i32
    %dma_start3A_61 = arith.constant 0 : i32
    %dma_start3A_62 = tpu.memref_slice %arg6[%dma_start3A_53, %dma_start3A_60, %dma_start3A_61] : memref<4x2x128xi32, #tpu.memory_space<vmem>> -> memref<1x2x128xi32, #tpu.memory_space<vmem>>
    %dma_start3A_63 = tpu.memref_squeeze %dma_start3A_62 : memref<1x2x128xi32, #tpu.memory_space<vmem>> -> memref<2x128xi32, #tpu.memory_space<vmem>>
    %dma_start3A_64 = arith.constant 0 : i32
    %dma_start3A_65 = tpu.memref_slice %arg3[%dma_start3A_64, %mul3A_52] : memref<2x160000xi32, #tpu.memory_space<hbm>> -> memref<2x128xi32, #tpu.memory_space<hbm>>
    tpu.enqueue_dma source(%dma_start3A_65 : memref<2x128xi32, #tpu.memory_space<hbm>>) target(%dma_start3A_63 : memref<2x128xi32, #tpu.memory_space<vmem>>) target_semaphore(%arg12 : memref<!tpu.dma_semaphore, #tpu.memory_space<semaphore_mem>>)
    %add3A_66 = arith.constant 0 : i32
    %add3A_67 = arith.addi %add3A_11, %add3A_66 : i32
    %mul3A_68 = arith.constant 128 : i32
    %mul3A_69 = arith.muli %add3A_67, %mul3A_68 : i32
    %dma_wait3A = arith.constant 0 : i32
    %dma_wait3A_70 = arith.constant 0 : i32
    %dma_wait3A_71 = arith.constant 0 : i32
    %dma_wait3A_72 = tpu.memref_slice %arg6[%dma_wait3A, %dma_wait3A_70, %dma_wait3A_71] : memref<4x2x128xi32, #tpu.memory_space<vmem>> -> memref<1x2x128xi32, #tpu.memory_space<vmem>>
    %dma_wait3A_73 = tpu.memref_squeeze %dma_wait3A_72 : memref<1x2x128xi32, #tpu.memory_space<vmem>> -> memref<2x128xi32, #tpu.memory_space<vmem>>
    %dma_wait3A_74 = arith.constant 0 : i32
    %dma_wait3A_75 = tpu.memref_slice %arg3[%dma_wait3A_74, %mul3A_69] : memref<2x160000xi32, #tpu.memory_space<hbm>> -> memref<2x128xi32, #tpu.memory_space<hbm>>
    %dma_wait3A_76 = arith.constant 0 : i32
    %dma_wait3A_77 = arith.constant 0 : i32
    %dma_wait3A_78 = tpu.memref_slice %arg6[%dma_wait3A, %dma_wait3A_76, %dma_wait3A_77] : memref<4x2x128xi32, #tpu.memory_space<vmem>> -> memref<1x2x128xi32, #tpu.memory_space<vmem>>
    %dma_wait3A_79 = tpu.memref_squeeze %dma_wait3A_78 : memref<1x2x128xi32, #tpu.memory_space<vmem>> -> memref<2x128xi32, #tpu.memory_space<vmem>>
    %dma_wait3A_80 = arith.constant 0 : i32
    %dma_wait3A_81 = tpu.memref_slice %arg3[%dma_wait3A_80, %mul3A_69] : memref<2x160000xi32, #tpu.memory_space<hbm>> -> memref<2x128xi32, #tpu.memory_space<hbm>>
    tpu.wait_dma2 semaphore(%arg10 : memref<!tpu.dma_semaphore, #tpu.memory_space<semaphore_mem>>) src(%dma_wait3A_81 : memref<2x128xi32, #tpu.memory_space<hbm>>) dst(%dma_wait3A_79 : memref<2x128xi32, #tpu.memory_space<vmem>>)
    %dma_start3A_82 = arith.constant 0 : i32
    %dma_start3A_83 = arith.constant 0 : i32
    %dma_start3A_84 = arith.constant 0 : i32
    %dma_start3A_85 = tpu.memref_slice %arg6[%dma_start3A_82, %dma_start3A_83, %dma_start3A_84] : memref<4x2x128xi32, #tpu.memory_space<vmem>> -> memref<1x1x128xi32, #tpu.memory_space<vmem>>
    %dma_start3A_86 = tpu.memref_squeeze %dma_start3A_85 : memref<1x1x128xi32, #tpu.memory_space<vmem>> -> memref<128xi32, #tpu.memory_space<vmem>>
    %dma_start3A_87 = arith.constant 0 : i32
    %dma_start3A_88 = arith.constant 0 : i32
    %dma_start3A_89 = tpu.memref_slice %arg2[%dma_start3A_87, %dma_start3A_88] : memref<10240x128xf32, #tpu.memory_space<hbm>> -> memref<10240x128xf32, #tpu.memory_space<hbm>>
    tpu.enqueue_indirect_dma source(%dma_start3A_89 : memref<10240x128xf32, #tpu.memory_space<hbm>>) target(%arg7 : memref<128x128xf32, #tpu.memory_space<vmem>>) offsets(%dma_start3A_86 : memref<128xi32, #tpu.memory_space<vmem>>) semaphore(%arg14 : memref<!tpu.dma_semaphore, #tpu.memory_space<semaphore_mem>>)
    %mul3A_90 = arith.constant 640 : i32
    %mul3A_91 = arith.muli %arg1, %mul3A_90 : i32
    %dma_wait3A_92 = arith.constant 0 : i32
    %dma_wait3A_93 = tpu.memref_slice %arg9[%mul3A_91, %dma_wait3A_92] : memref<10240x128xf32, #tpu.memory_space<vmem_shared>> -> memref<640x128xf32, #tpu.memory_space<vmem_shared>>
    tpu.wait_dma2 semaphore(%arg16 : memref<!tpu.dma_semaphore, #tpu.memory_space<semaphore_mem>>) src(%arg4 : memref<640x128xf32, #tpu.memory_space<hbm>>) dst(%dma_wait3A_93 : memref<640x128xf32, #tpu.memory_space<vmem_shared>>)
    %barrier3A = arith.constant 0 : index
    tpu.barrier barrier_id(%barrier3A)
    %add3A_94 = arith.constant 3 : i32
    %add3A_95 = arith.addi %add3A_15, %add3A_94 : i32
    %jit3A = arith.constant 4 : i32
    %div3A = arith.divsi %add3A_95, %jit3A : i32
    %sign3A = arith.constant 0 : i32
    %sign3A_96 = arith.cmpi sgt, %add3A_95, %sign3A : i32
    %sign3A_97 = arith.extui %sign3A_96 : i1 to i32
    %sign3A_98 = arith.constant 0 : i32
    %sign3A_99 = arith.cmpi slt, %add3A_95, %sign3A_98 : i32
    %sign3A_100 = arith.extui %sign3A_99 : i1 to i32
    %sign3A_101 = arith.subi %sign3A_97, %sign3A_100 : i32
    %sign3A_102 = arith.constant 0 : i32
    %sign3A_103 = arith.cmpi sgt, %jit3A, %sign3A_102 : i32
    %sign3A_104 = arith.extui %sign3A_103 : i1 to i32
    %sign3A_105 = arith.constant 0 : i32
    %sign3A_106 = arith.cmpi slt, %jit3A, %sign3A_105 : i32
    %sign3A_107 = arith.extui %sign3A_106 : i1 to i32
    %sign3A_108 = arith.subi %sign3A_104, %sign3A_107 : i32
    %ne3A = arith.cmpi ne, %sign3A_101, %sign3A_108 : i32
    %rem3A = arith.remsi %add3A_95, %jit3A : i32
    %ne3A_109 = arith.constant 0 : i32
    %ne3A_110 = arith.cmpi ne, %rem3A, %ne3A_109 : i32
    %and3A = arith.andi %ne3A, %ne3A_110 : i1
    %sub3A = arith.constant 1 : i32
    %sub3A_111 = arith.subi %div3A, %sub3A : i32
    %select_n3A = arith.select %and3A, %sub3A_111, %div3A : i32
    %while3A = arith.constant 0 : i32
    %while3A_112 = arith.constant 0 : i32
    %while3A_113 = arith.subi %select_n3A, %while3A : i32
    %while3A_114 = arith.addi %while3A, %while3A_113 : i32
    %while3A_115 = arith.constant 1 : i32
    %while3A_116 = arith.divsi %while3A_113, %while3A_115 : i32
    %while3A_117 = arith.muli %while3A_116, %while3A_115 : i32
    %while3A_118 = arith.addi %while3A, %while3A_117 : i32
    %while3A_119 = arith.constant 1 : i32
    %while3A_120 = scf.for %while3A_128 = %while3A to %while3A_118 step %while3A_119 iter_args(%while3A_129 = %while3A_112) -> (i32)  : i32 {
      %mul3A_130 = arith.constant 4 : i32
      %mul3A_131 = arith.muli %while3A_128, %mul3A_130 : i32
      %add3A_132 = arith.constant 1 : i32
      %add3A_133 = arith.addi %mul3A_131, %add3A_132 : i32
      %lt3A_134 = arith.cmpi slt, %add3A_133, %add3A_15 : i32
      %convert_element_type3A_135 = arith.extui %lt3A_134 : i1 to i32
      %cond3A_136 = arith.constant 0 : i32
      %cond3A_137 = arith.cmpi ne, %convert_element_type3A_135, %cond3A_136 : i32
      scf.if %cond3A_137 {
        %add3A_208 = arith.constant 1 : i32
        %add3A_209 = arith.addi %mul3A_131, %add3A_208 : i32
        %add3A_210 = arith.addi %add3A_11, %add3A_209 : i32
        %mul3A_211 = arith.constant 128 : i32
        %mul3A_212 = arith.muli %add3A_210, %mul3A_211 : i32
        %dma_wait3A_213 = arith.constant 1 : i32
        %dma_wait3A_214 = arith.constant 0 : i32
        %dma_wait3A_215 = arith.constant 0 : i32
        %dma_wait3A_216 = tpu.memref_slice %arg6[%dma_wait3A_213, %dma_wait3A_214, %dma_wait3A_215] : memref<4x2x128xi32, #tpu.memory_space<vmem>> -> memref<1x2x128xi32, #tpu.memory_space<vmem>>
        %dma_wait3A_217 = tpu.memref_squeeze %dma_wait3A_216 : memref<1x2x128xi32, #tpu.memory_space<vmem>> -> memref<2x128xi32, #tpu.memory_space<vmem>>
        %dma_wait3A_218 = arith.constant 0 : i32
        %dma_wait3A_219 = tpu.memref_slice %arg3[%dma_wait3A_218, %mul3A_212] : memref<2x160000xi32, #tpu.memory_space<hbm>> -> memref<2x128xi32, #tpu.memory_space<hbm>>
        %dma_wait3A_220 = arith.constant 0 : i32
        %dma_wait3A_221 = arith.constant 0 : i32
        %dma_wait3A_222 = tpu.memref_slice %arg6[%dma_wait3A_213, %dma_wait3A_220, %dma_wait3A_221] : memref<4x2x128xi32, #tpu.memory_space<vmem>> -> memref<1x2x128xi32, #tpu.memory_space<vmem>>
        %dma_wait3A_223 = tpu.memref_squeeze %dma_wait3A_222 : memref<1x2x128xi32, #tpu.memory_space<vmem>> -> memref<2x128xi32, #tpu.memory_space<vmem>>
        %dma_wait3A_224 = arith.constant 0 : i32
        %dma_wait3A_225 = tpu.memref_slice %arg3[%dma_wait3A_224, %mul3A_212] : memref<2x160000xi32, #tpu.memory_space<hbm>> -> memref<2x128xi32, #tpu.memory_space<hbm>>
        tpu.wait_dma2 semaphore(%arg11 : memref<!tpu.dma_semaphore, #tpu.memory_space<semaphore_mem>>) src(%dma_wait3A_225 : memref<2x128xi32, #tpu.memory_space<hbm>>) dst(%dma_wait3A_223 : memref<2x128xi32, #tpu.memory_space<vmem>>)
        %dma_start3A_226 = arith.constant 1 : i32
        %dma_start3A_227 = arith.constant 0 : i32
        %dma_start3A_228 = arith.constant 0 : i32
        %dma_start3A_229 = tpu.memref_slice %arg6[%dma_start3A_226, %dma_start3A_227, %dma_start3A_228] : memref<4x2x128xi32, #tpu.memory_space<vmem>> -> memref<1x1x128xi32, #tpu.memory_space<vmem>>
        %dma_start3A_230 = tpu.memref_squeeze %dma_start3A_229 : memref<1x1x128xi32, #tpu.memory_space<vmem>> -> memref<128xi32, #tpu.memory_space<vmem>>
        %dma_start3A_231 = arith.constant 0 : i32
        %dma_start3A_232 = arith.constant 0 : i32
        %dma_start3A_233 = tpu.memref_slice %arg2[%dma_start3A_231, %dma_start3A_232] : memref<10240x128xf32, #tpu.memory_space<hbm>> -> memref<10240x128xf32, #tpu.memory_space<hbm>>
        tpu.enqueue_indirect_dma source(%dma_start3A_233 : memref<10240x128xf32, #tpu.memory_space<hbm>>) target(%arg8 : memref<128x128xf32, #tpu.memory_space<vmem>>) offsets(%dma_start3A_230 : memref<128xi32, #tpu.memory_space<vmem>>) semaphore(%arg15 : memref<!tpu.dma_semaphore, #tpu.memory_space<semaphore_mem>>)
      } else {
      }
      %dma_wait3A_138 = arith.constant 0 : i32
      %dma_wait3A_139 = arith.constant 0 : i32
      %dma_wait3A_140 = arith.constant 0 : i32
      %dma_wait3A_141 = tpu.memref_slice %arg6[%dma_wait3A_138, %dma_wait3A_139, %dma_wait3A_140] : memref<4x2x128xi32, #tpu.memory_space<vmem>> -> memref<1x1x128xi32, #tpu.memory_space<vmem>>
      %dma_wait3A_142 = tpu.memref_squeeze %dma_wait3A_141 : memref<1x1x128xi32, #tpu.memory_space<vmem>> -> memref<128xi32, #tpu.memory_space<vmem>>
      %dma_wait3A_143 = arith.constant 0 : i32
      %dma_wait3A_144 = arith.constant 0 : i32
      %dma_wait3A_145 = tpu.memref_slice %arg2[%dma_wait3A_143, %dma_wait3A_144] : memref<10240x128xf32, #tpu.memory_space<hbm>> -> memref<10240x128xf32, #tpu.memory_space<hbm>>
      tpu.wait_indirect_dma semaphore(%arg14 : memref<!tpu.dma_semaphore, #tpu.memory_space<semaphore_mem>>) src(%dma_wait3A_145 : memref<10240x128xf32, #tpu.memory_space<hbm>>) dst(%arg7 : memref<128x128xf32, #tpu.memory_space<vmem>>)
      %run_scoped3A = arith.constant 0 : i32
      %run_scoped3A_146 = arith.constant 1 : i32
      "tpu.region"() ({
        %run_scoped3A_208 = tpu.sem_alloc : memref<!tpu.dma_semaphore, #tpu.memory_space<semaphore_mem>>
        %dma_start3A_209 = arith.constant 0 : i32
        %dma_start3A_210 = tpu.memref_slice %arg6[%run_scoped3A, %run_scoped3A_146, %dma_start3A_209] : memref<4x2x128xi32, #tpu.memory_space<vmem>> -> memref<1x1x128xi32, #tpu.memory_space<vmem>>
        %dma_start3A_211 = tpu.memref_squeeze %dma_start3A_210 : memref<1x1x128xi32, #tpu.memory_space<vmem>> -> memref<128xi32, #tpu.memory_space<vmem>>
        %dma_start3A_212 = arith.constant 0 : i32
        %dma_start3A_213 = arith.constant 0 : i32
        %dma_start3A_214 = tpu.memref_slice %arg9[%dma_start3A_212, %dma_start3A_213] : memref<10240x128xf32, #tpu.memory_space<vmem_shared>> -> memref<10240x128xf32, #tpu.memory_space<vmem_shared>>
        tpu.enqueue_indirect_dma source(%arg7 : memref<128x128xf32, #tpu.memory_space<vmem>>) target(%dma_start3A_214 : memref<10240x128xf32, #tpu.memory_space<vmem_shared>>) offsets(%dma_start3A_211 : memref<128xi32, #tpu.memory_space<vmem>>) semaphore(%run_scoped3A_208 : memref<!tpu.dma_semaphore, #tpu.memory_space<semaphore_mem>>) {add = true}
        %dma_wait3A_215 = arith.constant 0 : i32
        %dma_wait3A_216 = tpu.memref_slice %arg6[%run_scoped3A, %run_scoped3A_146, %dma_wait3A_215] : memref<4x2x128xi32, #tpu.memory_space<vmem>> -> memref<1x1x128xi32, #tpu.memory_space<vmem>>
        %dma_wait3A_217 = tpu.memref_squeeze %dma_wait3A_216 : memref<1x1x128xi32, #tpu.memory_space<vmem>> -> memref<128xi32, #tpu.memory_space<vmem>>
        %dma_wait3A_218 = arith.constant 0 : i32
        %dma_wait3A_219 = arith.constant 0 : i32
        %dma_wait3A_220 = tpu.memref_slice %arg9[%dma_wait3A_218, %dma_wait3A_219] : memref<10240x128xf32, #tpu.memory_space<vmem_shared>> -> memref<10240x128xf32, #tpu.memory_space<vmem_shared>>
        tpu.wait_indirect_dma semaphore(%run_scoped3A_208 : memref<!tpu.dma_semaphore, #tpu.memory_space<semaphore_mem>>) src(%arg7 : memref<128x128xf32, #tpu.memory_space<vmem>>) dst(%dma_wait3A_220 : memref<10240x128xf32, #tpu.memory_space<vmem_shared>>)
        tpu.yield
      }) : () -> ()
      %add3A_147 = arith.constant 3 : i32
      %add3A_148 = arith.addi %mul3A_131, %add3A_147 : i32
      %lt3A_149 = arith.cmpi slt, %add3A_148, %add3A_15 : i32
      %convert_element_type3A_150 = arith.extui %lt3A_149 : i1 to i32
      %cond3A_151 = arith.constant 0 : i32
      %cond3A_152 = arith.cmpi ne, %convert_element_type3A_150, %cond3A_151 : i32
      scf.if %cond3A_152 {
        %add3A_208 = arith.constant 3 : i32
        %add3A_209 = arith.addi %mul3A_131, %add3A_208 : i32
        %add3A_210 = arith.addi %add3A_11, %add3A_209 : i32
        %mul3A_211 = arith.constant 128 : i32
        %mul3A_212 = arith.muli %add3A_210, %mul3A_211 : i32
        %dma_start3A_213 = arith.constant 3 : i32
        %dma_start3A_214 = arith.constant 0 : i32
        %dma_start3A_215 = arith.constant 0 : i32
        %dma_start3A_216 = tpu.memref_slice %arg6[%dma_start3A_213, %dma_start3A_214, %dma_start3A_215] : memref<4x2x128xi32, #tpu.memory_space<vmem>> -> memref<1x2x128xi32, #tpu.memory_space<vmem>>
        %dma_start3A_217 = tpu.memref_squeeze %dma_start3A_216 : memref<1x2x128xi32, #tpu.memory_space<vmem>> -> memref<2x128xi32, #tpu.memory_space<vmem>>
        %dma_start3A_218 = arith.constant 0 : i32
        %dma_start3A_219 = tpu.memref_slice %arg3[%dma_start3A_218, %mul3A_212] : memref<2x160000xi32, #tpu.memory_space<hbm>> -> memref<2x128xi32, #tpu.memory_space<hbm>>
        %dma_start3A_220 = arith.constant 0 : i32
        %dma_start3A_221 = arith.constant 0 : i32
        %dma_start3A_222 = tpu.memref_slice %arg6[%dma_start3A_213, %dma_start3A_220, %dma_start3A_221] : memref<4x2x128xi32, #tpu.memory_space<vmem>> -> memref<1x2x128xi32, #tpu.memory_space<vmem>>
        %dma_start3A_223 = tpu.memref_squeeze %dma_start3A_222 : memref<1x2x128xi32, #tpu.memory_space<vmem>> -> memref<2x128xi32, #tpu.memory_space<vmem>>
        %dma_start3A_224 = arith.constant 0 : i32
        %dma_start3A_225 = tpu.memref_slice %arg3[%dma_start3A_224, %mul3A_212] : memref<2x160000xi32, #tpu.memory_space<hbm>> -> memref<2x128xi32, #tpu.memory_space<hbm>>
        tpu.enqueue_dma source(%dma_start3A_225 : memref<2x128xi32, #tpu.memory_space<hbm>>) target(%dma_start3A_223 : memref<2x128xi32, #tpu.memory_space<vmem>>) target_semaphore(%arg13 : memref<!tpu.dma_semaphore, #tpu.memory_space<semaphore_mem>>)
      } else {
      }
      %add3A_153 = arith.constant 2 : i32
      %add3A_154 = arith.addi %mul3A_131, %add3A_153 : i32
      %lt3A_155 = arith.cmpi slt, %add3A_154, %add3A_15 : i32
      %convert_element_type3A_156 = arith.extui %lt3A_155 : i1 to i32
      %cond3A_157 = arith.constant 0 : i32
      %cond3A_158 = arith.cmpi ne, %convert_element_type3A_156, %cond3A_157 : i32
      scf.if %cond3A_158 {
        %add3A_208 = arith.constant 2 : i32
        %add3A_209 = arith.addi %mul3A_131, %add3A_208 : i32
        %add3A_210 = arith.addi %add3A_11, %add3A_209 : i32
        %mul3A_211 = arith.constant 128 : i32
        %mul3A_212 = arith.muli %add3A_210, %mul3A_211 : i32
        %dma_wait3A_213 = arith.constant 2 : i32
        %dma_wait3A_214 = arith.constant 0 : i32
        %dma_wait3A_215 = arith.constant 0 : i32
        %dma_wait3A_216 = tpu.memref_slice %arg6[%dma_wait3A_213, %dma_wait3A_214, %dma_wait3A_215] : memref<4x2x128xi32, #tpu.memory_space<vmem>> -> memref<1x2x128xi32, #tpu.memory_space<vmem>>
        %dma_wait3A_217 = tpu.memref_squeeze %dma_wait3A_216 : memref<1x2x128xi32, #tpu.memory_space<vmem>> -> memref<2x128xi32, #tpu.memory_space<vmem>>
        %dma_wait3A_218 = arith.constant 0 : i32
        %dma_wait3A_219 = tpu.memref_slice %arg3[%dma_wait3A_218, %mul3A_212] : memref<2x160000xi32, #tpu.memory_space<hbm>> -> memref<2x128xi32, #tpu.memory_space<hbm>>
        %dma_wait3A_220 = arith.constant 0 : i32
        %dma_wait3A_221 = arith.constant 0 : i32
        %dma_wait3A_222 = tpu.memref_slice %arg6[%dma_wait3A_213, %dma_wait3A_220, %dma_wait3A_221] : memref<4x2x128xi32, #tpu.memory_space<vmem>> -> memref<1x2x128xi32, #tpu.memory_space<vmem>>
        %dma_wait3A_223 = tpu.memref_squeeze %dma_wait3A_222 : memref<1x2x128xi32, #tpu.memory_space<vmem>> -> memref<2x128xi32, #tpu.memory_space<vmem>>
        %dma_wait3A_224 = arith.constant 0 : i32
        %dma_wait3A_225 = tpu.memref_slice %arg3[%dma_wait3A_224, %mul3A_212] : memref<2x160000xi32, #tpu.memory_space<hbm>> -> memref<2x128xi32, #tpu.memory_space<hbm>>
        tpu.wait_dma2 semaphore(%arg12 : memref<!tpu.dma_semaphore, #tpu.memory_space<semaphore_mem>>) src(%dma_wait3A_225 : memref<2x128xi32, #tpu.memory_space<hbm>>) dst(%dma_wait3A_223 : memref<2x128xi32, #tpu.memory_space<vmem>>)
        %dma_start3A_226 = arith.constant 2 : i32
        %dma_start3A_227 = arith.constant 0 : i32
        %dma_start3A_228 = arith.constant 0 : i32
        %dma_start3A_229 = tpu.memref_slice %arg6[%dma_start3A_226, %dma_start3A_227, %dma_start3A_228] : memref<4x2x128xi32, #tpu.memory_space<vmem>> -> memref<1x1x128xi32, #tpu.memory_space<vmem>>
        %dma_start3A_230 = tpu.memref_squeeze %dma_start3A_229 : memref<1x1x128xi32, #tpu.memory_space<vmem>> -> memref<128xi32, #tpu.memory_space<vmem>>
        %dma_start3A_231 = arith.constant 0 : i32
        %dma_start3A_232 = arith.constant 0 : i32
        %dma_start3A_233 = tpu.memref_slice %arg2[%dma_start3A_231, %dma_start3A_232] : memref<10240x128xf32, #tpu.memory_space<hbm>> -> memref<10240x128xf32, #tpu.memory_space<hbm>>
        tpu.enqueue_indirect_dma source(%dma_start3A_233 : memref<10240x128xf32, #tpu.memory_space<hbm>>) target(%arg7 : memref<128x128xf32, #tpu.memory_space<vmem>>) offsets(%dma_start3A_230 : memref<128xi32, #tpu.memory_space<vmem>>) semaphore(%arg14 : memref<!tpu.dma_semaphore, #tpu.memory_space<semaphore_mem>>)
      } else {
      }
      %add3A_159 = arith.constant 1 : i32
      %add3A_160 = arith.addi %mul3A_131, %add3A_159 : i32
      %lt3A_161 = arith.cmpi slt, %add3A_160, %add3A_15 : i32
      %convert_element_type3A_162 = arith.extui %lt3A_161 : i1 to i32
      %cond3A_163 = arith.constant 0 : i32
      %cond3A_164 = arith.cmpi ne, %convert_element_type3A_162, %cond3A_163 : i32
      scf.if %cond3A_164 {
        %dma_wait3A_208 = arith.constant 1 : i32
        %dma_wait3A_209 = arith.constant 0 : i32
        %dma_wait3A_210 = arith.constant 0 : i32
        %dma_wait3A_211 = tpu.memref_slice %arg6[%dma_wait3A_208, %dma_wait3A_209, %dma_wait3A_210] : memref<4x2x128xi32, #tpu.memory_space<vmem>> -> memref<1x1x128xi32, #tpu.memory_space<vmem>>
        %dma_wait3A_212 = tpu.memref_squeeze %dma_wait3A_211 : memref<1x1x128xi32, #tpu.memory_space<vmem>> -> memref<128xi32, #tpu.memory_space<vmem>>
        %dma_wait3A_213 = arith.constant 0 : i32
        %dma_wait3A_214 = arith.constant 0 : i32
        %dma_wait3A_215 = tpu.memref_slice %arg2[%dma_wait3A_213, %dma_wait3A_214] : memref<10240x128xf32, #tpu.memory_space<hbm>> -> memref<10240x128xf32, #tpu.memory_space<hbm>>
        tpu.wait_indirect_dma semaphore(%arg15 : memref<!tpu.dma_semaphore, #tpu.memory_space<semaphore_mem>>) src(%dma_wait3A_215 : memref<10240x128xf32, #tpu.memory_space<hbm>>) dst(%arg8 : memref<128x128xf32, #tpu.memory_space<vmem>>)
        %run_scoped3A_216 = arith.constant 1 : i32
        %run_scoped3A_217 = arith.constant 1 : i32
        "tpu.region"() ({
          %run_scoped3A_218 = tpu.sem_alloc : memref<!tpu.dma_semaphore, #tpu.memory_space<semaphore_mem>>
          %dma_start3A_219 = arith.constant 0 : i32
          %dma_start3A_220 = tpu.memref_slice %arg6[%run_scoped3A_216, %run_scoped3A_217, %dma_start3A_219] : memref<4x2x128xi32, #tpu.memory_space<vmem>> -> memref<1x1x128xi32, #tpu.memory_space<vmem>>
          %dma_start3A_221 = tpu.memref_squeeze %dma_start3A_220 : memref<1x1x128xi32, #tpu.memory_space<vmem>> -> memref<128xi32, #tpu.memory_space<vmem>>
          %dma_start3A_222 = arith.constant 0 : i32
          %dma_start3A_223 = arith.constant 0 : i32
          %dma_start3A_224 = tpu.memref_slice %arg9[%dma_start3A_222, %dma_start3A_223] : memref<10240x128xf32, #tpu.memory_space<vmem_shared>> -> memref<10240x128xf32, #tpu.memory_space<vmem_shared>>
          tpu.enqueue_indirect_dma source(%arg8 : memref<128x128xf32, #tpu.memory_space<vmem>>) target(%dma_start3A_224 : memref<10240x128xf32, #tpu.memory_space<vmem_shared>>) offsets(%dma_start3A_221 : memref<128xi32, #tpu.memory_space<vmem>>) semaphore(%run_scoped3A_218 : memref<!tpu.dma_semaphore, #tpu.memory_space<semaphore_mem>>) {add = true}
          %dma_wait3A_225 = arith.constant 0 : i32
          %dma_wait3A_226 = tpu.memref_slice %arg6[%run_scoped3A_216, %run_scoped3A_217, %dma_wait3A_225] : memref<4x2x128xi32, #tpu.memory_space<vmem>> -> memref<1x1x128xi32, #tpu.memory_space<vmem>>
          %dma_wait3A_227 = tpu.memref_squeeze %dma_wait3A_226 : memref<1x1x128xi32, #tpu.memory_space<vmem>> -> memref<128xi32, #tpu.memory_space<vmem>>
          %dma_wait3A_228 = arith.constant 0 : i32
          %dma_wait3A_229 = arith.constant 0 : i32
          %dma_wait3A_230 = tpu.memref_slice %arg9[%dma_wait3A_228, %dma_wait3A_229] : memref<10240x128xf32, #tpu.memory_space<vmem_shared>> -> memref<10240x128xf32, #tpu.memory_space<vmem_shared>>
          tpu.wait_indirect_dma semaphore(%run_scoped3A_218 : memref<!tpu.dma_semaphore, #tpu.memory_space<semaphore_mem>>) src(%arg8 : memref<128x128xf32, #tpu.memory_space<vmem>>) dst(%dma_wait3A_230 : memref<10240x128xf32, #tpu.memory_space<vmem_shared>>)
          tpu.yield
        }) : () -> ()
      } else {
      }
      %add3A_165 = arith.constant 4 : i32
      %add3A_166 = arith.addi %mul3A_131, %add3A_165 : i32
      %lt3A_167 = arith.cmpi slt, %add3A_166, %add3A_15 : i32
      %convert_element_type3A_168 = arith.extui %lt3A_167 : i1 to i32
      %cond3A_169 = arith.constant 0 : i32
      %cond3A_170 = arith.cmpi ne, %convert_element_type3A_168, %cond3A_169 : i32
      scf.if %cond3A_170 {
        %add3A_208 = arith.constant 4 : i32
        %add3A_209 = arith.addi %mul3A_131, %add3A_208 : i32
        %add3A_210 = arith.addi %add3A_11, %add3A_209 : i32
        %mul3A_211 = arith.constant 128 : i32
        %mul3A_212 = arith.muli %add3A_210, %mul3A_211 : i32
        %dma_start3A_213 = arith.constant 0 : i32
        %dma_start3A_214 = arith.constant 0 : i32
        %dma_start3A_215 = arith.constant 0 : i32
        %dma_start3A_216 = tpu.memref_slice %arg6[%dma_start3A_213, %dma_start3A_214, %dma_start3A_215] : memref<4x2x128xi32, #tpu.memory_space<vmem>> -> memref<1x2x128xi32, #tpu.memory_space<vmem>>
        %dma_start3A_217 = tpu.memref_squeeze %dma_start3A_216 : memref<1x2x128xi32, #tpu.memory_space<vmem>> -> memref<2x128xi32, #tpu.memory_space<vmem>>
        %dma_start3A_218 = arith.constant 0 : i32
        %dma_start3A_219 = tpu.memref_slice %arg3[%dma_start3A_218, %mul3A_212] : memref<2x160000xi32, #tpu.memory_space<hbm>> -> memref<2x128xi32, #tpu.memory_space<hbm>>
        %dma_start3A_220 = arith.constant 0 : i32
        %dma_start3A_221 = arith.constant 0 : i32
        %dma_start3A_222 = tpu.memref_slice %arg6[%dma_start3A_213, %dma_start3A_220, %dma_start3A_221] : memref<4x2x128xi32, #tpu.memory_space<vmem>> -> memref<1x2x128xi32, #tpu.memory_space<vmem>>
        %dma_start3A_223 = tpu.memref_squeeze %dma_start3A_222 : memref<1x2x128xi32, #tpu.memory_space<vmem>> -> memref<2x128xi32, #tpu.memory_space<vmem>>
        %dma_start3A_224 = arith.constant 0 : i32
        %dma_start3A_225 = tpu.memref_slice %arg3[%dma_start3A_224, %mul3A_212] : memref<2x160000xi32, #tpu.memory_space<hbm>> -> memref<2x128xi32, #tpu.memory_space<hbm>>
        tpu.enqueue_dma source(%dma_start3A_225 : memref<2x128xi32, #tpu.memory_space<hbm>>) target(%dma_start3A_223 : memref<2x128xi32, #tpu.memory_space<vmem>>) target_semaphore(%arg10 : memref<!tpu.dma_semaphore, #tpu.memory_space<semaphore_mem>>)
      } else {
      }
      %add3A_171 = arith.constant 3 : i32
      %add3A_172 = arith.addi %mul3A_131, %add3A_171 : i32
      %lt3A_173 = arith.cmpi slt, %add3A_172, %add3A_15 : i32
      %convert_element_type3A_174 = arith.extui %lt3A_173 : i1 to i32
      %cond3A_175 = arith.constant 0 : i32
      %cond3A_176 = arith.cmpi ne, %convert_element_type3A_174, %cond3A_175 : i32
      scf.if %cond3A_176 {
        %add3A_208 = arith.constant 3 : i32
        %add3A_209 = arith.addi %mul3A_131, %add3A_208 : i32
        %add3A_210 = arith.addi %add3A_11, %add3A_209 : i32
        %mul3A_211 = arith.constant 128 : i32
        %mul3A_212 = arith.muli %add3A_210, %mul3A_211 : i32
        %dma_wait3A_213 = arith.constant 3 : i32
        %dma_wait3A_214 = arith.constant 0 : i32
        %dma_wait3A_215 = arith.constant 0 : i32
        %dma_wait3A_216 = tpu.memref_slice %arg6[%dma_wait3A_213, %dma_wait3A_214, %dma_wait3A_215] : memref<4x2x128xi32, #tpu.memory_space<vmem>> -> memref<1x2x128xi32, #tpu.memory_space<vmem>>
        %dma_wait3A_217 = tpu.memref_squeeze %dma_wait3A_216 : memref<1x2x128xi32, #tpu.memory_space<vmem>> -> memref<2x128xi32, #tpu.memory_space<vmem>>
        %dma_wait3A_218 = arith.constant 0 : i32
        %dma_wait3A_219 = tpu.memref_slice %arg3[%dma_wait3A_218, %mul3A_212] : memref<2x160000xi32, #tpu.memory_space<hbm>> -> memref<2x128xi32, #tpu.memory_space<hbm>>
        %dma_wait3A_220 = arith.constant 0 : i32
        %dma_wait3A_221 = arith.constant 0 : i32
        %dma_wait3A_222 = tpu.memref_slice %arg6[%dma_wait3A_213, %dma_wait3A_220, %dma_wait3A_221] : memref<4x2x128xi32, #tpu.memory_space<vmem>> -> memref<1x2x128xi32, #tpu.memory_space<vmem>>
        %dma_wait3A_223 = tpu.memref_squeeze %dma_wait3A_222 : memref<1x2x128xi32, #tpu.memory_space<vmem>> -> memref<2x128xi32, #tpu.memory_space<vmem>>
        %dma_wait3A_224 = arith.constant 0 : i32
        %dma_wait3A_225 = tpu.memref_slice %arg3[%dma_wait3A_224, %mul3A_212] : memref<2x160000xi32, #tpu.memory_space<hbm>> -> memref<2x128xi32, #tpu.memory_space<hbm>>
        tpu.wait_dma2 semaphore(%arg13 : memref<!tpu.dma_semaphore, #tpu.memory_space<semaphore_mem>>) src(%dma_wait3A_225 : memref<2x128xi32, #tpu.memory_space<hbm>>) dst(%dma_wait3A_223 : memref<2x128xi32, #tpu.memory_space<vmem>>)
        %dma_start3A_226 = arith.constant 3 : i32
        %dma_start3A_227 = arith.constant 0 : i32
        %dma_start3A_228 = arith.constant 0 : i32
        %dma_start3A_229 = tpu.memref_slice %arg6[%dma_start3A_226, %dma_start3A_227, %dma_start3A_228] : memref<4x2x128xi32, #tpu.memory_space<vmem>> -> memref<1x1x128xi32, #tpu.memory_space<vmem>>
        %dma_start3A_230 = tpu.memref_squeeze %dma_start3A_229 : memref<1x1x128xi32, #tpu.memory_space<vmem>> -> memref<128xi32, #tpu.memory_space<vmem>>
        %dma_start3A_231 = arith.constant 0 : i32
        %dma_start3A_232 = arith.constant 0 : i32
        %dma_start3A_233 = tpu.memref_slice %arg2[%dma_start3A_231, %dma_start3A_232] : memref<10240x128xf32, #tpu.memory_space<hbm>> -> memref<10240x128xf32, #tpu.memory_space<hbm>>
        tpu.enqueue_indirect_dma source(%dma_start3A_233 : memref<10240x128xf32, #tpu.memory_space<hbm>>) target(%arg8 : memref<128x128xf32, #tpu.memory_space<vmem>>) offsets(%dma_start3A_230 : memref<128xi32, #tpu.memory_space<vmem>>) semaphore(%arg15 : memref<!tpu.dma_semaphore, #tpu.memory_space<semaphore_mem>>)
      } else {
      }
      %add3A_177 = arith.constant 2 : i32
      %add3A_178 = arith.addi %mul3A_131, %add3A_177 : i32
      %lt3A_179 = arith.cmpi slt, %add3A_178, %add3A_15 : i32
      %convert_element_type3A_180 = arith.extui %lt3A_179 : i1 to i32
      %cond3A_181 = arith.constant 0 : i32
      %cond3A_182 = arith.cmpi ne, %convert_element_type3A_180, %cond3A_181 : i32
      scf.if %cond3A_182 {
        %dma_wait3A_208 = arith.constant 2 : i32
        %dma_wait3A_209 = arith.constant 0 : i32
        %dma_wait3A_210 = arith.constant 0 : i32
        %dma_wait3A_211 = tpu.memref_slice %arg6[%dma_wait3A_208, %dma_wait3A_209, %dma_wait3A_210] : memref<4x2x128xi32, #tpu.memory_space<vmem>> -> memref<1x1x128xi32, #tpu.memory_space<vmem>>
        %dma_wait3A_212 = tpu.memref_squeeze %dma_wait3A_211 : memref<1x1x128xi32, #tpu.memory_space<vmem>> -> memref<128xi32, #tpu.memory_space<vmem>>
        %dma_wait3A_213 = arith.constant 0 : i32
        %dma_wait3A_214 = arith.constant 0 : i32
        %dma_wait3A_215 = tpu.memref_slice %arg2[%dma_wait3A_213, %dma_wait3A_214] : memref<10240x128xf32, #tpu.memory_space<hbm>> -> memref<10240x128xf32, #tpu.memory_space<hbm>>
        tpu.wait_indirect_dma semaphore(%arg14 : memref<!tpu.dma_semaphore, #tpu.memory_space<semaphore_mem>>) src(%dma_wait3A_215 : memref<10240x128xf32, #tpu.memory_space<hbm>>) dst(%arg7 : memref<128x128xf32, #tpu.memory_space<vmem>>)
        %run_scoped3A_216 = arith.constant 2 : i32
        %run_scoped3A_217 = arith.constant 1 : i32
        "tpu.region"() ({
          %run_scoped3A_218 = tpu.sem_alloc : memref<!tpu.dma_semaphore, #tpu.memory_space<semaphore_mem>>
          %dma_start3A_219 = arith.constant 0 : i32
          %dma_start3A_220 = tpu.memref_slice %arg6[%run_scoped3A_216, %run_scoped3A_217, %dma_start3A_219] : memref<4x2x128xi32, #tpu.memory_space<vmem>> -> memref<1x1x128xi32, #tpu.memory_space<vmem>>
          %dma_start3A_221 = tpu.memref_squeeze %dma_start3A_220 : memref<1x1x128xi32, #tpu.memory_space<vmem>> -> memref<128xi32, #tpu.memory_space<vmem>>
          %dma_start3A_222 = arith.constant 0 : i32
          %dma_start3A_223 = arith.constant 0 : i32
          %dma_start3A_224 = tpu.memref_slice %arg9[%dma_start3A_222, %dma_start3A_223] : memref<10240x128xf32, #tpu.memory_space<vmem_shared>> -> memref<10240x128xf32, #tpu.memory_space<vmem_shared>>
          tpu.enqueue_indirect_dma source(%arg7 : memref<128x128xf32, #tpu.memory_space<vmem>>) target(%dma_start3A_224 : memref<10240x128xf32, #tpu.memory_space<vmem_shared>>) offsets(%dma_start3A_221 : memref<128xi32, #tpu.memory_space<vmem>>) semaphore(%run_scoped3A_218 : memref<!tpu.dma_semaphore, #tpu.memory_space<semaphore_mem>>) {add = true}
          %dma_wait3A_225 = arith.constant 0 : i32
          %dma_wait3A_226 = tpu.memref_slice %arg6[%run_scoped3A_216, %run_scoped3A_217, %dma_wait3A_225] : memref<4x2x128xi32, #tpu.memory_space<vmem>> -> memref<1x1x128xi32, #tpu.memory_space<vmem>>
          %dma_wait3A_227 = tpu.memref_squeeze %dma_wait3A_226 : memref<1x1x128xi32, #tpu.memory_space<vmem>> -> memref<128xi32, #tpu.memory_space<vmem>>
          %dma_wait3A_228 = arith.constant 0 : i32
          %dma_wait3A_229 = arith.constant 0 : i32
          %dma_wait3A_230 = tpu.memref_slice %arg9[%dma_wait3A_228, %dma_wait3A_229] : memref<10240x128xf32, #tpu.memory_space<vmem_shared>> -> memref<10240x128xf32, #tpu.memory_space<vmem_shared>>
          tpu.wait_indirect_dma semaphore(%run_scoped3A_218 : memref<!tpu.dma_semaphore, #tpu.memory_space<semaphore_mem>>) src(%arg7 : memref<128x128xf32, #tpu.memory_space<vmem>>) dst(%dma_wait3A_230 : memref<10240x128xf32, #tpu.memory_space<vmem_shared>>)
          tpu.yield
        }) : () -> ()
      } else {
      }
      %add3A_183 = arith.constant 5 : i32
      %add3A_184 = arith.addi %mul3A_131, %add3A_183 : i32
      %lt3A_185 = arith.cmpi slt, %add3A_184, %add3A_15 : i32
      %convert_element_type3A_186 = arith.extui %lt3A_185 : i1 to i32
      %cond3A_187 = arith.constant 0 : i32
      %cond3A_188 = arith.cmpi ne, %convert_element_type3A_186, %cond3A_187 : i32
      scf.if %cond3A_188 {
        %add3A_208 = arith.constant 5 : i32
        %add3A_209 = arith.addi %mul3A_131, %add3A_208 : i32
        %add3A_210 = arith.addi %add3A_11, %add3A_209 : i32
        %mul3A_211 = arith.constant 128 : i32
        %mul3A_212 = arith.muli %add3A_210, %mul3A_211 : i32
        %dma_start3A_213 = arith.constant 1 : i32
        %dma_start3A_214 = arith.constant 0 : i32
        %dma_start3A_215 = arith.constant 0 : i32
        %dma_start3A_216 = tpu.memref_slice %arg6[%dma_start3A_213, %dma_start3A_214, %dma_start3A_215] : memref<4x2x128xi32, #tpu.memory_space<vmem>> -> memref<1x2x128xi32, #tpu.memory_space<vmem>>
        %dma_start3A_217 = tpu.memref_squeeze %dma_start3A_216 : memref<1x2x128xi32, #tpu.memory_space<vmem>> -> memref<2x128xi32, #tpu.memory_space<vmem>>
        %dma_start3A_218 = arith.constant 0 : i32
        %dma_start3A_219 = tpu.memref_slice %arg3[%dma_start3A_218, %mul3A_212] : memref<2x160000xi32, #tpu.memory_space<hbm>> -> memref<2x128xi32, #tpu.memory_space<hbm>>
        %dma_start3A_220 = arith.constant 0 : i32
        %dma_start3A_221 = arith.constant 0 : i32
        %dma_start3A_222 = tpu.memref_slice %arg6[%dma_start3A_213, %dma_start3A_220, %dma_start3A_221] : memref<4x2x128xi32, #tpu.memory_space<vmem>> -> memref<1x2x128xi32, #tpu.memory_space<vmem>>
        %dma_start3A_223 = tpu.memref_squeeze %dma_start3A_222 : memref<1x2x128xi32, #tpu.memory_space<vmem>> -> memref<2x128xi32, #tpu.memory_space<vmem>>
        %dma_start3A_224 = arith.constant 0 : i32
        %dma_start3A_225 = tpu.memref_slice %arg3[%dma_start3A_224, %mul3A_212] : memref<2x160000xi32, #tpu.memory_space<hbm>> -> memref<2x128xi32, #tpu.memory_space<hbm>>
        tpu.enqueue_dma source(%dma_start3A_225 : memref<2x128xi32, #tpu.memory_space<hbm>>) target(%dma_start3A_223 : memref<2x128xi32, #tpu.memory_space<vmem>>) target_semaphore(%arg11 : memref<!tpu.dma_semaphore, #tpu.memory_space<semaphore_mem>>)
      } else {
      }
      %add3A_189 = arith.constant 4 : i32
      %add3A_190 = arith.addi %mul3A_131, %add3A_189 : i32
      %lt3A_191 = arith.cmpi slt, %add3A_190, %add3A_15 : i32
      %convert_element_type3A_192 = arith.extui %lt3A_191 : i1 to i32
      %cond3A_193 = arith.constant 0 : i32
      %cond3A_194 = arith.cmpi ne, %convert_element_type3A_192, %cond3A_193 : i32
      scf.if %cond3A_194 {
        %add3A_208 = arith.constant 4 : i32
        %add3A_209 = arith.addi %mul3A_131, %add3A_208 : i32
        %add3A_210 = arith.addi %add3A_11, %add3A_209 : i32
        %mul3A_211 = arith.constant 128 : i32
        %mul3A_212 = arith.muli %add3A_210, %mul3A_211 : i32
        %dma_wait3A_213 = arith.constant 0 : i32
        %dma_wait3A_214 = arith.constant 0 : i32
        %dma_wait3A_215 = arith.constant 0 : i32
        %dma_wait3A_216 = tpu.memref_slice %arg6[%dma_wait3A_213, %dma_wait3A_214, %dma_wait3A_215] : memref<4x2x128xi32, #tpu.memory_space<vmem>> -> memref<1x2x128xi32, #tpu.memory_space<vmem>>
        %dma_wait3A_217 = tpu.memref_squeeze %dma_wait3A_216 : memref<1x2x128xi32, #tpu.memory_space<vmem>> -> memref<2x128xi32, #tpu.memory_space<vmem>>
        %dma_wait3A_218 = arith.constant 0 : i32
        %dma_wait3A_219 = tpu.memref_slice %arg3[%dma_wait3A_218, %mul3A_212] : memref<2x160000xi32, #tpu.memory_space<hbm>> -> memref<2x128xi32, #tpu.memory_space<hbm>>
        %dma_wait3A_220 = arith.constant 0 : i32
        %dma_wait3A_221 = arith.constant 0 : i32
        %dma_wait3A_222 = tpu.memref_slice %arg6[%dma_wait3A_213, %dma_wait3A_220, %dma_wait3A_221] : memref<4x2x128xi32, #tpu.memory_space<vmem>> -> memref<1x2x128xi32, #tpu.memory_space<vmem>>
        %dma_wait3A_223 = tpu.memref_squeeze %dma_wait3A_222 : memref<1x2x128xi32, #tpu.memory_space<vmem>> -> memref<2x128xi32, #tpu.memory_space<vmem>>
        %dma_wait3A_224 = arith.constant 0 : i32
        %dma_wait3A_225 = tpu.memref_slice %arg3[%dma_wait3A_224, %mul3A_212] : memref<2x160000xi32, #tpu.memory_space<hbm>> -> memref<2x128xi32, #tpu.memory_space<hbm>>
        tpu.wait_dma2 semaphore(%arg10 : memref<!tpu.dma_semaphore, #tpu.memory_space<semaphore_mem>>) src(%dma_wait3A_225 : memref<2x128xi32, #tpu.memory_space<hbm>>) dst(%dma_wait3A_223 : memref<2x128xi32, #tpu.memory_space<vmem>>)
        %dma_start3A_226 = arith.constant 0 : i32
        %dma_start3A_227 = arith.constant 0 : i32
        %dma_start3A_228 = arith.constant 0 : i32
        %dma_start3A_229 = tpu.memref_slice %arg6[%dma_start3A_226, %dma_start3A_227, %dma_start3A_228] : memref<4x2x128xi32, #tpu.memory_space<vmem>> -> memref<1x1x128xi32, #tpu.memory_space<vmem>>
        %dma_start3A_230 = tpu.memref_squeeze %dma_start3A_229 : memref<1x1x128xi32, #tpu.memory_space<vmem>> -> memref<128xi32, #tpu.memory_space<vmem>>
        %dma_start3A_231 = arith.constant 0 : i32
        %dma_start3A_232 = arith.constant 0 : i32
        %dma_start3A_233 = tpu.memref_slice %arg2[%dma_start3A_231, %dma_start3A_232] : memref<10240x128xf32, #tpu.memory_space<hbm>> -> memref<10240x128xf32, #tpu.memory_space<hbm>>
        tpu.enqueue_indirect_dma source(%dma_start3A_233 : memref<10240x128xf32, #tpu.memory_space<hbm>>) target(%arg7 : memref<128x128xf32, #tpu.memory_space<vmem>>) offsets(%dma_start3A_230 : memref<128xi32, #tpu.memory_space<vmem>>) semaphore(%arg14 : memref<!tpu.dma_semaphore, #tpu.memory_space<semaphore_mem>>)
      } else {
      }
      %add3A_195 = arith.constant 3 : i32
      %add3A_196 = arith.addi %mul3A_131, %add3A_195 : i32
      %lt3A_197 = arith.cmpi slt, %add3A_196, %add3A_15 : i32
      %convert_element_type3A_198 = arith.extui %lt3A_197 : i1 to i32
      %cond3A_199 = arith.constant 0 : i32
      %cond3A_200 = arith.cmpi ne, %convert_element_type3A_198, %cond3A_199 : i32
      scf.if %cond3A_200 {
        %dma_wait3A_208 = arith.constant 3 : i32
        %dma_wait3A_209 = arith.constant 0 : i32
        %dma_wait3A_210 = arith.constant 0 : i32
        %dma_wait3A_211 = tpu.memref_slice %arg6[%dma_wait3A_208, %dma_wait3A_209, %dma_wait3A_210] : memref<4x2x128xi32, #tpu.memory_space<vmem>> -> memref<1x1x128xi32, #tpu.memory_space<vmem>>
        %dma_wait3A_212 = tpu.memref_squeeze %dma_wait3A_211 : memref<1x1x128xi32, #tpu.memory_space<vmem>> -> memref<128xi32, #tpu.memory_space<vmem>>
        %dma_wait3A_213 = arith.constant 0 : i32
        %dma_wait3A_214 = arith.constant 0 : i32
        %dma_wait3A_215 = tpu.memref_slice %arg2[%dma_wait3A_213, %dma_wait3A_214] : memref<10240x128xf32, #tpu.memory_space<hbm>> -> memref<10240x128xf32, #tpu.memory_space<hbm>>
        tpu.wait_indirect_dma semaphore(%arg15 : memref<!tpu.dma_semaphore, #tpu.memory_space<semaphore_mem>>) src(%dma_wait3A_215 : memref<10240x128xf32, #tpu.memory_space<hbm>>) dst(%arg8 : memref<128x128xf32, #tpu.memory_space<vmem>>)
        %run_scoped3A_216 = arith.constant 3 : i32
        %run_scoped3A_217 = arith.constant 1 : i32
        "tpu.region"() ({
          %run_scoped3A_218 = tpu.sem_alloc : memref<!tpu.dma_semaphore, #tpu.memory_space<semaphore_mem>>
          %dma_start3A_219 = arith.constant 0 : i32
          %dma_start3A_220 = tpu.memref_slice %arg6[%run_scoped3A_216, %run_scoped3A_217, %dma_start3A_219] : memref<4x2x128xi32, #tpu.memory_space<vmem>> -> memref<1x1x128xi32, #tpu.memory_space<vmem>>
          %dma_start3A_221 = tpu.memref_squeeze %dma_start3A_220 : memref<1x1x128xi32, #tpu.memory_space<vmem>> -> memref<128xi32, #tpu.memory_space<vmem>>
          %dma_start3A_222 = arith.constant 0 : i32
          %dma_start3A_223 = arith.constant 0 : i32
          %dma_start3A_224 = tpu.memref_slice %arg9[%dma_start3A_222, %dma_start3A_223] : memref<10240x128xf32, #tpu.memory_space<vmem_shared>> -> memref<10240x128xf32, #tpu.memory_space<vmem_shared>>
          tpu.enqueue_indirect_dma source(%arg8 : memref<128x128xf32, #tpu.memory_space<vmem>>) target(%dma_start3A_224 : memref<10240x128xf32, #tpu.memory_space<vmem_shared>>) offsets(%dma_start3A_221 : memref<128xi32, #tpu.memory_space<vmem>>) semaphore(%run_scoped3A_218 : memref<!tpu.dma_semaphore, #tpu.memory_space<semaphore_mem>>) {add = true}
          %dma_wait3A_225 = arith.constant 0 : i32
          %dma_wait3A_226 = tpu.memref_slice %arg6[%run_scoped3A_216, %run_scoped3A_217, %dma_wait3A_225] : memref<4x2x128xi32, #tpu.memory_space<vmem>> -> memref<1x1x128xi32, #tpu.memory_space<vmem>>
          %dma_wait3A_227 = tpu.memref_squeeze %dma_wait3A_226 : memref<1x1x128xi32, #tpu.memory_space<vmem>> -> memref<128xi32, #tpu.memory_space<vmem>>
          %dma_wait3A_228 = arith.constant 0 : i32
          %dma_wait3A_229 = arith.constant 0 : i32
          %dma_wait3A_230 = tpu.memref_slice %arg9[%dma_wait3A_228, %dma_wait3A_229] : memref<10240x128xf32, #tpu.memory_space<vmem_shared>> -> memref<10240x128xf32, #tpu.memory_space<vmem_shared>>
          tpu.wait_indirect_dma semaphore(%run_scoped3A_218 : memref<!tpu.dma_semaphore, #tpu.memory_space<semaphore_mem>>) src(%arg8 : memref<128x128xf32, #tpu.memory_space<vmem>>) dst(%dma_wait3A_230 : memref<10240x128xf32, #tpu.memory_space<vmem_shared>>)
          tpu.yield
        }) : () -> ()
      } else {
      }
      %add3A_201 = arith.constant 6 : i32
      %add3A_202 = arith.addi %mul3A_131, %add3A_201 : i32
      %lt3A_203 = arith.cmpi slt, %add3A_202, %add3A_15 : i32
      %convert_element_type3A_204 = arith.extui %lt3A_203 : i1 to i32
      %cond3A_205 = arith.constant 0 : i32
      %cond3A_206 = arith.cmpi ne, %convert_element_type3A_204, %cond3A_205 : i32
      scf.if %cond3A_206 {
        %add3A_208 = arith.constant 6 : i32
        %add3A_209 = arith.addi %mul3A_131, %add3A_208 : i32
        %add3A_210 = arith.addi %add3A_11, %add3A_209 : i32
        %mul3A_211 = arith.constant 128 : i32
        %mul3A_212 = arith.muli %add3A_210, %mul3A_211 : i32
        %dma_start3A_213 = arith.constant 2 : i32
        %dma_start3A_214 = arith.constant 0 : i32
        %dma_start3A_215 = arith.constant 0 : i32
        %dma_start3A_216 = tpu.memref_slice %arg6[%dma_start3A_213, %dma_start3A_214, %dma_start3A_215] : memref<4x2x128xi32, #tpu.memory_space<vmem>> -> memref<1x2x128xi32, #tpu.memory_space<vmem>>
        %dma_start3A_217 = tpu.memref_squeeze %dma_start3A_216 : memref<1x2x128xi32, #tpu.memory_space<vmem>> -> memref<2x128xi32, #tpu.memory_space<vmem>>
        %dma_start3A_218 = arith.constant 0 : i32
        %dma_start3A_219 = tpu.memref_slice %arg3[%dma_start3A_218, %mul3A_212] : memref<2x160000xi32, #tpu.memory_space<hbm>> -> memref<2x128xi32, #tpu.memory_space<hbm>>
        %dma_start3A_220 = arith.constant 0 : i32
        %dma_start3A_221 = arith.constant 0 : i32
        %dma_start3A_222 = tpu.memref_slice %arg6[%dma_start3A_213, %dma_start3A_220, %dma_start3A_221] : memref<4x2x128xi32, #tpu.memory_space<vmem>> -> memref<1x2x128xi32, #tpu.memory_space<vmem>>
        %dma_start3A_223 = tpu.memref_squeeze %dma_start3A_222 : memref<1x2x128xi32, #tpu.memory_space<vmem>> -> memref<2x128xi32, #tpu.memory_space<vmem>>
        %dma_start3A_224 = arith.constant 0 : i32
        %dma_start3A_225 = tpu.memref_slice %arg3[%dma_start3A_224, %mul3A_212] : memref<2x160000xi32, #tpu.memory_space<hbm>> -> memref<2x128xi32, #tpu.memory_space<hbm>>
        tpu.enqueue_dma source(%dma_start3A_225 : memref<2x128xi32, #tpu.memory_space<hbm>>) target(%dma_start3A_223 : memref<2x128xi32, #tpu.memory_space<vmem>>) target_semaphore(%arg12 : memref<!tpu.dma_semaphore, #tpu.memory_space<semaphore_mem>>)
      } else {
      }
      %while3A_207 = arith.constant 0 : i32
      scf.yield %while3A_207 : i32
    }
    %while3A_121 = arith.constant 1 : i32
    %while3A_122 = scf.for %while3A_128 = %while3A_118 to %while3A_114 step %while3A_121 iter_args(%while3A_129 = %while3A_120) -> (i32)  : i32 {
      %mul3A_130 = arith.constant 4 : i32
      %mul3A_131 = arith.muli %while3A_128, %mul3A_130 : i32
      %add3A_132 = arith.constant 1 : i32
      %add3A_133 = arith.addi %mul3A_131, %add3A_132 : i32
      %lt3A_134 = arith.cmpi slt, %add3A_133, %add3A_15 : i32
      %convert_element_type3A_135 = arith.extui %lt3A_134 : i1 to i32
      %cond3A_136 = arith.constant 0 : i32
      %cond3A_137 = arith.cmpi ne, %convert_element_type3A_135, %cond3A_136 : i32
      scf.if %cond3A_137 {
        %add3A_208 = arith.constant 1 : i32
        %add3A_209 = arith.addi %mul3A_131, %add3A_208 : i32
        %add3A_210 = arith.addi %add3A_11, %add3A_209 : i32
        %mul3A_211 = arith.constant 128 : i32
        %mul3A_212 = arith.muli %add3A_210, %mul3A_211 : i32
        %dma_wait3A_213 = arith.constant 1 : i32
        %dma_wait3A_214 = arith.constant 0 : i32
        %dma_wait3A_215 = arith.constant 0 : i32
        %dma_wait3A_216 = tpu.memref_slice %arg6[%dma_wait3A_213, %dma_wait3A_214, %dma_wait3A_215] : memref<4x2x128xi32, #tpu.memory_space<vmem>> -> memref<1x2x128xi32, #tpu.memory_space<vmem>>
        %dma_wait3A_217 = tpu.memref_squeeze %dma_wait3A_216 : memref<1x2x128xi32, #tpu.memory_space<vmem>> -> memref<2x128xi32, #tpu.memory_space<vmem>>
        %dma_wait3A_218 = arith.constant 0 : i32
        %dma_wait3A_219 = tpu.memref_slice %arg3[%dma_wait3A_218, %mul3A_212] : memref<2x160000xi32, #tpu.memory_space<hbm>> -> memref<2x128xi32, #tpu.memory_space<hbm>>
        %dma_wait3A_220 = arith.constant 0 : i32
        %dma_wait3A_221 = arith.constant 0 : i32
        %dma_wait3A_222 = tpu.memref_slice %arg6[%dma_wait3A_213, %dma_wait3A_220, %dma_wait3A_221] : memref<4x2x128xi32, #tpu.memory_space<vmem>> -> memref<1x2x128xi32, #tpu.memory_space<vmem>>
        %dma_wait3A_223 = tpu.memref_squeeze %dma_wait3A_222 : memref<1x2x128xi32, #tpu.memory_space<vmem>> -> memref<2x128xi32, #tpu.memory_space<vmem>>
        %dma_wait3A_224 = arith.constant 0 : i32
        %dma_wait3A_225 = tpu.memref_slice %arg3[%dma_wait3A_224, %mul3A_212] : memref<2x160000xi32, #tpu.memory_space<hbm>> -> memref<2x128xi32, #tpu.memory_space<hbm>>
        tpu.wait_dma2 semaphore(%arg11 : memref<!tpu.dma_semaphore, #tpu.memory_space<semaphore_mem>>) src(%dma_wait3A_225 : memref<2x128xi32, #tpu.memory_space<hbm>>) dst(%dma_wait3A_223 : memref<2x128xi32, #tpu.memory_space<vmem>>)
        %dma_start3A_226 = arith.constant 1 : i32
        %dma_start3A_227 = arith.constant 0 : i32
        %dma_start3A_228 = arith.constant 0 : i32
        %dma_start3A_229 = tpu.memref_slice %arg6[%dma_start3A_226, %dma_start3A_227, %dma_start3A_228] : memref<4x2x128xi32, #tpu.memory_space<vmem>> -> memref<1x1x128xi32, #tpu.memory_space<vmem>>
        %dma_start3A_230 = tpu.memref_squeeze %dma_start3A_229 : memref<1x1x128xi32, #tpu.memory_space<vmem>> -> memref<128xi32, #tpu.memory_space<vmem>>
        %dma_start3A_231 = arith.constant 0 : i32
        %dma_start3A_232 = arith.constant 0 : i32
        %dma_start3A_233 = tpu.memref_slice %arg2[%dma_start3A_231, %dma_start3A_232] : memref<10240x128xf32, #tpu.memory_space<hbm>> -> memref<10240x128xf32, #tpu.memory_space<hbm>>
        tpu.enqueue_indirect_dma source(%dma_start3A_233 : memref<10240x128xf32, #tpu.memory_space<hbm>>) target(%arg8 : memref<128x128xf32, #tpu.memory_space<vmem>>) offsets(%dma_start3A_230 : memref<128xi32, #tpu.memory_space<vmem>>) semaphore(%arg15 : memref<!tpu.dma_semaphore, #tpu.memory_space<semaphore_mem>>)
      } else {
      }
      %dma_wait3A_138 = arith.constant 0 : i32
      %dma_wait3A_139 = arith.constant 0 : i32
      %dma_wait3A_140 = arith.constant 0 : i32
      %dma_wait3A_141 = tpu.memref_slice %arg6[%dma_wait3A_138, %dma_wait3A_139, %dma_wait3A_140] : memref<4x2x128xi32, #tpu.memory_space<vmem>> -> memref<1x1x128xi32, #tpu.memory_space<vmem>>
      %dma_wait3A_142 = tpu.memref_squeeze %dma_wait3A_141 : memref<1x1x128xi32, #tpu.memory_space<vmem>> -> memref<128xi32, #tpu.memory_space<vmem>>
      %dma_wait3A_143 = arith.constant 0 : i32
      %dma_wait3A_144 = arith.constant 0 : i32
      %dma_wait3A_145 = tpu.memref_slice %arg2[%dma_wait3A_143, %dma_wait3A_144] : memref<10240x128xf32, #tpu.memory_space<hbm>> -> memref<10240x128xf32, #tpu.memory_space<hbm>>
      tpu.wait_indirect_dma semaphore(%arg14 : memref<!tpu.dma_semaphore, #tpu.memory_space<semaphore_mem>>) src(%dma_wait3A_145 : memref<10240x128xf32, #tpu.memory_space<hbm>>) dst(%arg7 : memref<128x128xf32, #tpu.memory_space<vmem>>)
      %run_scoped3A = arith.constant 0 : i32
      %run_scoped3A_146 = arith.constant 1 : i32
      "tpu.region"() ({
        %run_scoped3A_208 = tpu.sem_alloc : memref<!tpu.dma_semaphore, #tpu.memory_space<semaphore_mem>>
        %dma_start3A_209 = arith.constant 0 : i32
        %dma_start3A_210 = tpu.memref_slice %arg6[%run_scoped3A, %run_scoped3A_146, %dma_start3A_209] : memref<4x2x128xi32, #tpu.memory_space<vmem>> -> memref<1x1x128xi32, #tpu.memory_space<vmem>>
        %dma_start3A_211 = tpu.memref_squeeze %dma_start3A_210 : memref<1x1x128xi32, #tpu.memory_space<vmem>> -> memref<128xi32, #tpu.memory_space<vmem>>
        %dma_start3A_212 = arith.constant 0 : i32
        %dma_start3A_213 = arith.constant 0 : i32
        %dma_start3A_214 = tpu.memref_slice %arg9[%dma_start3A_212, %dma_start3A_213] : memref<10240x128xf32, #tpu.memory_space<vmem_shared>> -> memref<10240x128xf32, #tpu.memory_space<vmem_shared>>
        tpu.enqueue_indirect_dma source(%arg7 : memref<128x128xf32, #tpu.memory_space<vmem>>) target(%dma_start3A_214 : memref<10240x128xf32, #tpu.memory_space<vmem_shared>>) offsets(%dma_start3A_211 : memref<128xi32, #tpu.memory_space<vmem>>) semaphore(%run_scoped3A_208 : memref<!tpu.dma_semaphore, #tpu.memory_space<semaphore_mem>>) {add = true}
        %dma_wait3A_215 = arith.constant 0 : i32
        %dma_wait3A_216 = tpu.memref_slice %arg6[%run_scoped3A, %run_scoped3A_146, %dma_wait3A_215] : memref<4x2x128xi32, #tpu.memory_space<vmem>> -> memref<1x1x128xi32, #tpu.memory_space<vmem>>
        %dma_wait3A_217 = tpu.memref_squeeze %dma_wait3A_216 : memref<1x1x128xi32, #tpu.memory_space<vmem>> -> memref<128xi32, #tpu.memory_space<vmem>>
        %dma_wait3A_218 = arith.constant 0 : i32
        %dma_wait3A_219 = arith.constant 0 : i32
        %dma_wait3A_220 = tpu.memref_slice %arg9[%dma_wait3A_218, %dma_wait3A_219] : memref<10240x128xf32, #tpu.memory_space<vmem_shared>> -> memref<10240x128xf32, #tpu.memory_space<vmem_shared>>
        tpu.wait_indirect_dma semaphore(%run_scoped3A_208 : memref<!tpu.dma_semaphore, #tpu.memory_space<semaphore_mem>>) src(%arg7 : memref<128x128xf32, #tpu.memory_space<vmem>>) dst(%dma_wait3A_220 : memref<10240x128xf32, #tpu.memory_space<vmem_shared>>)
        tpu.yield
      }) : () -> ()
      %add3A_147 = arith.constant 3 : i32
      %add3A_148 = arith.addi %mul3A_131, %add3A_147 : i32
      %lt3A_149 = arith.cmpi slt, %add3A_148, %add3A_15 : i32
      %convert_element_type3A_150 = arith.extui %lt3A_149 : i1 to i32
      %cond3A_151 = arith.constant 0 : i32
      %cond3A_152 = arith.cmpi ne, %convert_element_type3A_150, %cond3A_151 : i32
      scf.if %cond3A_152 {
        %add3A_208 = arith.constant 3 : i32
        %add3A_209 = arith.addi %mul3A_131, %add3A_208 : i32
        %add3A_210 = arith.addi %add3A_11, %add3A_209 : i32
        %mul3A_211 = arith.constant 128 : i32
        %mul3A_212 = arith.muli %add3A_210, %mul3A_211 : i32
        %dma_start3A_213 = arith.constant 3 : i32
        %dma_start3A_214 = arith.constant 0 : i32
        %dma_start3A_215 = arith.constant 0 : i32
        %dma_start3A_216 = tpu.memref_slice %arg6[%dma_start3A_213, %dma_start3A_214, %dma_start3A_215] : memref<4x2x128xi32, #tpu.memory_space<vmem>> -> memref<1x2x128xi32, #tpu.memory_space<vmem>>
        %dma_start3A_217 = tpu.memref_squeeze %dma_start3A_216 : memref<1x2x128xi32, #tpu.memory_space<vmem>> -> memref<2x128xi32, #tpu.memory_space<vmem>>
        %dma_start3A_218 = arith.constant 0 : i32
        %dma_start3A_219 = tpu.memref_slice %arg3[%dma_start3A_218, %mul3A_212] : memref<2x160000xi32, #tpu.memory_space<hbm>> -> memref<2x128xi32, #tpu.memory_space<hbm>>
        %dma_start3A_220 = arith.constant 0 : i32
        %dma_start3A_221 = arith.constant 0 : i32
        %dma_start3A_222 = tpu.memref_slice %arg6[%dma_start3A_213, %dma_start3A_220, %dma_start3A_221] : memref<4x2x128xi32, #tpu.memory_space<vmem>> -> memref<1x2x128xi32, #tpu.memory_space<vmem>>
        %dma_start3A_223 = tpu.memref_squeeze %dma_start3A_222 : memref<1x2x128xi32, #tpu.memory_space<vmem>> -> memref<2x128xi32, #tpu.memory_space<vmem>>
        %dma_start3A_224 = arith.constant 0 : i32
        %dma_start3A_225 = tpu.memref_slice %arg3[%dma_start3A_224, %mul3A_212] : memref<2x160000xi32, #tpu.memory_space<hbm>> -> memref<2x128xi32, #tpu.memory_space<hbm>>
        tpu.enqueue_dma source(%dma_start3A_225 : memref<2x128xi32, #tpu.memory_space<hbm>>) target(%dma_start3A_223 : memref<2x128xi32, #tpu.memory_space<vmem>>) target_semaphore(%arg13 : memref<!tpu.dma_semaphore, #tpu.memory_space<semaphore_mem>>)
      } else {
      }
      %add3A_153 = arith.constant 2 : i32
      %add3A_154 = arith.addi %mul3A_131, %add3A_153 : i32
      %lt3A_155 = arith.cmpi slt, %add3A_154, %add3A_15 : i32
      %convert_element_type3A_156 = arith.extui %lt3A_155 : i1 to i32
      %cond3A_157 = arith.constant 0 : i32
      %cond3A_158 = arith.cmpi ne, %convert_element_type3A_156, %cond3A_157 : i32
      scf.if %cond3A_158 {
        %add3A_208 = arith.constant 2 : i32
        %add3A_209 = arith.addi %mul3A_131, %add3A_208 : i32
        %add3A_210 = arith.addi %add3A_11, %add3A_209 : i32
        %mul3A_211 = arith.constant 128 : i32
        %mul3A_212 = arith.muli %add3A_210, %mul3A_211 : i32
        %dma_wait3A_213 = arith.constant 2 : i32
        %dma_wait3A_214 = arith.constant 0 : i32
        %dma_wait3A_215 = arith.constant 0 : i32
        %dma_wait3A_216 = tpu.memref_slice %arg6[%dma_wait3A_213, %dma_wait3A_214, %dma_wait3A_215] : memref<4x2x128xi32, #tpu.memory_space<vmem>> -> memref<1x2x128xi32, #tpu.memory_space<vmem>>
        %dma_wait3A_217 = tpu.memref_squeeze %dma_wait3A_216 : memref<1x2x128xi32, #tpu.memory_space<vmem>> -> memref<2x128xi32, #tpu.memory_space<vmem>>
        %dma_wait3A_218 = arith.constant 0 : i32
        %dma_wait3A_219 = tpu.memref_slice %arg3[%dma_wait3A_218, %mul3A_212] : memref<2x160000xi32, #tpu.memory_space<hbm>> -> memref<2x128xi32, #tpu.memory_space<hbm>>
        %dma_wait3A_220 = arith.constant 0 : i32
        %dma_wait3A_221 = arith.constant 0 : i32
        %dma_wait3A_222 = tpu.memref_slice %arg6[%dma_wait3A_213, %dma_wait3A_220, %dma_wait3A_221] : memref<4x2x128xi32, #tpu.memory_space<vmem>> -> memref<1x2x128xi32, #tpu.memory_space<vmem>>
        %dma_wait3A_223 = tpu.memref_squeeze %dma_wait3A_222 : memref<1x2x128xi32, #tpu.memory_space<vmem>> -> memref<2x128xi32, #tpu.memory_space<vmem>>
        %dma_wait3A_224 = arith.constant 0 : i32
        %dma_wait3A_225 = tpu.memref_slice %arg3[%dma_wait3A_224, %mul3A_212] : memref<2x160000xi32, #tpu.memory_space<hbm>> -> memref<2x128xi32, #tpu.memory_space<hbm>>
        tpu.wait_dma2 semaphore(%arg12 : memref<!tpu.dma_semaphore, #tpu.memory_space<semaphore_mem>>) src(%dma_wait3A_225 : memref<2x128xi32, #tpu.memory_space<hbm>>) dst(%dma_wait3A_223 : memref<2x128xi32, #tpu.memory_space<vmem>>)
        %dma_start3A_226 = arith.constant 2 : i32
        %dma_start3A_227 = arith.constant 0 : i32
        %dma_start3A_228 = arith.constant 0 : i32
        %dma_start3A_229 = tpu.memref_slice %arg6[%dma_start3A_226, %dma_start3A_227, %dma_start3A_228] : memref<4x2x128xi32, #tpu.memory_space<vmem>> -> memref<1x1x128xi32, #tpu.memory_space<vmem>>
        %dma_start3A_230 = tpu.memref_squeeze %dma_start3A_229 : memref<1x1x128xi32, #tpu.memory_space<vmem>> -> memref<128xi32, #tpu.memory_space<vmem>>
        %dma_start3A_231 = arith.constant 0 : i32
        %dma_start3A_232 = arith.constant 0 : i32
        %dma_start3A_233 = tpu.memref_slice %arg2[%dma_start3A_231, %dma_start3A_232] : memref<10240x128xf32, #tpu.memory_space<hbm>> -> memref<10240x128xf32, #tpu.memory_space<hbm>>
        tpu.enqueue_indirect_dma source(%dma_start3A_233 : memref<10240x128xf32, #tpu.memory_space<hbm>>) target(%arg7 : memref<128x128xf32, #tpu.memory_space<vmem>>) offsets(%dma_start3A_230 : memref<128xi32, #tpu.memory_space<vmem>>) semaphore(%arg14 : memref<!tpu.dma_semaphore, #tpu.memory_space<semaphore_mem>>)
      } else {
      }
      %add3A_159 = arith.constant 1 : i32
      %add3A_160 = arith.addi %mul3A_131, %add3A_159 : i32
      %lt3A_161 = arith.cmpi slt, %add3A_160, %add3A_15 : i32
      %convert_element_type3A_162 = arith.extui %lt3A_161 : i1 to i32
      %cond3A_163 = arith.constant 0 : i32
      %cond3A_164 = arith.cmpi ne, %convert_element_type3A_162, %cond3A_163 : i32
      scf.if %cond3A_164 {
        %dma_wait3A_208 = arith.constant 1 : i32
        %dma_wait3A_209 = arith.constant 0 : i32
        %dma_wait3A_210 = arith.constant 0 : i32
        %dma_wait3A_211 = tpu.memref_slice %arg6[%dma_wait3A_208, %dma_wait3A_209, %dma_wait3A_210] : memref<4x2x128xi32, #tpu.memory_space<vmem>> -> memref<1x1x128xi32, #tpu.memory_space<vmem>>
        %dma_wait3A_212 = tpu.memref_squeeze %dma_wait3A_211 : memref<1x1x128xi32, #tpu.memory_space<vmem>> -> memref<128xi32, #tpu.memory_space<vmem>>
        %dma_wait3A_213 = arith.constant 0 : i32
        %dma_wait3A_214 = arith.constant 0 : i32
        %dma_wait3A_215 = tpu.memref_slice %arg2[%dma_wait3A_213, %dma_wait3A_214] : memref<10240x128xf32, #tpu.memory_space<hbm>> -> memref<10240x128xf32, #tpu.memory_space<hbm>>
        tpu.wait_indirect_dma semaphore(%arg15 : memref<!tpu.dma_semaphore, #tpu.memory_space<semaphore_mem>>) src(%dma_wait3A_215 : memref<10240x128xf32, #tpu.memory_space<hbm>>) dst(%arg8 : memref<128x128xf32, #tpu.memory_space<vmem>>)
        %run_scoped3A_216 = arith.constant 1 : i32
        %run_scoped3A_217 = arith.constant 1 : i32
        "tpu.region"() ({
          %run_scoped3A_218 = tpu.sem_alloc : memref<!tpu.dma_semaphore, #tpu.memory_space<semaphore_mem>>
          %dma_start3A_219 = arith.constant 0 : i32
          %dma_start3A_220 = tpu.memref_slice %arg6[%run_scoped3A_216, %run_scoped3A_217, %dma_start3A_219] : memref<4x2x128xi32, #tpu.memory_space<vmem>> -> memref<1x1x128xi32, #tpu.memory_space<vmem>>
          %dma_start3A_221 = tpu.memref_squeeze %dma_start3A_220 : memref<1x1x128xi32, #tpu.memory_space<vmem>> -> memref<128xi32, #tpu.memory_space<vmem>>
          %dma_start3A_222 = arith.constant 0 : i32
          %dma_start3A_223 = arith.constant 0 : i32
          %dma_start3A_224 = tpu.memref_slice %arg9[%dma_start3A_222, %dma_start3A_223] : memref<10240x128xf32, #tpu.memory_space<vmem_shared>> -> memref<10240x128xf32, #tpu.memory_space<vmem_shared>>
          tpu.enqueue_indirect_dma source(%arg8 : memref<128x128xf32, #tpu.memory_space<vmem>>) target(%dma_start3A_224 : memref<10240x128xf32, #tpu.memory_space<vmem_shared>>) offsets(%dma_start3A_221 : memref<128xi32, #tpu.memory_space<vmem>>) semaphore(%run_scoped3A_218 : memref<!tpu.dma_semaphore, #tpu.memory_space<semaphore_mem>>) {add = true}
          %dma_wait3A_225 = arith.constant 0 : i32
          %dma_wait3A_226 = tpu.memref_slice %arg6[%run_scoped3A_216, %run_scoped3A_217, %dma_wait3A_225] : memref<4x2x128xi32, #tpu.memory_space<vmem>> -> memref<1x1x128xi32, #tpu.memory_space<vmem>>
          %dma_wait3A_227 = tpu.memref_squeeze %dma_wait3A_226 : memref<1x1x128xi32, #tpu.memory_space<vmem>> -> memref<128xi32, #tpu.memory_space<vmem>>
          %dma_wait3A_228 = arith.constant 0 : i32
          %dma_wait3A_229 = arith.constant 0 : i32
          %dma_wait3A_230 = tpu.memref_slice %arg9[%dma_wait3A_228, %dma_wait3A_229] : memref<10240x128xf32, #tpu.memory_space<vmem_shared>> -> memref<10240x128xf32, #tpu.memory_space<vmem_shared>>
          tpu.wait_indirect_dma semaphore(%run_scoped3A_218 : memref<!tpu.dma_semaphore, #tpu.memory_space<semaphore_mem>>) src(%arg8 : memref<128x128xf32, #tpu.memory_space<vmem>>) dst(%dma_wait3A_230 : memref<10240x128xf32, #tpu.memory_space<vmem_shared>>)
          tpu.yield
        }) : () -> ()
      } else {
      }
      %add3A_165 = arith.constant 4 : i32
      %add3A_166 = arith.addi %mul3A_131, %add3A_165 : i32
      %lt3A_167 = arith.cmpi slt, %add3A_166, %add3A_15 : i32
      %convert_element_type3A_168 = arith.extui %lt3A_167 : i1 to i32
      %cond3A_169 = arith.constant 0 : i32
      %cond3A_170 = arith.cmpi ne, %convert_element_type3A_168, %cond3A_169 : i32
      scf.if %cond3A_170 {
        %add3A_208 = arith.constant 4 : i32
        %add3A_209 = arith.addi %mul3A_131, %add3A_208 : i32
        %add3A_210 = arith.addi %add3A_11, %add3A_209 : i32
        %mul3A_211 = arith.constant 128 : i32
        %mul3A_212 = arith.muli %add3A_210, %mul3A_211 : i32
        %dma_start3A_213 = arith.constant 0 : i32
        %dma_start3A_214 = arith.constant 0 : i32
        %dma_start3A_215 = arith.constant 0 : i32
        %dma_start3A_216 = tpu.memref_slice %arg6[%dma_start3A_213, %dma_start3A_214, %dma_start3A_215] : memref<4x2x128xi32, #tpu.memory_space<vmem>> -> memref<1x2x128xi32, #tpu.memory_space<vmem>>
        %dma_start3A_217 = tpu.memref_squeeze %dma_start3A_216 : memref<1x2x128xi32, #tpu.memory_space<vmem>> -> memref<2x128xi32, #tpu.memory_space<vmem>>
        %dma_start3A_218 = arith.constant 0 : i32
        %dma_start3A_219 = tpu.memref_slice %arg3[%dma_start3A_218, %mul3A_212] : memref<2x160000xi32, #tpu.memory_space<hbm>> -> memref<2x128xi32, #tpu.memory_space<hbm>>
        %dma_start3A_220 = arith.constant 0 : i32
        %dma_start3A_221 = arith.constant 0 : i32
        %dma_start3A_222 = tpu.memref_slice %arg6[%dma_start3A_213, %dma_start3A_220, %dma_start3A_221] : memref<4x2x128xi32, #tpu.memory_space<vmem>> -> memref<1x2x128xi32, #tpu.memory_space<vmem>>
        %dma_start3A_223 = tpu.memref_squeeze %dma_start3A_222 : memref<1x2x128xi32, #tpu.memory_space<vmem>> -> memref<2x128xi32, #tpu.memory_space<vmem>>
        %dma_start3A_224 = arith.constant 0 : i32
        %dma_start3A_225 = tpu.memref_slice %arg3[%dma_start3A_224, %mul3A_212] : memref<2x160000xi32, #tpu.memory_space<hbm>> -> memref<2x128xi32, #tpu.memory_space<hbm>>
        tpu.enqueue_dma source(%dma_start3A_225 : memref<2x128xi32, #tpu.memory_space<hbm>>) target(%dma_start3A_223 : memref<2x128xi32, #tpu.memory_space<vmem>>) target_semaphore(%arg10 : memref<!tpu.dma_semaphore, #tpu.memory_space<semaphore_mem>>)
      } else {
      }
      %add3A_171 = arith.constant 3 : i32
      %add3A_172 = arith.addi %mul3A_131, %add3A_171 : i32
      %lt3A_173 = arith.cmpi slt, %add3A_172, %add3A_15 : i32
      %convert_element_type3A_174 = arith.extui %lt3A_173 : i1 to i32
      %cond3A_175 = arith.constant 0 : i32
      %cond3A_176 = arith.cmpi ne, %convert_element_type3A_174, %cond3A_175 : i32
      scf.if %cond3A_176 {
        %add3A_208 = arith.constant 3 : i32
        %add3A_209 = arith.addi %mul3A_131, %add3A_208 : i32
        %add3A_210 = arith.addi %add3A_11, %add3A_209 : i32
        %mul3A_211 = arith.constant 128 : i32
        %mul3A_212 = arith.muli %add3A_210, %mul3A_211 : i32
        %dma_wait3A_213 = arith.constant 3 : i32
        %dma_wait3A_214 = arith.constant 0 : i32
        %dma_wait3A_215 = arith.constant 0 : i32
        %dma_wait3A_216 = tpu.memref_slice %arg6[%dma_wait3A_213, %dma_wait3A_214, %dma_wait3A_215] : memref<4x2x128xi32, #tpu.memory_space<vmem>> -> memref<1x2x128xi32, #tpu.memory_space<vmem>>
        %dma_wait3A_217 = tpu.memref_squeeze %dma_wait3A_216 : memref<1x2x128xi32, #tpu.memory_space<vmem>> -> memref<2x128xi32, #tpu.memory_space<vmem>>
        %dma_wait3A_218 = arith.constant 0 : i32
        %dma_wait3A_219 = tpu.memref_slice %arg3[%dma_wait3A_218, %mul3A_212] : memref<2x160000xi32, #tpu.memory_space<hbm>> -> memref<2x128xi32, #tpu.memory_space<hbm>>
        %dma_wait3A_220 = arith.constant 0 : i32
        %dma_wait3A_221 = arith.constant 0 : i32
        %dma_wait3A_222 = tpu.memref_slice %arg6[%dma_wait3A_213, %dma_wait3A_220, %dma_wait3A_221] : memref<4x2x128xi32, #tpu.memory_space<vmem>> -> memref<1x2x128xi32, #tpu.memory_space<vmem>>
        %dma_wait3A_223 = tpu.memref_squeeze %dma_wait3A_222 : memref<1x2x128xi32, #tpu.memory_space<vmem>> -> memref<2x128xi32, #tpu.memory_space<vmem>>
        %dma_wait3A_224 = arith.constant 0 : i32
        %dma_wait3A_225 = tpu.memref_slice %arg3[%dma_wait3A_224, %mul3A_212] : memref<2x160000xi32, #tpu.memory_space<hbm>> -> memref<2x128xi32, #tpu.memory_space<hbm>>
        tpu.wait_dma2 semaphore(%arg13 : memref<!tpu.dma_semaphore, #tpu.memory_space<semaphore_mem>>) src(%dma_wait3A_225 : memref<2x128xi32, #tpu.memory_space<hbm>>) dst(%dma_wait3A_223 : memref<2x128xi32, #tpu.memory_space<vmem>>)
        %dma_start3A_226 = arith.constant 3 : i32
        %dma_start3A_227 = arith.constant 0 : i32
        %dma_start3A_228 = arith.constant 0 : i32
        %dma_start3A_229 = tpu.memref_slice %arg6[%dma_start3A_226, %dma_start3A_227, %dma_start3A_228] : memref<4x2x128xi32, #tpu.memory_space<vmem>> -> memref<1x1x128xi32, #tpu.memory_space<vmem>>
        %dma_start3A_230 = tpu.memref_squeeze %dma_start3A_229 : memref<1x1x128xi32, #tpu.memory_space<vmem>> -> memref<128xi32, #tpu.memory_space<vmem>>
        %dma_start3A_231 = arith.constant 0 : i32
        %dma_start3A_232 = arith.constant 0 : i32
        %dma_start3A_233 = tpu.memref_slice %arg2[%dma_start3A_231, %dma_start3A_232] : memref<10240x128xf32, #tpu.memory_space<hbm>> -> memref<10240x128xf32, #tpu.memory_space<hbm>>
        tpu.enqueue_indirect_dma source(%dma_start3A_233 : memref<10240x128xf32, #tpu.memory_space<hbm>>) target(%arg8 : memref<128x128xf32, #tpu.memory_space<vmem>>) offsets(%dma_start3A_230 : memref<128xi32, #tpu.memory_space<vmem>>) semaphore(%arg15 : memref<!tpu.dma_semaphore, #tpu.memory_space<semaphore_mem>>)
      } else {
      }
      %add3A_177 = arith.constant 2 : i32
      %add3A_178 = arith.addi %mul3A_131, %add3A_177 : i32
      %lt3A_179 = arith.cmpi slt, %add3A_178, %add3A_15 : i32
      %convert_element_type3A_180 = arith.extui %lt3A_179 : i1 to i32
      %cond3A_181 = arith.constant 0 : i32
      %cond3A_182 = arith.cmpi ne, %convert_element_type3A_180, %cond3A_181 : i32
      scf.if %cond3A_182 {
        %dma_wait3A_208 = arith.constant 2 : i32
        %dma_wait3A_209 = arith.constant 0 : i32
        %dma_wait3A_210 = arith.constant 0 : i32
        %dma_wait3A_211 = tpu.memref_slice %arg6[%dma_wait3A_208, %dma_wait3A_209, %dma_wait3A_210] : memref<4x2x128xi32, #tpu.memory_space<vmem>> -> memref<1x1x128xi32, #tpu.memory_space<vmem>>
        %dma_wait3A_212 = tpu.memref_squeeze %dma_wait3A_211 : memref<1x1x128xi32, #tpu.memory_space<vmem>> -> memref<128xi32, #tpu.memory_space<vmem>>
        %dma_wait3A_213 = arith.constant 0 : i32
        %dma_wait3A_214 = arith.constant 0 : i32
        %dma_wait3A_215 = tpu.memref_slice %arg2[%dma_wait3A_213, %dma_wait3A_214] : memref<10240x128xf32, #tpu.memory_space<hbm>> -> memref<10240x128xf32, #tpu.memory_space<hbm>>
        tpu.wait_indirect_dma semaphore(%arg14 : memref<!tpu.dma_semaphore, #tpu.memory_space<semaphore_mem>>) src(%dma_wait3A_215 : memref<10240x128xf32, #tpu.memory_space<hbm>>) dst(%arg7 : memref<128x128xf32, #tpu.memory_space<vmem>>)
        %run_scoped3A_216 = arith.constant 2 : i32
        %run_scoped3A_217 = arith.constant 1 : i32
        "tpu.region"() ({
          %run_scoped3A_218 = tpu.sem_alloc : memref<!tpu.dma_semaphore, #tpu.memory_space<semaphore_mem>>
          %dma_start3A_219 = arith.constant 0 : i32
          %dma_start3A_220 = tpu.memref_slice %arg6[%run_scoped3A_216, %run_scoped3A_217, %dma_start3A_219] : memref<4x2x128xi32, #tpu.memory_space<vmem>> -> memref<1x1x128xi32, #tpu.memory_space<vmem>>
          %dma_start3A_221 = tpu.memref_squeeze %dma_start3A_220 : memref<1x1x128xi32, #tpu.memory_space<vmem>> -> memref<128xi32, #tpu.memory_space<vmem>>
          %dma_start3A_222 = arith.constant 0 : i32
          %dma_start3A_223 = arith.constant 0 : i32
          %dma_start3A_224 = tpu.memref_slice %arg9[%dma_start3A_222, %dma_start3A_223] : memref<10240x128xf32, #tpu.memory_space<vmem_shared>> -> memref<10240x128xf32, #tpu.memory_space<vmem_shared>>
          tpu.enqueue_indirect_dma source(%arg7 : memref<128x128xf32, #tpu.memory_space<vmem>>) target(%dma_start3A_224 : memref<10240x128xf32, #tpu.memory_space<vmem_shared>>) offsets(%dma_start3A_221 : memref<128xi32, #tpu.memory_space<vmem>>) semaphore(%run_scoped3A_218 : memref<!tpu.dma_semaphore, #tpu.memory_space<semaphore_mem>>) {add = true}
          %dma_wait3A_225 = arith.constant 0 : i32
          %dma_wait3A_226 = tpu.memref_slice %arg6[%run_scoped3A_216, %run_scoped3A_217, %dma_wait3A_225] : memref<4x2x128xi32, #tpu.memory_space<vmem>> -> memref<1x1x128xi32, #tpu.memory_space<vmem>>
          %dma_wait3A_227 = tpu.memref_squeeze %dma_wait3A_226 : memref<1x1x128xi32, #tpu.memory_space<vmem>> -> memref<128xi32, #tpu.memory_space<vmem>>
          %dma_wait3A_228 = arith.constant 0 : i32
          %dma_wait3A_229 = arith.constant 0 : i32
          %dma_wait3A_230 = tpu.memref_slice %arg9[%dma_wait3A_228, %dma_wait3A_229] : memref<10240x128xf32, #tpu.memory_space<vmem_shared>> -> memref<10240x128xf32, #tpu.memory_space<vmem_shared>>
          tpu.wait_indirect_dma semaphore(%run_scoped3A_218 : memref<!tpu.dma_semaphore, #tpu.memory_space<semaphore_mem>>) src(%arg7 : memref<128x128xf32, #tpu.memory_space<vmem>>) dst(%dma_wait3A_230 : memref<10240x128xf32, #tpu.memory_space<vmem_shared>>)
          tpu.yield
        }) : () -> ()
      } else {
      }
      %add3A_183 = arith.constant 5 : i32
      %add3A_184 = arith.addi %mul3A_131, %add3A_183 : i32
      %lt3A_185 = arith.cmpi slt, %add3A_184, %add3A_15 : i32
      %convert_element_type3A_186 = arith.extui %lt3A_185 : i1 to i32
      %cond3A_187 = arith.constant 0 : i32
      %cond3A_188 = arith.cmpi ne, %convert_element_type3A_186, %cond3A_187 : i32
      scf.if %cond3A_188 {
        %add3A_208 = arith.constant 5 : i32
        %add3A_209 = arith.addi %mul3A_131, %add3A_208 : i32
        %add3A_210 = arith.addi %add3A_11, %add3A_209 : i32
        %mul3A_211 = arith.constant 128 : i32
        %mul3A_212 = arith.muli %add3A_210, %mul3A_211 : i32
        %dma_start3A_213 = arith.constant 1 : i32
        %dma_start3A_214 = arith.constant 0 : i32
        %dma_start3A_215 = arith.constant 0 : i32
        %dma_start3A_216 = tpu.memref_slice %arg6[%dma_start3A_213, %dma_start3A_214, %dma_start3A_215] : memref<4x2x128xi32, #tpu.memory_space<vmem>> -> memref<1x2x128xi32, #tpu.memory_space<vmem>>
        %dma_start3A_217 = tpu.memref_squeeze %dma_start3A_216 : memref<1x2x128xi32, #tpu.memory_space<vmem>> -> memref<2x128xi32, #tpu.memory_space<vmem>>
        %dma_start3A_218 = arith.constant 0 : i32
        %dma_start3A_219 = tpu.memref_slice %arg3[%dma_start3A_218, %mul3A_212] : memref<2x160000xi32, #tpu.memory_space<hbm>> -> memref<2x128xi32, #tpu.memory_space<hbm>>
        %dma_start3A_220 = arith.constant 0 : i32
        %dma_start3A_221 = arith.constant 0 : i32
        %dma_start3A_222 = tpu.memref_slice %arg6[%dma_start3A_213, %dma_start3A_220, %dma_start3A_221] : memref<4x2x128xi32, #tpu.memory_space<vmem>> -> memref<1x2x128xi32, #tpu.memory_space<vmem>>
        %dma_start3A_223 = tpu.memref_squeeze %dma_start3A_222 : memref<1x2x128xi32, #tpu.memory_space<vmem>> -> memref<2x128xi32, #tpu.memory_space<vmem>>
        %dma_start3A_224 = arith.constant 0 : i32
        %dma_start3A_225 = tpu.memref_slice %arg3[%dma_start3A_224, %mul3A_212] : memref<2x160000xi32, #tpu.memory_space<hbm>> -> memref<2x128xi32, #tpu.memory_space<hbm>>
        tpu.enqueue_dma source(%dma_start3A_225 : memref<2x128xi32, #tpu.memory_space<hbm>>) target(%dma_start3A_223 : memref<2x128xi32, #tpu.memory_space<vmem>>) target_semaphore(%arg11 : memref<!tpu.dma_semaphore, #tpu.memory_space<semaphore_mem>>)
      } else {
      }
      %add3A_189 = arith.constant 4 : i32
      %add3A_190 = arith.addi %mul3A_131, %add3A_189 : i32
      %lt3A_191 = arith.cmpi slt, %add3A_190, %add3A_15 : i32
      %convert_element_type3A_192 = arith.extui %lt3A_191 : i1 to i32
      %cond3A_193 = arith.constant 0 : i32
      %cond3A_194 = arith.cmpi ne, %convert_element_type3A_192, %cond3A_193 : i32
      scf.if %cond3A_194 {
        %add3A_208 = arith.constant 4 : i32
        %add3A_209 = arith.addi %mul3A_131, %add3A_208 : i32
        %add3A_210 = arith.addi %add3A_11, %add3A_209 : i32
        %mul3A_211 = arith.constant 128 : i32
        %mul3A_212 = arith.muli %add3A_210, %mul3A_211 : i32
        %dma_wait3A_213 = arith.constant 0 : i32
        %dma_wait3A_214 = arith.constant 0 : i32
        %dma_wait3A_215 = arith.constant 0 : i32
        %dma_wait3A_216 = tpu.memref_slice %arg6[%dma_wait3A_213, %dma_wait3A_214, %dma_wait3A_215] : memref<4x2x128xi32, #tpu.memory_space<vmem>> -> memref<1x2x128xi32, #tpu.memory_space<vmem>>
        %dma_wait3A_217 = tpu.memref_squeeze %dma_wait3A_216 : memref<1x2x128xi32, #tpu.memory_space<vmem>> -> memref<2x128xi32, #tpu.memory_space<vmem>>
        %dma_wait3A_218 = arith.constant 0 : i32
        %dma_wait3A_219 = tpu.memref_slice %arg3[%dma_wait3A_218, %mul3A_212] : memref<2x160000xi32, #tpu.memory_space<hbm>> -> memref<2x128xi32, #tpu.memory_space<hbm>>
        %dma_wait3A_220 = arith.constant 0 : i32
        %dma_wait3A_221 = arith.constant 0 : i32
        %dma_wait3A_222 = tpu.memref_slice %arg6[%dma_wait3A_213, %dma_wait3A_220, %dma_wait3A_221] : memref<4x2x128xi32, #tpu.memory_space<vmem>> -> memref<1x2x128xi32, #tpu.memory_space<vmem>>
        %dma_wait3A_223 = tpu.memref_squeeze %dma_wait3A_222 : memref<1x2x128xi32, #tpu.memory_space<vmem>> -> memref<2x128xi32, #tpu.memory_space<vmem>>
        %dma_wait3A_224 = arith.constant 0 : i32
        %dma_wait3A_225 = tpu.memref_slice %arg3[%dma_wait3A_224, %mul3A_212] : memref<2x160000xi32, #tpu.memory_space<hbm>> -> memref<2x128xi32, #tpu.memory_space<hbm>>
        tpu.wait_dma2 semaphore(%arg10 : memref<!tpu.dma_semaphore, #tpu.memory_space<semaphore_mem>>) src(%dma_wait3A_225 : memref<2x128xi32, #tpu.memory_space<hbm>>) dst(%dma_wait3A_223 : memref<2x128xi32, #tpu.memory_space<vmem>>)
        %dma_start3A_226 = arith.constant 0 : i32
        %dma_start3A_227 = arith.constant 0 : i32
        %dma_start3A_228 = arith.constant 0 : i32
        %dma_start3A_229 = tpu.memref_slice %arg6[%dma_start3A_226, %dma_start3A_227, %dma_start3A_228] : memref<4x2x128xi32, #tpu.memory_space<vmem>> -> memref<1x1x128xi32, #tpu.memory_space<vmem>>
        %dma_start3A_230 = tpu.memref_squeeze %dma_start3A_229 : memref<1x1x128xi32, #tpu.memory_space<vmem>> -> memref<128xi32, #tpu.memory_space<vmem>>
        %dma_start3A_231 = arith.constant 0 : i32
        %dma_start3A_232 = arith.constant 0 : i32
        %dma_start3A_233 = tpu.memref_slice %arg2[%dma_start3A_231, %dma_start3A_232] : memref<10240x128xf32, #tpu.memory_space<hbm>> -> memref<10240x128xf32, #tpu.memory_space<hbm>>
        tpu.enqueue_indirect_dma source(%dma_start3A_233 : memref<10240x128xf32, #tpu.memory_space<hbm>>) target(%arg7 : memref<128x128xf32, #tpu.memory_space<vmem>>) offsets(%dma_start3A_230 : memref<128xi32, #tpu.memory_space<vmem>>) semaphore(%arg14 : memref<!tpu.dma_semaphore, #tpu.memory_space<semaphore_mem>>)
      } else {
      }
      %add3A_195 = arith.constant 3 : i32
      %add3A_196 = arith.addi %mul3A_131, %add3A_195 : i32
      %lt3A_197 = arith.cmpi slt, %add3A_196, %add3A_15 : i32
      %convert_element_type3A_198 = arith.extui %lt3A_197 : i1 to i32
      %cond3A_199 = arith.constant 0 : i32
      %cond3A_200 = arith.cmpi ne, %convert_element_type3A_198, %cond3A_199 : i32
      scf.if %cond3A_200 {
        %dma_wait3A_208 = arith.constant 3 : i32
        %dma_wait3A_209 = arith.constant 0 : i32
        %dma_wait3A_210 = arith.constant 0 : i32
        %dma_wait3A_211 = tpu.memref_slice %arg6[%dma_wait3A_208, %dma_wait3A_209, %dma_wait3A_210] : memref<4x2x128xi32, #tpu.memory_space<vmem>> -> memref<1x1x128xi32, #tpu.memory_space<vmem>>
        %dma_wait3A_212 = tpu.memref_squeeze %dma_wait3A_211 : memref<1x1x128xi32, #tpu.memory_space<vmem>> -> memref<128xi32, #tpu.memory_space<vmem>>
        %dma_wait3A_213 = arith.constant 0 : i32
        %dma_wait3A_214 = arith.constant 0 : i32
        %dma_wait3A_215 = tpu.memref_slice %arg2[%dma_wait3A_213, %dma_wait3A_214] : memref<10240x128xf32, #tpu.memory_space<hbm>> -> memref<10240x128xf32, #tpu.memory_space<hbm>>
        tpu.wait_indirect_dma semaphore(%arg15 : memref<!tpu.dma_semaphore, #tpu.memory_space<semaphore_mem>>) src(%dma_wait3A_215 : memref<10240x128xf32, #tpu.memory_space<hbm>>) dst(%arg8 : memref<128x128xf32, #tpu.memory_space<vmem>>)
        %run_scoped3A_216 = arith.constant 3 : i32
        %run_scoped3A_217 = arith.constant 1 : i32
        "tpu.region"() ({
          %run_scoped3A_218 = tpu.sem_alloc : memref<!tpu.dma_semaphore, #tpu.memory_space<semaphore_mem>>
          %dma_start3A_219 = arith.constant 0 : i32
          %dma_start3A_220 = tpu.memref_slice %arg6[%run_scoped3A_216, %run_scoped3A_217, %dma_start3A_219] : memref<4x2x128xi32, #tpu.memory_space<vmem>> -> memref<1x1x128xi32, #tpu.memory_space<vmem>>
          %dma_start3A_221 = tpu.memref_squeeze %dma_start3A_220 : memref<1x1x128xi32, #tpu.memory_space<vmem>> -> memref<128xi32, #tpu.memory_space<vmem>>
          %dma_start3A_222 = arith.constant 0 : i32
          %dma_start3A_223 = arith.constant 0 : i32
          %dma_start3A_224 = tpu.memref_slice %arg9[%dma_start3A_222, %dma_start3A_223] : memref<10240x128xf32, #tpu.memory_space<vmem_shared>> -> memref<10240x128xf32, #tpu.memory_space<vmem_shared>>
          tpu.enqueue_indirect_dma source(%arg8 : memref<128x128xf32, #tpu.memory_space<vmem>>) target(%dma_start3A_224 : memref<10240x128xf32, #tpu.memory_space<vmem_shared>>) offsets(%dma_start3A_221 : memref<128xi32, #tpu.memory_space<vmem>>) semaphore(%run_scoped3A_218 : memref<!tpu.dma_semaphore, #tpu.memory_space<semaphore_mem>>) {add = true}
          %dma_wait3A_225 = arith.constant 0 : i32
          %dma_wait3A_226 = tpu.memref_slice %arg6[%run_scoped3A_216, %run_scoped3A_217, %dma_wait3A_225] : memref<4x2x128xi32, #tpu.memory_space<vmem>> -> memref<1x1x128xi32, #tpu.memory_space<vmem>>
          %dma_wait3A_227 = tpu.memref_squeeze %dma_wait3A_226 : memref<1x1x128xi32, #tpu.memory_space<vmem>> -> memref<128xi32, #tpu.memory_space<vmem>>
          %dma_wait3A_228 = arith.constant 0 : i32
          %dma_wait3A_229 = arith.constant 0 : i32
          %dma_wait3A_230 = tpu.memref_slice %arg9[%dma_wait3A_228, %dma_wait3A_229] : memref<10240x128xf32, #tpu.memory_space<vmem_shared>> -> memref<10240x128xf32, #tpu.memory_space<vmem_shared>>
          tpu.wait_indirect_dma semaphore(%run_scoped3A_218 : memref<!tpu.dma_semaphore, #tpu.memory_space<semaphore_mem>>) src(%arg8 : memref<128x128xf32, #tpu.memory_space<vmem>>) dst(%dma_wait3A_230 : memref<10240x128xf32, #tpu.memory_space<vmem_shared>>)
          tpu.yield
        }) : () -> ()
      } else {
      }
      %add3A_201 = arith.constant 6 : i32
      %add3A_202 = arith.addi %mul3A_131, %add3A_201 : i32
      %lt3A_203 = arith.cmpi slt, %add3A_202, %add3A_15 : i32
      %convert_element_type3A_204 = arith.extui %lt3A_203 : i1 to i32
      %cond3A_205 = arith.constant 0 : i32
      %cond3A_206 = arith.cmpi ne, %convert_element_type3A_204, %cond3A_205 : i32
      scf.if %cond3A_206 {
        %add3A_208 = arith.constant 6 : i32
        %add3A_209 = arith.addi %mul3A_131, %add3A_208 : i32
        %add3A_210 = arith.addi %add3A_11, %add3A_209 : i32
        %mul3A_211 = arith.constant 128 : i32
        %mul3A_212 = arith.muli %add3A_210, %mul3A_211 : i32
        %dma_start3A_213 = arith.constant 2 : i32
        %dma_start3A_214 = arith.constant 0 : i32
        %dma_start3A_215 = arith.constant 0 : i32
        %dma_start3A_216 = tpu.memref_slice %arg6[%dma_start3A_213, %dma_start3A_214, %dma_start3A_215] : memref<4x2x128xi32, #tpu.memory_space<vmem>> -> memref<1x2x128xi32, #tpu.memory_space<vmem>>
        %dma_start3A_217 = tpu.memref_squeeze %dma_start3A_216 : memref<1x2x128xi32, #tpu.memory_space<vmem>> -> memref<2x128xi32, #tpu.memory_space<vmem>>
        %dma_start3A_218 = arith.constant 0 : i32
        %dma_start3A_219 = tpu.memref_slice %arg3[%dma_start3A_218, %mul3A_212] : memref<2x160000xi32, #tpu.memory_space<hbm>> -> memref<2x128xi32, #tpu.memory_space<hbm>>
        %dma_start3A_220 = arith.constant 0 : i32
        %dma_start3A_221 = arith.constant 0 : i32
        %dma_start3A_222 = tpu.memref_slice %arg6[%dma_start3A_213, %dma_start3A_220, %dma_start3A_221] : memref<4x2x128xi32, #tpu.memory_space<vmem>> -> memref<1x2x128xi32, #tpu.memory_space<vmem>>
        %dma_start3A_223 = tpu.memref_squeeze %dma_start3A_222 : memref<1x2x128xi32, #tpu.memory_space<vmem>> -> memref<2x128xi32, #tpu.memory_space<vmem>>
        %dma_start3A_224 = arith.constant 0 : i32
        %dma_start3A_225 = tpu.memref_slice %arg3[%dma_start3A_224, %mul3A_212] : memref<2x160000xi32, #tpu.memory_space<hbm>> -> memref<2x128xi32, #tpu.memory_space<hbm>>
        tpu.enqueue_dma source(%dma_start3A_225 : memref<2x128xi32, #tpu.memory_space<hbm>>) target(%dma_start3A_223 : memref<2x128xi32, #tpu.memory_space<vmem>>) target_semaphore(%arg12 : memref<!tpu.dma_semaphore, #tpu.memory_space<semaphore_mem>>)
      } else {
      }
      %while3A_207 = arith.constant 0 : i32
      scf.yield %while3A_207 : i32
    }
    %barrier3A_123 = arith.constant 0 : index
    tpu.barrier barrier_id(%barrier3A_123)
    %mul3A_124 = arith.constant 640 : i32
    %mul3A_125 = arith.muli %arg1, %mul3A_124 : i32
    %mul3A_126 = arith.constant 640 : i32
    %mul3A_127 = arith.muli %arg1, %mul3A_126 : i32
    "tpu.region"() ({
      %run_scoped3A = tpu.sem_alloc : memref<!tpu.dma_semaphore, #tpu.memory_space<semaphore_mem>>
      %dma_start3A_128 = arith.constant 0 : i32
      %dma_start3A_129 = tpu.memref_slice %arg5[%arg0, %mul3A_127, %dma_start3A_128] : memref<2x10240x128xf32, #tpu.memory_space<hbm>> -> memref<1x640x128xf32, #tpu.memory_space<hbm>>
      %dma_start3A_130 = tpu.memref_squeeze %dma_start3A_129 : memref<1x640x128xf32, #tpu.memory_space<hbm>> -> memref<640x128xf32, #tpu.memory_space<hbm>>
      %dma_start3A_131 = arith.constant 0 : i32
      %dma_start3A_132 = tpu.memref_slice %arg9[%mul3A_125, %dma_start3A_131] : memref<10240x128xf32, #tpu.memory_space<vmem_shared>> -> memref<640x128xf32, #tpu.memory_space<vmem_shared>>
      tpu.enqueue_dma source(%dma_start3A_132 : memref<640x128xf32, #tpu.memory_space<vmem_shared>>) target(%dma_start3A_130 : memref<640x128xf32, #tpu.memory_space<hbm>>) target_semaphore(%run_scoped3A : memref<!tpu.dma_semaphore, #tpu.memory_space<semaphore_mem>>)
      %dma_wait3A_133 = arith.constant 0 : i32
      %dma_wait3A_134 = tpu.memref_slice %arg5[%arg0, %mul3A_127, %dma_wait3A_133] : memref<2x10240x128xf32, #tpu.memory_space<hbm>> -> memref<1x640x128xf32, #tpu.memory_space<hbm>>
      %dma_wait3A_135 = tpu.memref_squeeze %dma_wait3A_134 : memref<1x640x128xf32, #tpu.memory_space<hbm>> -> memref<640x128xf32, #tpu.memory_space<hbm>>
      %dma_wait3A_136 = arith.constant 0 : i32
      %dma_wait3A_137 = tpu.memref_slice %arg9[%mul3A_125, %dma_wait3A_136] : memref<10240x128xf32, #tpu.memory_space<vmem_shared>> -> memref<640x128xf32, #tpu.memory_space<vmem_shared>>
      tpu.wait_dma2 semaphore(%run_scoped3A : memref<!tpu.dma_semaphore, #tpu.memory_space<semaphore_mem>>) src(%dma_wait3A_137 : memref<640x128xf32, #tpu.memory_space<vmem_shared>>) dst(%dma_wait3A_135 : memref<640x128xf32, #tpu.memory_space<hbm>>)
      tpu.yield
    }) : () -> ()
    return
  }
}

#map = affine_map<(d0, d1) -> (0, 0)>
#map1 = affine_map<(d0, d1) -> (0, 0, 0)>
module attributes {stable_mosaic.version = 14 : i64} {
  func.func @_agg1(%arg0: i32, %arg1: i32, %arg2: memref<20480x128xf32, #tpu.memory_space<hbm>>, %arg3: memref<2x160000xi32, #tpu.memory_space<hbm>>, %arg4: memref<2x10240x128xf32, #tpu.memory_space<hbm>>, %arg5: memref<4x2x128xi32, #tpu.memory_space<vmem>>, %arg6: memref<128x128xf32, #tpu.memory_space<vmem>>, %arg7: memref<128x128xf32, #tpu.memory_space<vmem>>, %arg8: memref<10240x128xf32, #tpu.memory_space<vmem_shared>>, %arg9: memref<!tpu.dma_semaphore, #tpu.memory_space<semaphore_mem>>, %arg10: memref<!tpu.dma_semaphore, #tpu.memory_space<semaphore_mem>>, %arg11: memref<!tpu.dma_semaphore, #tpu.memory_space<semaphore_mem>>, %arg12: memref<!tpu.dma_semaphore, #tpu.memory_space<semaphore_mem>>, %arg13: memref<!tpu.dma_semaphore, #tpu.memory_space<semaphore_mem>>, %arg14: memref<!tpu.dma_semaphore, #tpu.memory_space<semaphore_mem>>, %arg15: memref<!tpu.dma_semaphore, #tpu.memory_space<semaphore_mem>>) attributes {dimension_semantics = [#tpu.dimension_semantics<core_parallel>, #tpu.dimension_semantics<subcore_parallel>], iteration_bounds = array<i64: 2, 16>, scalar_prefetch = 0 : i64, scratch_operands = 11 : i64, tpu.core_type = #tpu.core_type<sc_vector_subcore>, window_params = [{transform_indices = #map}, {transform_indices = #map}, {transform_indices = #map1}]} {
    %mul3A = arith.constant 10240 : i32
    %mul3A_0 = arith.muli %arg0, %mul3A : i32
    %mul3A_1 = arith.constant 640 : i32
    %mul3A_2 = arith.muli %arg1, %mul3A_1 : i32
    %add3A = arith.addi %mul3A_0, %mul3A_2 : i32
    %mul3A_3 = arith.constant 640 : i32
    %mul3A_4 = arith.muli %arg1, %mul3A_3 : i32
    %dma_start3A = arith.constant 0 : i32
    %dma_start3A_5 = tpu.memref_slice %arg8[%mul3A_4, %dma_start3A] : memref<10240x128xf32, #tpu.memory_space<vmem_shared>> -> memref<640x128xf32, #tpu.memory_space<vmem_shared>>
    %dma_start3A_6 = arith.constant 0 : i32
    %dma_start3A_7 = tpu.memref_slice %arg2[%add3A, %dma_start3A_6] : memref<20480x128xf32, #tpu.memory_space<hbm>> -> memref<640x128xf32, #tpu.memory_space<hbm>>
    tpu.enqueue_dma source(%dma_start3A_7 : memref<640x128xf32, #tpu.memory_space<hbm>>) target(%dma_start3A_5 : memref<640x128xf32, #tpu.memory_space<vmem_shared>>) target_semaphore(%arg15 : memref<!tpu.dma_semaphore, #tpu.memory_space<semaphore_mem>>)
    %mul3A_8 = arith.constant 78 : i32
    %mul3A_9 = arith.muli %arg1, %mul3A_8 : i32
    %min3A = arith.constant 2 : i32
    %min3A_10 = arith.minsi %arg1, %min3A : i32
    %add3A_11 = arith.addi %mul3A_9, %min3A_10 : i32
    %lt3A = arith.constant 2 : i32
    %lt3A_12 = arith.cmpi slt, %arg1, %lt3A : i32
    %convert_element_type3A = arith.extui %lt3A_12 : i1 to i32
    %add3A_13 = arith.constant 78 : i32
    %add3A_14 = arith.addi %add3A_13, %convert_element_type3A : i32
    %mul3A_15 = arith.constant 10240 : i32
    %mul3A_16 = arith.muli %arg0, %mul3A_15 : i32
    %add3A_17 = arith.constant 0 : i32
    %add3A_18 = arith.addi %add3A_11, %add3A_17 : i32
    %mul3A_19 = arith.constant 128 : i32
    %mul3A_20 = arith.muli %add3A_18, %mul3A_19 : i32
    %dma_start3A_21 = arith.constant 0 : i32
    %dma_start3A_22 = arith.constant 0 : i32
    %dma_start3A_23 = arith.constant 0 : i32
    %dma_start3A_24 = tpu.memref_slice %arg5[%dma_start3A_21, %dma_start3A_22, %dma_start3A_23] : memref<4x2x128xi32, #tpu.memory_space<vmem>> -> memref<1x2x128xi32, #tpu.memory_space<vmem>>
    %dma_start3A_25 = tpu.memref_squeeze %dma_start3A_24 : memref<1x2x128xi32, #tpu.memory_space<vmem>> -> memref<2x128xi32, #tpu.memory_space<vmem>>
    %dma_start3A_26 = arith.constant 0 : i32
    %dma_start3A_27 = tpu.memref_slice %arg3[%dma_start3A_26, %mul3A_20] : memref<2x160000xi32, #tpu.memory_space<hbm>> -> memref<2x128xi32, #tpu.memory_space<hbm>>
    %dma_start3A_28 = arith.constant 0 : i32
    %dma_start3A_29 = arith.constant 0 : i32
    %dma_start3A_30 = tpu.memref_slice %arg5[%dma_start3A_21, %dma_start3A_28, %dma_start3A_29] : memref<4x2x128xi32, #tpu.memory_space<vmem>> -> memref<1x2x128xi32, #tpu.memory_space<vmem>>
    %dma_start3A_31 = tpu.memref_squeeze %dma_start3A_30 : memref<1x2x128xi32, #tpu.memory_space<vmem>> -> memref<2x128xi32, #tpu.memory_space<vmem>>
    %dma_start3A_32 = arith.constant 0 : i32
    %dma_start3A_33 = tpu.memref_slice %arg3[%dma_start3A_32, %mul3A_20] : memref<2x160000xi32, #tpu.memory_space<hbm>> -> memref<2x128xi32, #tpu.memory_space<hbm>>
    tpu.enqueue_dma source(%dma_start3A_33 : memref<2x128xi32, #tpu.memory_space<hbm>>) target(%dma_start3A_31 : memref<2x128xi32, #tpu.memory_space<vmem>>) target_semaphore(%arg9 : memref<!tpu.dma_semaphore, #tpu.memory_space<semaphore_mem>>)
    %add3A_34 = arith.constant 1 : i32
    %add3A_35 = arith.addi %add3A_11, %add3A_34 : i32
    %mul3A_36 = arith.constant 128 : i32
    %mul3A_37 = arith.muli %add3A_35, %mul3A_36 : i32
    %dma_start3A_38 = arith.constant 1 : i32
    %dma_start3A_39 = arith.constant 0 : i32
    %dma_start3A_40 = arith.constant 0 : i32
    %dma_start3A_41 = tpu.memref_slice %arg5[%dma_start3A_38, %dma_start3A_39, %dma_start3A_40] : memref<4x2x128xi32, #tpu.memory_space<vmem>> -> memref<1x2x128xi32, #tpu.memory_space<vmem>>
    %dma_start3A_42 = tpu.memref_squeeze %dma_start3A_41 : memref<1x2x128xi32, #tpu.memory_space<vmem>> -> memref<2x128xi32, #tpu.memory_space<vmem>>
    %dma_start3A_43 = arith.constant 0 : i32
    %dma_start3A_44 = tpu.memref_slice %arg3[%dma_start3A_43, %mul3A_37] : memref<2x160000xi32, #tpu.memory_space<hbm>> -> memref<2x128xi32, #tpu.memory_space<hbm>>
    %dma_start3A_45 = arith.constant 0 : i32
    %dma_start3A_46 = arith.constant 0 : i32
    %dma_start3A_47 = tpu.memref_slice %arg5[%dma_start3A_38, %dma_start3A_45, %dma_start3A_46] : memref<4x2x128xi32, #tpu.memory_space<vmem>> -> memref<1x2x128xi32, #tpu.memory_space<vmem>>
    %dma_start3A_48 = tpu.memref_squeeze %dma_start3A_47 : memref<1x2x128xi32, #tpu.memory_space<vmem>> -> memref<2x128xi32, #tpu.memory_space<vmem>>
    %dma_start3A_49 = arith.constant 0 : i32
    %dma_start3A_50 = tpu.memref_slice %arg3[%dma_start3A_49, %mul3A_37] : memref<2x160000xi32, #tpu.memory_space<hbm>> -> memref<2x128xi32, #tpu.memory_space<hbm>>
    tpu.enqueue_dma source(%dma_start3A_50 : memref<2x128xi32, #tpu.memory_space<hbm>>) target(%dma_start3A_48 : memref<2x128xi32, #tpu.memory_space<vmem>>) target_semaphore(%arg10 : memref<!tpu.dma_semaphore, #tpu.memory_space<semaphore_mem>>)
    %add3A_51 = arith.constant 2 : i32
    %add3A_52 = arith.addi %add3A_11, %add3A_51 : i32
    %mul3A_53 = arith.constant 128 : i32
    %mul3A_54 = arith.muli %add3A_52, %mul3A_53 : i32
    %dma_start3A_55 = arith.constant 2 : i32
    %dma_start3A_56 = arith.constant 0 : i32
    %dma_start3A_57 = arith.constant 0 : i32
    %dma_start3A_58 = tpu.memref_slice %arg5[%dma_start3A_55, %dma_start3A_56, %dma_start3A_57] : memref<4x2x128xi32, #tpu.memory_space<vmem>> -> memref<1x2x128xi32, #tpu.memory_space<vmem>>
    %dma_start3A_59 = tpu.memref_squeeze %dma_start3A_58 : memref<1x2x128xi32, #tpu.memory_space<vmem>> -> memref<2x128xi32, #tpu.memory_space<vmem>>
    %dma_start3A_60 = arith.constant 0 : i32
    %dma_start3A_61 = tpu.memref_slice %arg3[%dma_start3A_60, %mul3A_54] : memref<2x160000xi32, #tpu.memory_space<hbm>> -> memref<2x128xi32, #tpu.memory_space<hbm>>
    %dma_start3A_62 = arith.constant 0 : i32
    %dma_start3A_63 = arith.constant 0 : i32
    %dma_start3A_64 = tpu.memref_slice %arg5[%dma_start3A_55, %dma_start3A_62, %dma_start3A_63] : memref<4x2x128xi32, #tpu.memory_space<vmem>> -> memref<1x2x128xi32, #tpu.memory_space<vmem>>
    %dma_start3A_65 = tpu.memref_squeeze %dma_start3A_64 : memref<1x2x128xi32, #tpu.memory_space<vmem>> -> memref<2x128xi32, #tpu.memory_space<vmem>>
    %dma_start3A_66 = arith.constant 0 : i32
    %dma_start3A_67 = tpu.memref_slice %arg3[%dma_start3A_66, %mul3A_54] : memref<2x160000xi32, #tpu.memory_space<hbm>> -> memref<2x128xi32, #tpu.memory_space<hbm>>
    tpu.enqueue_dma source(%dma_start3A_67 : memref<2x128xi32, #tpu.memory_space<hbm>>) target(%dma_start3A_65 : memref<2x128xi32, #tpu.memory_space<vmem>>) target_semaphore(%arg11 : memref<!tpu.dma_semaphore, #tpu.memory_space<semaphore_mem>>)
    %add3A_68 = arith.constant 0 : i32
    %add3A_69 = arith.addi %add3A_11, %add3A_68 : i32
    %mul3A_70 = arith.constant 128 : i32
    %mul3A_71 = arith.muli %add3A_69, %mul3A_70 : i32
    %dma_wait3A = arith.constant 0 : i32
    %dma_wait3A_72 = arith.constant 0 : i32
    %dma_wait3A_73 = arith.constant 0 : i32
    %dma_wait3A_74 = tpu.memref_slice %arg5[%dma_wait3A, %dma_wait3A_72, %dma_wait3A_73] : memref<4x2x128xi32, #tpu.memory_space<vmem>> -> memref<1x2x128xi32, #tpu.memory_space<vmem>>
    %dma_wait3A_75 = tpu.memref_squeeze %dma_wait3A_74 : memref<1x2x128xi32, #tpu.memory_space<vmem>> -> memref<2x128xi32, #tpu.memory_space<vmem>>
    %dma_wait3A_76 = arith.constant 0 : i32
    %dma_wait3A_77 = tpu.memref_slice %arg3[%dma_wait3A_76, %mul3A_71] : memref<2x160000xi32, #tpu.memory_space<hbm>> -> memref<2x128xi32, #tpu.memory_space<hbm>>
    %dma_wait3A_78 = arith.constant 0 : i32
    %dma_wait3A_79 = arith.constant 0 : i32
    %dma_wait3A_80 = tpu.memref_slice %arg5[%dma_wait3A, %dma_wait3A_78, %dma_wait3A_79] : memref<4x2x128xi32, #tpu.memory_space<vmem>> -> memref<1x2x128xi32, #tpu.memory_space<vmem>>
    %dma_wait3A_81 = tpu.memref_squeeze %dma_wait3A_80 : memref<1x2x128xi32, #tpu.memory_space<vmem>> -> memref<2x128xi32, #tpu.memory_space<vmem>>
    %dma_wait3A_82 = arith.constant 0 : i32
    %dma_wait3A_83 = tpu.memref_slice %arg3[%dma_wait3A_82, %mul3A_71] : memref<2x160000xi32, #tpu.memory_space<hbm>> -> memref<2x128xi32, #tpu.memory_space<hbm>>
    tpu.wait_dma2 semaphore(%arg9 : memref<!tpu.dma_semaphore, #tpu.memory_space<semaphore_mem>>) src(%dma_wait3A_83 : memref<2x128xi32, #tpu.memory_space<hbm>>) dst(%dma_wait3A_81 : memref<2x128xi32, #tpu.memory_space<vmem>>)
    %scan3A = arith.constant 0 : i32
    %scan3A_84 = arith.constant 0 : i32
    %scan3A_85 = arith.constant 8 : i32
    %scan3A_86 = arith.addi %scan3A_84, %scan3A_85 : i32
    %scan3A_87 = arith.constant 1 : i32
    %scan3A_88 = scf.for %scan3A_136 = %scan3A_84 to %scan3A_86 step %scan3A_87 iter_args(%scan3A_137 = %scan3A) -> (i32)  : i32 {
      %mul3A_138 = arith.constant 16 : i32
      %mul3A_139 = arith.muli %scan3A_136, %mul3A_138 : i32
      %get3A = arith.constant 0 : i32
      %get3A_140 = arith.constant 0 : i32
      %get3A_141 = arith.index_cast %get3A : i32 to index
      %get3A_142 = arith.index_cast %get3A_140 : i32 to index
      %get3A_143 = arith.index_cast %mul3A_139 : i32 to index
      %get3A_144 = tpu.vector_load %arg5[%get3A_141, %get3A_142, %get3A_143] {strides = array<i32>} : memref<4x2x128xi32, #tpu.memory_space<vmem>>, vector<1x1x16xi32>,
      %get3A_145 = vector.shape_cast %get3A_144 : vector<1x1x16xi32> to vector<16xi32>
      %add3A_146 = vector.broadcast %mul3A_16 : i32 to vector<16xi32>
      %add3A_147 = arith.addi %get3A_145, %add3A_146 : vector<16xi32>
      %mul3A_148 = arith.constant 16 : i32
      %mul3A_149 = arith.muli %scan3A_136, %mul3A_148 : i32
      %swap3A = arith.constant 0 : i32
      %swap3A_150 = arith.constant 0 : i32
      %swap3A_151 = arith.index_cast %swap3A : i32 to index
      %swap3A_152 = arith.index_cast %swap3A_150 : i32 to index
      %swap3A_153 = arith.index_cast %mul3A_149 : i32 to index
      %swap3A_154 = tpu.vector_load %arg5[%swap3A_151, %swap3A_152, %swap3A_153] {strides = array<i32>} : memref<4x2x128xi32, #tpu.memory_space<vmem>>, vector<1x1x16xi32>,
      %swap3A_155 = vector.shape_cast %swap3A_154 : vector<1x1x16xi32> to vector<16xi32>
      %swap3A_156 = vector.shape_cast %add3A_147 : vector<16xi32> to vector<1x1x16xi32>
      tpu.vector_store %arg5[%swap3A_151, %swap3A_152, %swap3A_153], %swap3A_156 {strides = array<i32>} : memref<4x2x128xi32, #tpu.memory_space<vmem>>, vector<1x1x16xi32>,
      %scan3A_157 = arith.constant 0 : i32
      scf.yield %scan3A_157 : i32
    }
    %scan3A_89 = arith.constant 8 : i32
    %dma_start3A_90 = arith.constant 0 : i32
    %dma_start3A_91 = arith.constant 0 : i32
    %dma_start3A_92 = arith.constant 0 : i32
    %dma_start3A_93 = tpu.memref_slice %arg5[%dma_start3A_90, %dma_start3A_91, %dma_start3A_92] : memref<4x2x128xi32, #tpu.memory_space<vmem>> -> memref<1x1x128xi32, #tpu.memory_space<vmem>>
    %dma_start3A_94 = tpu.memref_squeeze %dma_start3A_93 : memref<1x1x128xi32, #tpu.memory_space<vmem>> -> memref<128xi32, #tpu.memory_space<vmem>>
    %dma_start3A_95 = arith.constant 0 : i32
    %dma_start3A_96 = arith.constant 0 : i32
    %dma_start3A_97 = tpu.memref_slice %arg2[%dma_start3A_95, %dma_start3A_96] : memref<20480x128xf32, #tpu.memory_space<hbm>> -> memref<20480x128xf32, #tpu.memory_space<hbm>>
    tpu.enqueue_indirect_dma source(%dma_start3A_97 : memref<20480x128xf32, #tpu.memory_space<hbm>>) target(%arg6 : memref<128x128xf32, #tpu.memory_space<vmem>>) offsets(%dma_start3A_94 : memref<128xi32, #tpu.memory_space<vmem>>) semaphore(%arg13 : memref<!tpu.dma_semaphore, #tpu.memory_space<semaphore_mem>>)
    %dma_wait3A_98 = arith.constant 0 : i32
    %dma_wait3A_99 = tpu.memref_slice %arg8[%mul3A_4, %dma_wait3A_98] : memref<10240x128xf32, #tpu.memory_space<vmem_shared>> -> memref<640x128xf32, #tpu.memory_space<vmem_shared>>
    %dma_wait3A_100 = arith.constant 0 : i32
    %dma_wait3A_101 = tpu.memref_slice %arg2[%add3A, %dma_wait3A_100] : memref<20480x128xf32, #tpu.memory_space<hbm>> -> memref<640x128xf32, #tpu.memory_space<hbm>>
    tpu.wait_dma2 semaphore(%arg15 : memref<!tpu.dma_semaphore, #tpu.memory_space<semaphore_mem>>) src(%dma_wait3A_101 : memref<640x128xf32, #tpu.memory_space<hbm>>) dst(%dma_wait3A_99 : memref<640x128xf32, #tpu.memory_space<vmem_shared>>)
    %barrier3A = arith.constant 0 : index
    tpu.barrier barrier_id(%barrier3A)
    %add3A_102 = arith.constant 3 : i32
    %add3A_103 = arith.addi %add3A_14, %add3A_102 : i32
    %jit3A = arith.constant 4 : i32
    %div3A = arith.divsi %add3A_103, %jit3A : i32
    %sign3A = arith.constant 0 : i32
    %sign3A_104 = arith.cmpi sgt, %add3A_103, %sign3A : i32
    %sign3A_105 = arith.extui %sign3A_104 : i1 to i32
    %sign3A_106 = arith.constant 0 : i32
    %sign3A_107 = arith.cmpi slt, %add3A_103, %sign3A_106 : i32
    %sign3A_108 = arith.extui %sign3A_107 : i1 to i32
    %sign3A_109 = arith.subi %sign3A_105, %sign3A_108 : i32
    %sign3A_110 = arith.constant 0 : i32
    %sign3A_111 = arith.cmpi sgt, %jit3A, %sign3A_110 : i32
    %sign3A_112 = arith.extui %sign3A_111 : i1 to i32
    %sign3A_113 = arith.constant 0 : i32
    %sign3A_114 = arith.cmpi slt, %jit3A, %sign3A_113 : i32
    %sign3A_115 = arith.extui %sign3A_114 : i1 to i32
    %sign3A_116 = arith.subi %sign3A_112, %sign3A_115 : i32
    %ne3A = arith.cmpi ne, %sign3A_109, %sign3A_116 : i32
    %rem3A = arith.remsi %add3A_103, %jit3A : i32
    %ne3A_117 = arith.constant 0 : i32
    %ne3A_118 = arith.cmpi ne, %rem3A, %ne3A_117 : i32
    %and3A = arith.andi %ne3A, %ne3A_118 : i1
    %sub3A = arith.constant 1 : i32
    %sub3A_119 = arith.subi %div3A, %sub3A : i32
    %select_n3A = arith.select %and3A, %sub3A_119, %div3A : i32
    %while3A = arith.constant 0 : i32
    %while3A_120 = arith.constant 0 : i32
    %while3A_121 = arith.subi %select_n3A, %while3A : i32
    %while3A_122 = arith.addi %while3A, %while3A_121 : i32
    %while3A_123 = arith.constant 1 : i32
    %while3A_124 = arith.divsi %while3A_121, %while3A_123 : i32
    %while3A_125 = arith.muli %while3A_124, %while3A_123 : i32
    %while3A_126 = arith.addi %while3A, %while3A_125 : i32
    %while3A_127 = arith.constant 1 : i32
    %while3A_128 = scf.for %while3A_136 = %while3A to %while3A_126 step %while3A_127 iter_args(%while3A_137 = %while3A_120) -> (i32)  : i32 {
      %mul3A_138 = arith.constant 4 : i32
      %mul3A_139 = arith.muli %while3A_136, %mul3A_138 : i32
      %add3A_140 = arith.constant 1 : i32
      %add3A_141 = arith.addi %mul3A_139, %add3A_140 : i32
      %lt3A_142 = arith.cmpi slt, %add3A_141, %add3A_14 : i32
      %convert_element_type3A_143 = arith.extui %lt3A_142 : i1 to i32
      %cond3A = arith.constant 0 : i32
      %cond3A_144 = arith.cmpi ne, %convert_element_type3A_143, %cond3A : i32
      scf.if %cond3A_144 {
        %add3A_215 = arith.constant 1 : i32
        %add3A_216 = arith.addi %mul3A_139, %add3A_215 : i32
        %add3A_217 = arith.addi %add3A_11, %add3A_216 : i32
        %mul3A_218 = arith.constant 128 : i32
        %mul3A_219 = arith.muli %add3A_217, %mul3A_218 : i32
        %dma_wait3A_220 = arith.constant 1 : i32
        %dma_wait3A_221 = arith.constant 0 : i32
        %dma_wait3A_222 = arith.constant 0 : i32
        %dma_wait3A_223 = tpu.memref_slice %arg5[%dma_wait3A_220, %dma_wait3A_221, %dma_wait3A_222] : memref<4x2x128xi32, #tpu.memory_space<vmem>> -> memref<1x2x128xi32, #tpu.memory_space<vmem>>
        %dma_wait3A_224 = tpu.memref_squeeze %dma_wait3A_223 : memref<1x2x128xi32, #tpu.memory_space<vmem>> -> memref<2x128xi32, #tpu.memory_space<vmem>>
        %dma_wait3A_225 = arith.constant 0 : i32
        %dma_wait3A_226 = tpu.memref_slice %arg3[%dma_wait3A_225, %mul3A_219] : memref<2x160000xi32, #tpu.memory_space<hbm>> -> memref<2x128xi32, #tpu.memory_space<hbm>>
        %dma_wait3A_227 = arith.constant 0 : i32
        %dma_wait3A_228 = arith.constant 0 : i32
        %dma_wait3A_229 = tpu.memref_slice %arg5[%dma_wait3A_220, %dma_wait3A_227, %dma_wait3A_228] : memref<4x2x128xi32, #tpu.memory_space<vmem>> -> memref<1x2x128xi32, #tpu.memory_space<vmem>>
        %dma_wait3A_230 = tpu.memref_squeeze %dma_wait3A_229 : memref<1x2x128xi32, #tpu.memory_space<vmem>> -> memref<2x128xi32, #tpu.memory_space<vmem>>
        %dma_wait3A_231 = arith.constant 0 : i32
        %dma_wait3A_232 = tpu.memref_slice %arg3[%dma_wait3A_231, %mul3A_219] : memref<2x160000xi32, #tpu.memory_space<hbm>> -> memref<2x128xi32, #tpu.memory_space<hbm>>
        tpu.wait_dma2 semaphore(%arg10 : memref<!tpu.dma_semaphore, #tpu.memory_space<semaphore_mem>>) src(%dma_wait3A_232 : memref<2x128xi32, #tpu.memory_space<hbm>>) dst(%dma_wait3A_230 : memref<2x128xi32, #tpu.memory_space<vmem>>)
        %scan3A_233 = arith.constant 0 : i32
        %scan3A_234 = arith.constant 0 : i32
        %scan3A_235 = arith.constant 8 : i32
        %scan3A_236 = arith.addi %scan3A_234, %scan3A_235 : i32
        %scan3A_237 = arith.constant 1 : i32
        %scan3A_238 = scf.for %scan3A_248 = %scan3A_234 to %scan3A_236 step %scan3A_237 iter_args(%scan3A_249 = %scan3A_233) -> (i32)  : i32 {
          %mul3A_250 = arith.constant 16 : i32
          %mul3A_251 = arith.muli %scan3A_248, %mul3A_250 : i32
          %get3A = arith.constant 1 : i32
          %get3A_252 = arith.constant 0 : i32
          %get3A_253 = arith.index_cast %get3A : i32 to index
          %get3A_254 = arith.index_cast %get3A_252 : i32 to index
          %get3A_255 = arith.index_cast %mul3A_251 : i32 to index
          %get3A_256 = tpu.vector_load %arg5[%get3A_253, %get3A_254, %get3A_255] {strides = array<i32>} : memref<4x2x128xi32, #tpu.memory_space<vmem>>, vector<1x1x16xi32>,
          %get3A_257 = vector.shape_cast %get3A_256 : vector<1x1x16xi32> to vector<16xi32>
          %add3A_258 = vector.broadcast %mul3A_16 : i32 to vector<16xi32>
          %add3A_259 = arith.addi %get3A_257, %add3A_258 : vector<16xi32>
          %mul3A_260 = arith.constant 16 : i32
          %mul3A_261 = arith.muli %scan3A_248, %mul3A_260 : i32
          %swap3A = arith.constant 1 : i32
          %swap3A_262 = arith.constant 0 : i32
          %swap3A_263 = arith.index_cast %swap3A : i32 to index
          %swap3A_264 = arith.index_cast %swap3A_262 : i32 to index
          %swap3A_265 = arith.index_cast %mul3A_261 : i32 to index
          %swap3A_266 = tpu.vector_load %arg5[%swap3A_263, %swap3A_264, %swap3A_265] {strides = array<i32>} : memref<4x2x128xi32, #tpu.memory_space<vmem>>, vector<1x1x16xi32>,
          %swap3A_267 = vector.shape_cast %swap3A_266 : vector<1x1x16xi32> to vector<16xi32>
          %swap3A_268 = vector.shape_cast %add3A_259 : vector<16xi32> to vector<1x1x16xi32>
          tpu.vector_store %arg5[%swap3A_263, %swap3A_264, %swap3A_265], %swap3A_268 {strides = array<i32>} : memref<4x2x128xi32, #tpu.memory_space<vmem>>, vector<1x1x16xi32>,
          %scan3A_269 = arith.constant 0 : i32
          scf.yield %scan3A_269 : i32
        }
        %scan3A_239 = arith.constant 8 : i32
        %dma_start3A_240 = arith.constant 1 : i32
        %dma_start3A_241 = arith.constant 0 : i32
        %dma_start3A_242 = arith.constant 0 : i32
        %dma_start3A_243 = tpu.memref_slice %arg5[%dma_start3A_240, %dma_start3A_241, %dma_start3A_242] : memref<4x2x128xi32, #tpu.memory_space<vmem>> -> memref<1x1x128xi32, #tpu.memory_space<vmem>>
        %dma_start3A_244 = tpu.memref_squeeze %dma_start3A_243 : memref<1x1x128xi32, #tpu.memory_space<vmem>> -> memref<128xi32, #tpu.memory_space<vmem>>
        %dma_start3A_245 = arith.constant 0 : i32
        %dma_start3A_246 = arith.constant 0 : i32
        %dma_start3A_247 = tpu.memref_slice %arg2[%dma_start3A_245, %dma_start3A_246] : memref<20480x128xf32, #tpu.memory_space<hbm>> -> memref<20480x128xf32, #tpu.memory_space<hbm>>
        tpu.enqueue_indirect_dma source(%dma_start3A_247 : memref<20480x128xf32, #tpu.memory_space<hbm>>) target(%arg7 : memref<128x128xf32, #tpu.memory_space<vmem>>) offsets(%dma_start3A_244 : memref<128xi32, #tpu.memory_space<vmem>>) semaphore(%arg14 : memref<!tpu.dma_semaphore, #tpu.memory_space<semaphore_mem>>)
      } else {
      }
      %dma_wait3A_145 = arith.constant 0 : i32
      %dma_wait3A_146 = arith.constant 0 : i32
      %dma_wait3A_147 = arith.constant 0 : i32
      %dma_wait3A_148 = tpu.memref_slice %arg5[%dma_wait3A_145, %dma_wait3A_146, %dma_wait3A_147] : memref<4x2x128xi32, #tpu.memory_space<vmem>> -> memref<1x1x128xi32, #tpu.memory_space<vmem>>
      %dma_wait3A_149 = tpu.memref_squeeze %dma_wait3A_148 : memref<1x1x128xi32, #tpu.memory_space<vmem>> -> memref<128xi32, #tpu.memory_space<vmem>>
      %dma_wait3A_150 = arith.constant 0 : i32
      %dma_wait3A_151 = arith.constant 0 : i32
      %dma_wait3A_152 = tpu.memref_slice %arg2[%dma_wait3A_150, %dma_wait3A_151] : memref<20480x128xf32, #tpu.memory_space<hbm>> -> memref<20480x128xf32, #tpu.memory_space<hbm>>
      tpu.wait_indirect_dma semaphore(%arg13 : memref<!tpu.dma_semaphore, #tpu.memory_space<semaphore_mem>>) src(%dma_wait3A_152 : memref<20480x128xf32, #tpu.memory_space<hbm>>) dst(%arg6 : memref<128x128xf32, #tpu.memory_space<vmem>>)
      %run_scoped3A = arith.constant 0 : i32
      %run_scoped3A_153 = arith.constant 1 : i32
      "tpu.region"() ({
        %run_scoped3A_215 = tpu.sem_alloc : memref<!tpu.dma_semaphore, #tpu.memory_space<semaphore_mem>>
        %dma_start3A_216 = arith.constant 0 : i32
        %dma_start3A_217 = tpu.memref_slice %arg5[%run_scoped3A, %run_scoped3A_153, %dma_start3A_216] : memref<4x2x128xi32, #tpu.memory_space<vmem>> -> memref<1x1x128xi32, #tpu.memory_space<vmem>>
        %dma_start3A_218 = tpu.memref_squeeze %dma_start3A_217 : memref<1x1x128xi32, #tpu.memory_space<vmem>> -> memref<128xi32, #tpu.memory_space<vmem>>
        %dma_start3A_219 = arith.constant 0 : i32
        %dma_start3A_220 = arith.constant 0 : i32
        %dma_start3A_221 = tpu.memref_slice %arg8[%dma_start3A_219, %dma_start3A_220] : memref<10240x128xf32, #tpu.memory_space<vmem_shared>> -> memref<10240x128xf32, #tpu.memory_space<vmem_shared>>
        tpu.enqueue_indirect_dma source(%arg6 : memref<128x128xf32, #tpu.memory_space<vmem>>) target(%dma_start3A_221 : memref<10240x128xf32, #tpu.memory_space<vmem_shared>>) offsets(%dma_start3A_218 : memref<128xi32, #tpu.memory_space<vmem>>) semaphore(%run_scoped3A_215 : memref<!tpu.dma_semaphore, #tpu.memory_space<semaphore_mem>>) {add = true}
        %dma_wait3A_222 = arith.constant 0 : i32
        %dma_wait3A_223 = tpu.memref_slice %arg5[%run_scoped3A, %run_scoped3A_153, %dma_wait3A_222] : memref<4x2x128xi32, #tpu.memory_space<vmem>> -> memref<1x1x128xi32, #tpu.memory_space<vmem>>
        %dma_wait3A_224 = tpu.memref_squeeze %dma_wait3A_223 : memref<1x1x128xi32, #tpu.memory_space<vmem>> -> memref<128xi32, #tpu.memory_space<vmem>>
        %dma_wait3A_225 = arith.constant 0 : i32
        %dma_wait3A_226 = arith.constant 0 : i32
        %dma_wait3A_227 = tpu.memref_slice %arg8[%dma_wait3A_225, %dma_wait3A_226] : memref<10240x128xf32, #tpu.memory_space<vmem_shared>> -> memref<10240x128xf32, #tpu.memory_space<vmem_shared>>
        tpu.wait_indirect_dma semaphore(%run_scoped3A_215 : memref<!tpu.dma_semaphore, #tpu.memory_space<semaphore_mem>>) src(%arg6 : memref<128x128xf32, #tpu.memory_space<vmem>>) dst(%dma_wait3A_227 : memref<10240x128xf32, #tpu.memory_space<vmem_shared>>)
        tpu.yield
      }) : () -> ()
      %add3A_154 = arith.constant 3 : i32
      %add3A_155 = arith.addi %mul3A_139, %add3A_154 : i32
      %lt3A_156 = arith.cmpi slt, %add3A_155, %add3A_14 : i32
      %convert_element_type3A_157 = arith.extui %lt3A_156 : i1 to i32
      %cond3A_158 = arith.constant 0 : i32
      %cond3A_159 = arith.cmpi ne, %convert_element_type3A_157, %cond3A_158 : i32
      scf.if %cond3A_159 {
        %add3A_215 = arith.constant 3 : i32
        %add3A_216 = arith.addi %mul3A_139, %add3A_215 : i32
        %add3A_217 = arith.addi %add3A_11, %add3A_216 : i32
        %mul3A_218 = arith.constant 128 : i32
        %mul3A_219 = arith.muli %add3A_217, %mul3A_218 : i32
        %dma_start3A_220 = arith.constant 3 : i32
        %dma_start3A_221 = arith.constant 0 : i32
        %dma_start3A_222 = arith.constant 0 : i32
        %dma_start3A_223 = tpu.memref_slice %arg5[%dma_start3A_220, %dma_start3A_221, %dma_start3A_222] : memref<4x2x128xi32, #tpu.memory_space<vmem>> -> memref<1x2x128xi32, #tpu.memory_space<vmem>>
        %dma_start3A_224 = tpu.memref_squeeze %dma_start3A_223 : memref<1x2x128xi32, #tpu.memory_space<vmem>> -> memref<2x128xi32, #tpu.memory_space<vmem>>
        %dma_start3A_225 = arith.constant 0 : i32
        %dma_start3A_226 = tpu.memref_slice %arg3[%dma_start3A_225, %mul3A_219] : memref<2x160000xi32, #tpu.memory_space<hbm>> -> memref<2x128xi32, #tpu.memory_space<hbm>>
        %dma_start3A_227 = arith.constant 0 : i32
        %dma_start3A_228 = arith.constant 0 : i32
        %dma_start3A_229 = tpu.memref_slice %arg5[%dma_start3A_220, %dma_start3A_227, %dma_start3A_228] : memref<4x2x128xi32, #tpu.memory_space<vmem>> -> memref<1x2x128xi32, #tpu.memory_space<vmem>>
        %dma_start3A_230 = tpu.memref_squeeze %dma_start3A_229 : memref<1x2x128xi32, #tpu.memory_space<vmem>> -> memref<2x128xi32, #tpu.memory_space<vmem>>
        %dma_start3A_231 = arith.constant 0 : i32
        %dma_start3A_232 = tpu.memref_slice %arg3[%dma_start3A_231, %mul3A_219] : memref<2x160000xi32, #tpu.memory_space<hbm>> -> memref<2x128xi32, #tpu.memory_space<hbm>>
        tpu.enqueue_dma source(%dma_start3A_232 : memref<2x128xi32, #tpu.memory_space<hbm>>) target(%dma_start3A_230 : memref<2x128xi32, #tpu.memory_space<vmem>>) target_semaphore(%arg12 : memref<!tpu.dma_semaphore, #tpu.memory_space<semaphore_mem>>)
      } else {
      }
      %add3A_160 = arith.constant 2 : i32
      %add3A_161 = arith.addi %mul3A_139, %add3A_160 : i32
      %lt3A_162 = arith.cmpi slt, %add3A_161, %add3A_14 : i32
      %convert_element_type3A_163 = arith.extui %lt3A_162 : i1 to i32
      %cond3A_164 = arith.constant 0 : i32
      %cond3A_165 = arith.cmpi ne, %convert_element_type3A_163, %cond3A_164 : i32
      scf.if %cond3A_165 {
        %add3A_215 = arith.constant 2 : i32
        %add3A_216 = arith.addi %mul3A_139, %add3A_215 : i32
        %add3A_217 = arith.addi %add3A_11, %add3A_216 : i32
        %mul3A_218 = arith.constant 128 : i32
        %mul3A_219 = arith.muli %add3A_217, %mul3A_218 : i32
        %dma_wait3A_220 = arith.constant 2 : i32
        %dma_wait3A_221 = arith.constant 0 : i32
        %dma_wait3A_222 = arith.constant 0 : i32
        %dma_wait3A_223 = tpu.memref_slice %arg5[%dma_wait3A_220, %dma_wait3A_221, %dma_wait3A_222] : memref<4x2x128xi32, #tpu.memory_space<vmem>> -> memref<1x2x128xi32, #tpu.memory_space<vmem>>
        %dma_wait3A_224 = tpu.memref_squeeze %dma_wait3A_223 : memref<1x2x128xi32, #tpu.memory_space<vmem>> -> memref<2x128xi32, #tpu.memory_space<vmem>>
        %dma_wait3A_225 = arith.constant 0 : i32
        %dma_wait3A_226 = tpu.memref_slice %arg3[%dma_wait3A_225, %mul3A_219] : memref<2x160000xi32, #tpu.memory_space<hbm>> -> memref<2x128xi32, #tpu.memory_space<hbm>>
        %dma_wait3A_227 = arith.constant 0 : i32
        %dma_wait3A_228 = arith.constant 0 : i32
        %dma_wait3A_229 = tpu.memref_slice %arg5[%dma_wait3A_220, %dma_wait3A_227, %dma_wait3A_228] : memref<4x2x128xi32, #tpu.memory_space<vmem>> -> memref<1x2x128xi32, #tpu.memory_space<vmem>>
        %dma_wait3A_230 = tpu.memref_squeeze %dma_wait3A_229 : memref<1x2x128xi32, #tpu.memory_space<vmem>> -> memref<2x128xi32, #tpu.memory_space<vmem>>
        %dma_wait3A_231 = arith.constant 0 : i32
        %dma_wait3A_232 = tpu.memref_slice %arg3[%dma_wait3A_231, %mul3A_219] : memref<2x160000xi32, #tpu.memory_space<hbm>> -> memref<2x128xi32, #tpu.memory_space<hbm>>
        tpu.wait_dma2 semaphore(%arg11 : memref<!tpu.dma_semaphore, #tpu.memory_space<semaphore_mem>>) src(%dma_wait3A_232 : memref<2x128xi32, #tpu.memory_space<hbm>>) dst(%dma_wait3A_230 : memref<2x128xi32, #tpu.memory_space<vmem>>)
        %scan3A_233 = arith.constant 0 : i32
        %scan3A_234 = arith.constant 0 : i32
        %scan3A_235 = arith.constant 8 : i32
        %scan3A_236 = arith.addi %scan3A_234, %scan3A_235 : i32
        %scan3A_237 = arith.constant 1 : i32
        %scan3A_238 = scf.for %scan3A_248 = %scan3A_234 to %scan3A_236 step %scan3A_237 iter_args(%scan3A_249 = %scan3A_233) -> (i32)  : i32 {
          %mul3A_250 = arith.constant 16 : i32
          %mul3A_251 = arith.muli %scan3A_248, %mul3A_250 : i32
          %get3A = arith.constant 2 : i32
          %get3A_252 = arith.constant 0 : i32
          %get3A_253 = arith.index_cast %get3A : i32 to index
          %get3A_254 = arith.index_cast %get3A_252 : i32 to index
          %get3A_255 = arith.index_cast %mul3A_251 : i32 to index
          %get3A_256 = tpu.vector_load %arg5[%get3A_253, %get3A_254, %get3A_255] {strides = array<i32>} : memref<4x2x128xi32, #tpu.memory_space<vmem>>, vector<1x1x16xi32>,
          %get3A_257 = vector.shape_cast %get3A_256 : vector<1x1x16xi32> to vector<16xi32>
          %add3A_258 = vector.broadcast %mul3A_16 : i32 to vector<16xi32>
          %add3A_259 = arith.addi %get3A_257, %add3A_258 : vector<16xi32>
          %mul3A_260 = arith.constant 16 : i32
          %mul3A_261 = arith.muli %scan3A_248, %mul3A_260 : i32
          %swap3A = arith.constant 2 : i32
          %swap3A_262 = arith.constant 0 : i32
          %swap3A_263 = arith.index_cast %swap3A : i32 to index
          %swap3A_264 = arith.index_cast %swap3A_262 : i32 to index
          %swap3A_265 = arith.index_cast %mul3A_261 : i32 to index
          %swap3A_266 = tpu.vector_load %arg5[%swap3A_263, %swap3A_264, %swap3A_265] {strides = array<i32>} : memref<4x2x128xi32, #tpu.memory_space<vmem>>, vector<1x1x16xi32>,
          %swap3A_267 = vector.shape_cast %swap3A_266 : vector<1x1x16xi32> to vector<16xi32>
          %swap3A_268 = vector.shape_cast %add3A_259 : vector<16xi32> to vector<1x1x16xi32>
          tpu.vector_store %arg5[%swap3A_263, %swap3A_264, %swap3A_265], %swap3A_268 {strides = array<i32>} : memref<4x2x128xi32, #tpu.memory_space<vmem>>, vector<1x1x16xi32>,
          %scan3A_269 = arith.constant 0 : i32
          scf.yield %scan3A_269 : i32
        }
        %scan3A_239 = arith.constant 8 : i32
        %dma_start3A_240 = arith.constant 2 : i32
        %dma_start3A_241 = arith.constant 0 : i32
        %dma_start3A_242 = arith.constant 0 : i32
        %dma_start3A_243 = tpu.memref_slice %arg5[%dma_start3A_240, %dma_start3A_241, %dma_start3A_242] : memref<4x2x128xi32, #tpu.memory_space<vmem>> -> memref<1x1x128xi32, #tpu.memory_space<vmem>>
        %dma_start3A_244 = tpu.memref_squeeze %dma_start3A_243 : memref<1x1x128xi32, #tpu.memory_space<vmem>> -> memref<128xi32, #tpu.memory_space<vmem>>
        %dma_start3A_245 = arith.constant 0 : i32
        %dma_start3A_246 = arith.constant 0 : i32
        %dma_start3A_247 = tpu.memref_slice %arg2[%dma_start3A_245, %dma_start3A_246] : memref<20480x128xf32, #tpu.memory_space<hbm>> -> memref<20480x128xf32, #tpu.memory_space<hbm>>
        tpu.enqueue_indirect_dma source(%dma_start3A_247 : memref<20480x128xf32, #tpu.memory_space<hbm>>) target(%arg6 : memref<128x128xf32, #tpu.memory_space<vmem>>) offsets(%dma_start3A_244 : memref<128xi32, #tpu.memory_space<vmem>>) semaphore(%arg13 : memref<!tpu.dma_semaphore, #tpu.memory_space<semaphore_mem>>)
      } else {
      }
      %add3A_166 = arith.constant 1 : i32
      %add3A_167 = arith.addi %mul3A_139, %add3A_166 : i32
      %lt3A_168 = arith.cmpi slt, %add3A_167, %add3A_14 : i32
      %convert_element_type3A_169 = arith.extui %lt3A_168 : i1 to i32
      %cond3A_170 = arith.constant 0 : i32
      %cond3A_171 = arith.cmpi ne, %convert_element_type3A_169, %cond3A_170 : i32
      scf.if %cond3A_171 {
        %dma_wait3A_215 = arith.constant 1 : i32
        %dma_wait3A_216 = arith.constant 0 : i32
        %dma_wait3A_217 = arith.constant 0 : i32
        %dma_wait3A_218 = tpu.memref_slice %arg5[%dma_wait3A_215, %dma_wait3A_216, %dma_wait3A_217] : memref<4x2x128xi32, #tpu.memory_space<vmem>> -> memref<1x1x128xi32, #tpu.memory_space<vmem>>
        %dma_wait3A_219 = tpu.memref_squeeze %dma_wait3A_218 : memref<1x1x128xi32, #tpu.memory_space<vmem>> -> memref<128xi32, #tpu.memory_space<vmem>>
        %dma_wait3A_220 = arith.constant 0 : i32
        %dma_wait3A_221 = arith.constant 0 : i32
        %dma_wait3A_222 = tpu.memref_slice %arg2[%dma_wait3A_220, %dma_wait3A_221] : memref<20480x128xf32, #tpu.memory_space<hbm>> -> memref<20480x128xf32, #tpu.memory_space<hbm>>
        tpu.wait_indirect_dma semaphore(%arg14 : memref<!tpu.dma_semaphore, #tpu.memory_space<semaphore_mem>>) src(%dma_wait3A_222 : memref<20480x128xf32, #tpu.memory_space<hbm>>) dst(%arg7 : memref<128x128xf32, #tpu.memory_space<vmem>>)
        %run_scoped3A_223 = arith.constant 1 : i32
        %run_scoped3A_224 = arith.constant 1 : i32
        "tpu.region"() ({
          %run_scoped3A_225 = tpu.sem_alloc : memref<!tpu.dma_semaphore, #tpu.memory_space<semaphore_mem>>
          %dma_start3A_226 = arith.constant 0 : i32
          %dma_start3A_227 = tpu.memref_slice %arg5[%run_scoped3A_223, %run_scoped3A_224, %dma_start3A_226] : memref<4x2x128xi32, #tpu.memory_space<vmem>> -> memref<1x1x128xi32, #tpu.memory_space<vmem>>
          %dma_start3A_228 = tpu.memref_squeeze %dma_start3A_227 : memref<1x1x128xi32, #tpu.memory_space<vmem>> -> memref<128xi32, #tpu.memory_space<vmem>>
          %dma_start3A_229 = arith.constant 0 : i32
          %dma_start3A_230 = arith.constant 0 : i32
          %dma_start3A_231 = tpu.memref_slice %arg8[%dma_start3A_229, %dma_start3A_230] : memref<10240x128xf32, #tpu.memory_space<vmem_shared>> -> memref<10240x128xf32, #tpu.memory_space<vmem_shared>>
          tpu.enqueue_indirect_dma source(%arg7 : memref<128x128xf32, #tpu.memory_space<vmem>>) target(%dma_start3A_231 : memref<10240x128xf32, #tpu.memory_space<vmem_shared>>) offsets(%dma_start3A_228 : memref<128xi32, #tpu.memory_space<vmem>>) semaphore(%run_scoped3A_225 : memref<!tpu.dma_semaphore, #tpu.memory_space<semaphore_mem>>) {add = true}
          %dma_wait3A_232 = arith.constant 0 : i32
          %dma_wait3A_233 = tpu.memref_slice %arg5[%run_scoped3A_223, %run_scoped3A_224, %dma_wait3A_232] : memref<4x2x128xi32, #tpu.memory_space<vmem>> -> memref<1x1x128xi32, #tpu.memory_space<vmem>>
          %dma_wait3A_234 = tpu.memref_squeeze %dma_wait3A_233 : memref<1x1x128xi32, #tpu.memory_space<vmem>> -> memref<128xi32, #tpu.memory_space<vmem>>
          %dma_wait3A_235 = arith.constant 0 : i32
          %dma_wait3A_236 = arith.constant 0 : i32
          %dma_wait3A_237 = tpu.memref_slice %arg8[%dma_wait3A_235, %dma_wait3A_236] : memref<10240x128xf32, #tpu.memory_space<vmem_shared>> -> memref<10240x128xf32, #tpu.memory_space<vmem_shared>>
          tpu.wait_indirect_dma semaphore(%run_scoped3A_225 : memref<!tpu.dma_semaphore, #tpu.memory_space<semaphore_mem>>) src(%arg7 : memref<128x128xf32, #tpu.memory_space<vmem>>) dst(%dma_wait3A_237 : memref<10240x128xf32, #tpu.memory_space<vmem_shared>>)
          tpu.yield
        }) : () -> ()
      } else {
      }
      %add3A_172 = arith.constant 4 : i32
      %add3A_173 = arith.addi %mul3A_139, %add3A_172 : i32
      %lt3A_174 = arith.cmpi slt, %add3A_173, %add3A_14 : i32
      %convert_element_type3A_175 = arith.extui %lt3A_174 : i1 to i32
      %cond3A_176 = arith.constant 0 : i32
      %cond3A_177 = arith.cmpi ne, %convert_element_type3A_175, %cond3A_176 : i32
      scf.if %cond3A_177 {
        %add3A_215 = arith.constant 4 : i32
        %add3A_216 = arith.addi %mul3A_139, %add3A_215 : i32
        %add3A_217 = arith.addi %add3A_11, %add3A_216 : i32
        %mul3A_218 = arith.constant 128 : i32
        %mul3A_219 = arith.muli %add3A_217, %mul3A_218 : i32
        %dma_start3A_220 = arith.constant 0 : i32
        %dma_start3A_221 = arith.constant 0 : i32
        %dma_start3A_222 = arith.constant 0 : i32
        %dma_start3A_223 = tpu.memref_slice %arg5[%dma_start3A_220, %dma_start3A_221, %dma_start3A_222] : memref<4x2x128xi32, #tpu.memory_space<vmem>> -> memref<1x2x128xi32, #tpu.memory_space<vmem>>
        %dma_start3A_224 = tpu.memref_squeeze %dma_start3A_223 : memref<1x2x128xi32, #tpu.memory_space<vmem>> -> memref<2x128xi32, #tpu.memory_space<vmem>>
        %dma_start3A_225 = arith.constant 0 : i32
        %dma_start3A_226 = tpu.memref_slice %arg3[%dma_start3A_225, %mul3A_219] : memref<2x160000xi32, #tpu.memory_space<hbm>> -> memref<2x128xi32, #tpu.memory_space<hbm>>
        %dma_start3A_227 = arith.constant 0 : i32
        %dma_start3A_228 = arith.constant 0 : i32
        %dma_start3A_229 = tpu.memref_slice %arg5[%dma_start3A_220, %dma_start3A_227, %dma_start3A_228] : memref<4x2x128xi32, #tpu.memory_space<vmem>> -> memref<1x2x128xi32, #tpu.memory_space<vmem>>
        %dma_start3A_230 = tpu.memref_squeeze %dma_start3A_229 : memref<1x2x128xi32, #tpu.memory_space<vmem>> -> memref<2x128xi32, #tpu.memory_space<vmem>>
        %dma_start3A_231 = arith.constant 0 : i32
        %dma_start3A_232 = tpu.memref_slice %arg3[%dma_start3A_231, %mul3A_219] : memref<2x160000xi32, #tpu.memory_space<hbm>> -> memref<2x128xi32, #tpu.memory_space<hbm>>
        tpu.enqueue_dma source(%dma_start3A_232 : memref<2x128xi32, #tpu.memory_space<hbm>>) target(%dma_start3A_230 : memref<2x128xi32, #tpu.memory_space<vmem>>) target_semaphore(%arg9 : memref<!tpu.dma_semaphore, #tpu.memory_space<semaphore_mem>>)
      } else {
      }
      %add3A_178 = arith.constant 3 : i32
      %add3A_179 = arith.addi %mul3A_139, %add3A_178 : i32
      %lt3A_180 = arith.cmpi slt, %add3A_179, %add3A_14 : i32
      %convert_element_type3A_181 = arith.extui %lt3A_180 : i1 to i32
      %cond3A_182 = arith.constant 0 : i32
      %cond3A_183 = arith.cmpi ne, %convert_element_type3A_181, %cond3A_182 : i32
      scf.if %cond3A_183 {
        %add3A_215 = arith.constant 3 : i32
        %add3A_216 = arith.addi %mul3A_139, %add3A_215 : i32
        %add3A_217 = arith.addi %add3A_11, %add3A_216 : i32
        %mul3A_218 = arith.constant 128 : i32
        %mul3A_219 = arith.muli %add3A_217, %mul3A_218 : i32
        %dma_wait3A_220 = arith.constant 3 : i32
        %dma_wait3A_221 = arith.constant 0 : i32
        %dma_wait3A_222 = arith.constant 0 : i32
        %dma_wait3A_223 = tpu.memref_slice %arg5[%dma_wait3A_220, %dma_wait3A_221, %dma_wait3A_222] : memref<4x2x128xi32, #tpu.memory_space<vmem>> -> memref<1x2x128xi32, #tpu.memory_space<vmem>>
        %dma_wait3A_224 = tpu.memref_squeeze %dma_wait3A_223 : memref<1x2x128xi32, #tpu.memory_space<vmem>> -> memref<2x128xi32, #tpu.memory_space<vmem>>
        %dma_wait3A_225 = arith.constant 0 : i32
        %dma_wait3A_226 = tpu.memref_slice %arg3[%dma_wait3A_225, %mul3A_219] : memref<2x160000xi32, #tpu.memory_space<hbm>> -> memref<2x128xi32, #tpu.memory_space<hbm>>
        %dma_wait3A_227 = arith.constant 0 : i32
        %dma_wait3A_228 = arith.constant 0 : i32
        %dma_wait3A_229 = tpu.memref_slice %arg5[%dma_wait3A_220, %dma_wait3A_227, %dma_wait3A_228] : memref<4x2x128xi32, #tpu.memory_space<vmem>> -> memref<1x2x128xi32, #tpu.memory_space<vmem>>
        %dma_wait3A_230 = tpu.memref_squeeze %dma_wait3A_229 : memref<1x2x128xi32, #tpu.memory_space<vmem>> -> memref<2x128xi32, #tpu.memory_space<vmem>>
        %dma_wait3A_231 = arith.constant 0 : i32
        %dma_wait3A_232 = tpu.memref_slice %arg3[%dma_wait3A_231, %mul3A_219] : memref<2x160000xi32, #tpu.memory_space<hbm>> -> memref<2x128xi32, #tpu.memory_space<hbm>>
        tpu.wait_dma2 semaphore(%arg12 : memref<!tpu.dma_semaphore, #tpu.memory_space<semaphore_mem>>) src(%dma_wait3A_232 : memref<2x128xi32, #tpu.memory_space<hbm>>) dst(%dma_wait3A_230 : memref<2x128xi32, #tpu.memory_space<vmem>>)
        %scan3A_233 = arith.constant 0 : i32
        %scan3A_234 = arith.constant 0 : i32
        %scan3A_235 = arith.constant 8 : i32
        %scan3A_236 = arith.addi %scan3A_234, %scan3A_235 : i32
        %scan3A_237 = arith.constant 1 : i32
        %scan3A_238 = scf.for %scan3A_248 = %scan3A_234 to %scan3A_236 step %scan3A_237 iter_args(%scan3A_249 = %scan3A_233) -> (i32)  : i32 {
          %mul3A_250 = arith.constant 16 : i32
          %mul3A_251 = arith.muli %scan3A_248, %mul3A_250 : i32
          %get3A = arith.constant 3 : i32
          %get3A_252 = arith.constant 0 : i32
          %get3A_253 = arith.index_cast %get3A : i32 to index
          %get3A_254 = arith.index_cast %get3A_252 : i32 to index
          %get3A_255 = arith.index_cast %mul3A_251 : i32 to index
          %get3A_256 = tpu.vector_load %arg5[%get3A_253, %get3A_254, %get3A_255] {strides = array<i32>} : memref<4x2x128xi32, #tpu.memory_space<vmem>>, vector<1x1x16xi32>,
          %get3A_257 = vector.shape_cast %get3A_256 : vector<1x1x16xi32> to vector<16xi32>
          %add3A_258 = vector.broadcast %mul3A_16 : i32 to vector<16xi32>
          %add3A_259 = arith.addi %get3A_257, %add3A_258 : vector<16xi32>
          %mul3A_260 = arith.constant 16 : i32
          %mul3A_261 = arith.muli %scan3A_248, %mul3A_260 : i32
          %swap3A = arith.constant 3 : i32
          %swap3A_262 = arith.constant 0 : i32
          %swap3A_263 = arith.index_cast %swap3A : i32 to index
          %swap3A_264 = arith.index_cast %swap3A_262 : i32 to index
          %swap3A_265 = arith.index_cast %mul3A_261 : i32 to index
          %swap3A_266 = tpu.vector_load %arg5[%swap3A_263, %swap3A_264, %swap3A_265] {strides = array<i32>} : memref<4x2x128xi32, #tpu.memory_space<vmem>>, vector<1x1x16xi32>,
          %swap3A_267 = vector.shape_cast %swap3A_266 : vector<1x1x16xi32> to vector<16xi32>
          %swap3A_268 = vector.shape_cast %add3A_259 : vector<16xi32> to vector<1x1x16xi32>
          tpu.vector_store %arg5[%swap3A_263, %swap3A_264, %swap3A_265], %swap3A_268 {strides = array<i32>} : memref<4x2x128xi32, #tpu.memory_space<vmem>>, vector<1x1x16xi32>,
          %scan3A_269 = arith.constant 0 : i32
          scf.yield %scan3A_269 : i32
        }
        %scan3A_239 = arith.constant 8 : i32
        %dma_start3A_240 = arith.constant 3 : i32
        %dma_start3A_241 = arith.constant 0 : i32
        %dma_start3A_242 = arith.constant 0 : i32
        %dma_start3A_243 = tpu.memref_slice %arg5[%dma_start3A_240, %dma_start3A_241, %dma_start3A_242] : memref<4x2x128xi32, #tpu.memory_space<vmem>> -> memref<1x1x128xi32, #tpu.memory_space<vmem>>
        %dma_start3A_244 = tpu.memref_squeeze %dma_start3A_243 : memref<1x1x128xi32, #tpu.memory_space<vmem>> -> memref<128xi32, #tpu.memory_space<vmem>>
        %dma_start3A_245 = arith.constant 0 : i32
        %dma_start3A_246 = arith.constant 0 : i32
        %dma_start3A_247 = tpu.memref_slice %arg2[%dma_start3A_245, %dma_start3A_246] : memref<20480x128xf32, #tpu.memory_space<hbm>> -> memref<20480x128xf32, #tpu.memory_space<hbm>>
        tpu.enqueue_indirect_dma source(%dma_start3A_247 : memref<20480x128xf32, #tpu.memory_space<hbm>>) target(%arg7 : memref<128x128xf32, #tpu.memory_space<vmem>>) offsets(%dma_start3A_244 : memref<128xi32, #tpu.memory_space<vmem>>) semaphore(%arg14 : memref<!tpu.dma_semaphore, #tpu.memory_space<semaphore_mem>>)
      } else {
      }
      %add3A_184 = arith.constant 2 : i32
      %add3A_185 = arith.addi %mul3A_139, %add3A_184 : i32
      %lt3A_186 = arith.cmpi slt, %add3A_185, %add3A_14 : i32
      %convert_element_type3A_187 = arith.extui %lt3A_186 : i1 to i32
      %cond3A_188 = arith.constant 0 : i32
      %cond3A_189 = arith.cmpi ne, %convert_element_type3A_187, %cond3A_188 : i32
      scf.if %cond3A_189 {
        %dma_wait3A_215 = arith.constant 2 : i32
        %dma_wait3A_216 = arith.constant 0 : i32
        %dma_wait3A_217 = arith.constant 0 : i32
        %dma_wait3A_218 = tpu.memref_slice %arg5[%dma_wait3A_215, %dma_wait3A_216, %dma_wait3A_217] : memref<4x2x128xi32, #tpu.memory_space<vmem>> -> memref<1x1x128xi32, #tpu.memory_space<vmem>>
        %dma_wait3A_219 = tpu.memref_squeeze %dma_wait3A_218 : memref<1x1x128xi32, #tpu.memory_space<vmem>> -> memref<128xi32, #tpu.memory_space<vmem>>
        %dma_wait3A_220 = arith.constant 0 : i32
        %dma_wait3A_221 = arith.constant 0 : i32
        %dma_wait3A_222 = tpu.memref_slice %arg2[%dma_wait3A_220, %dma_wait3A_221] : memref<20480x128xf32, #tpu.memory_space<hbm>> -> memref<20480x128xf32, #tpu.memory_space<hbm>>
        tpu.wait_indirect_dma semaphore(%arg13 : memref<!tpu.dma_semaphore, #tpu.memory_space<semaphore_mem>>) src(%dma_wait3A_222 : memref<20480x128xf32, #tpu.memory_space<hbm>>) dst(%arg6 : memref<128x128xf32, #tpu.memory_space<vmem>>)
        %run_scoped3A_223 = arith.constant 2 : i32
        %run_scoped3A_224 = arith.constant 1 : i32
        "tpu.region"() ({
          %run_scoped3A_225 = tpu.sem_alloc : memref<!tpu.dma_semaphore, #tpu.memory_space<semaphore_mem>>
          %dma_start3A_226 = arith.constant 0 : i32
          %dma_start3A_227 = tpu.memref_slice %arg5[%run_scoped3A_223, %run_scoped3A_224, %dma_start3A_226] : memref<4x2x128xi32, #tpu.memory_space<vmem>> -> memref<1x1x128xi32, #tpu.memory_space<vmem>>
          %dma_start3A_228 = tpu.memref_squeeze %dma_start3A_227 : memref<1x1x128xi32, #tpu.memory_space<vmem>> -> memref<128xi32, #tpu.memory_space<vmem>>
          %dma_start3A_229 = arith.constant 0 : i32
          %dma_start3A_230 = arith.constant 0 : i32
          %dma_start3A_231 = tpu.memref_slice %arg8[%dma_start3A_229, %dma_start3A_230] : memref<10240x128xf32, #tpu.memory_space<vmem_shared>> -> memref<10240x128xf32, #tpu.memory_space<vmem_shared>>
          tpu.enqueue_indirect_dma source(%arg6 : memref<128x128xf32, #tpu.memory_space<vmem>>) target(%dma_start3A_231 : memref<10240x128xf32, #tpu.memory_space<vmem_shared>>) offsets(%dma_start3A_228 : memref<128xi32, #tpu.memory_space<vmem>>) semaphore(%run_scoped3A_225 : memref<!tpu.dma_semaphore, #tpu.memory_space<semaphore_mem>>) {add = true}
          %dma_wait3A_232 = arith.constant 0 : i32
          %dma_wait3A_233 = tpu.memref_slice %arg5[%run_scoped3A_223, %run_scoped3A_224, %dma_wait3A_232] : memref<4x2x128xi32, #tpu.memory_space<vmem>> -> memref<1x1x128xi32, #tpu.memory_space<vmem>>
          %dma_wait3A_234 = tpu.memref_squeeze %dma_wait3A_233 : memref<1x1x128xi32, #tpu.memory_space<vmem>> -> memref<128xi32, #tpu.memory_space<vmem>>
          %dma_wait3A_235 = arith.constant 0 : i32
          %dma_wait3A_236 = arith.constant 0 : i32
          %dma_wait3A_237 = tpu.memref_slice %arg8[%dma_wait3A_235, %dma_wait3A_236] : memref<10240x128xf32, #tpu.memory_space<vmem_shared>> -> memref<10240x128xf32, #tpu.memory_space<vmem_shared>>
          tpu.wait_indirect_dma semaphore(%run_scoped3A_225 : memref<!tpu.dma_semaphore, #tpu.memory_space<semaphore_mem>>) src(%arg6 : memref<128x128xf32, #tpu.memory_space<vmem>>) dst(%dma_wait3A_237 : memref<10240x128xf32, #tpu.memory_space<vmem_shared>>)
          tpu.yield
        }) : () -> ()
      } else {
      }
      %add3A_190 = arith.constant 5 : i32
      %add3A_191 = arith.addi %mul3A_139, %add3A_190 : i32
      %lt3A_192 = arith.cmpi slt, %add3A_191, %add3A_14 : i32
      %convert_element_type3A_193 = arith.extui %lt3A_192 : i1 to i32
      %cond3A_194 = arith.constant 0 : i32
      %cond3A_195 = arith.cmpi ne, %convert_element_type3A_193, %cond3A_194 : i32
      scf.if %cond3A_195 {
        %add3A_215 = arith.constant 5 : i32
        %add3A_216 = arith.addi %mul3A_139, %add3A_215 : i32
        %add3A_217 = arith.addi %add3A_11, %add3A_216 : i32
        %mul3A_218 = arith.constant 128 : i32
        %mul3A_219 = arith.muli %add3A_217, %mul3A_218 : i32
        %dma_start3A_220 = arith.constant 1 : i32
        %dma_start3A_221 = arith.constant 0 : i32
        %dma_start3A_222 = arith.constant 0 : i32
        %dma_start3A_223 = tpu.memref_slice %arg5[%dma_start3A_220, %dma_start3A_221, %dma_start3A_222] : memref<4x2x128xi32, #tpu.memory_space<vmem>> -> memref<1x2x128xi32, #tpu.memory_space<vmem>>
        %dma_start3A_224 = tpu.memref_squeeze %dma_start3A_223 : memref<1x2x128xi32, #tpu.memory_space<vmem>> -> memref<2x128xi32, #tpu.memory_space<vmem>>
        %dma_start3A_225 = arith.constant 0 : i32
        %dma_start3A_226 = tpu.memref_slice %arg3[%dma_start3A_225, %mul3A_219] : memref<2x160000xi32, #tpu.memory_space<hbm>> -> memref<2x128xi32, #tpu.memory_space<hbm>>
        %dma_start3A_227 = arith.constant 0 : i32
        %dma_start3A_228 = arith.constant 0 : i32
        %dma_start3A_229 = tpu.memref_slice %arg5[%dma_start3A_220, %dma_start3A_227, %dma_start3A_228] : memref<4x2x128xi32, #tpu.memory_space<vmem>> -> memref<1x2x128xi32, #tpu.memory_space<vmem>>
        %dma_start3A_230 = tpu.memref_squeeze %dma_start3A_229 : memref<1x2x128xi32, #tpu.memory_space<vmem>> -> memref<2x128xi32, #tpu.memory_space<vmem>>
        %dma_start3A_231 = arith.constant 0 : i32
        %dma_start3A_232 = tpu.memref_slice %arg3[%dma_start3A_231, %mul3A_219] : memref<2x160000xi32, #tpu.memory_space<hbm>> -> memref<2x128xi32, #tpu.memory_space<hbm>>
        tpu.enqueue_dma source(%dma_start3A_232 : memref<2x128xi32, #tpu.memory_space<hbm>>) target(%dma_start3A_230 : memref<2x128xi32, #tpu.memory_space<vmem>>) target_semaphore(%arg10 : memref<!tpu.dma_semaphore, #tpu.memory_space<semaphore_mem>>)
      } else {
      }
      %add3A_196 = arith.constant 4 : i32
      %add3A_197 = arith.addi %mul3A_139, %add3A_196 : i32
      %lt3A_198 = arith.cmpi slt, %add3A_197, %add3A_14 : i32
      %convert_element_type3A_199 = arith.extui %lt3A_198 : i1 to i32
      %cond3A_200 = arith.constant 0 : i32
      %cond3A_201 = arith.cmpi ne, %convert_element_type3A_199, %cond3A_200 : i32
      scf.if %cond3A_201 {
        %add3A_215 = arith.constant 4 : i32
        %add3A_216 = arith.addi %mul3A_139, %add3A_215 : i32
        %add3A_217 = arith.addi %add3A_11, %add3A_216 : i32
        %mul3A_218 = arith.constant 128 : i32
        %mul3A_219 = arith.muli %add3A_217, %mul3A_218 : i32
        %dma_wait3A_220 = arith.constant 0 : i32
        %dma_wait3A_221 = arith.constant 0 : i32
        %dma_wait3A_222 = arith.constant 0 : i32
        %dma_wait3A_223 = tpu.memref_slice %arg5[%dma_wait3A_220, %dma_wait3A_221, %dma_wait3A_222] : memref<4x2x128xi32, #tpu.memory_space<vmem>> -> memref<1x2x128xi32, #tpu.memory_space<vmem>>
        %dma_wait3A_224 = tpu.memref_squeeze %dma_wait3A_223 : memref<1x2x128xi32, #tpu.memory_space<vmem>> -> memref<2x128xi32, #tpu.memory_space<vmem>>
        %dma_wait3A_225 = arith.constant 0 : i32
        %dma_wait3A_226 = tpu.memref_slice %arg3[%dma_wait3A_225, %mul3A_219] : memref<2x160000xi32, #tpu.memory_space<hbm>> -> memref<2x128xi32, #tpu.memory_space<hbm>>
        %dma_wait3A_227 = arith.constant 0 : i32
        %dma_wait3A_228 = arith.constant 0 : i32
        %dma_wait3A_229 = tpu.memref_slice %arg5[%dma_wait3A_220, %dma_wait3A_227, %dma_wait3A_228] : memref<4x2x128xi32, #tpu.memory_space<vmem>> -> memref<1x2x128xi32, #tpu.memory_space<vmem>>
        %dma_wait3A_230 = tpu.memref_squeeze %dma_wait3A_229 : memref<1x2x128xi32, #tpu.memory_space<vmem>> -> memref<2x128xi32, #tpu.memory_space<vmem>>
        %dma_wait3A_231 = arith.constant 0 : i32
        %dma_wait3A_232 = tpu.memref_slice %arg3[%dma_wait3A_231, %mul3A_219] : memref<2x160000xi32, #tpu.memory_space<hbm>> -> memref<2x128xi32, #tpu.memory_space<hbm>>
        tpu.wait_dma2 semaphore(%arg9 : memref<!tpu.dma_semaphore, #tpu.memory_space<semaphore_mem>>) src(%dma_wait3A_232 : memref<2x128xi32, #tpu.memory_space<hbm>>) dst(%dma_wait3A_230 : memref<2x128xi32, #tpu.memory_space<vmem>>)
        %scan3A_233 = arith.constant 0 : i32
        %scan3A_234 = arith.constant 0 : i32
        %scan3A_235 = arith.constant 8 : i32
        %scan3A_236 = arith.addi %scan3A_234, %scan3A_235 : i32
        %scan3A_237 = arith.constant 1 : i32
        %scan3A_238 = scf.for %scan3A_248 = %scan3A_234 to %scan3A_236 step %scan3A_237 iter_args(%scan3A_249 = %scan3A_233) -> (i32)  : i32 {
          %mul3A_250 = arith.constant 16 : i32
          %mul3A_251 = arith.muli %scan3A_248, %mul3A_250 : i32
          %get3A = arith.constant 0 : i32
          %get3A_252 = arith.constant 0 : i32
          %get3A_253 = arith.index_cast %get3A : i32 to index
          %get3A_254 = arith.index_cast %get3A_252 : i32 to index
          %get3A_255 = arith.index_cast %mul3A_251 : i32 to index
          %get3A_256 = tpu.vector_load %arg5[%get3A_253, %get3A_254, %get3A_255] {strides = array<i32>} : memref<4x2x128xi32, #tpu.memory_space<vmem>>, vector<1x1x16xi32>,
          %get3A_257 = vector.shape_cast %get3A_256 : vector<1x1x16xi32> to vector<16xi32>
          %add3A_258 = vector.broadcast %mul3A_16 : i32 to vector<16xi32>
          %add3A_259 = arith.addi %get3A_257, %add3A_258 : vector<16xi32>
          %mul3A_260 = arith.constant 16 : i32
          %mul3A_261 = arith.muli %scan3A_248, %mul3A_260 : i32
          %swap3A = arith.constant 0 : i32
          %swap3A_262 = arith.constant 0 : i32
          %swap3A_263 = arith.index_cast %swap3A : i32 to index
          %swap3A_264 = arith.index_cast %swap3A_262 : i32 to index
          %swap3A_265 = arith.index_cast %mul3A_261 : i32 to index
          %swap3A_266 = tpu.vector_load %arg5[%swap3A_263, %swap3A_264, %swap3A_265] {strides = array<i32>} : memref<4x2x128xi32, #tpu.memory_space<vmem>>, vector<1x1x16xi32>,
          %swap3A_267 = vector.shape_cast %swap3A_266 : vector<1x1x16xi32> to vector<16xi32>
          %swap3A_268 = vector.shape_cast %add3A_259 : vector<16xi32> to vector<1x1x16xi32>
          tpu.vector_store %arg5[%swap3A_263, %swap3A_264, %swap3A_265], %swap3A_268 {strides = array<i32>} : memref<4x2x128xi32, #tpu.memory_space<vmem>>, vector<1x1x16xi32>,
          %scan3A_269 = arith.constant 0 : i32
          scf.yield %scan3A_269 : i32
        }
        %scan3A_239 = arith.constant 8 : i32
        %dma_start3A_240 = arith.constant 0 : i32
        %dma_start3A_241 = arith.constant 0 : i32
        %dma_start3A_242 = arith.constant 0 : i32
        %dma_start3A_243 = tpu.memref_slice %arg5[%dma_start3A_240, %dma_start3A_241, %dma_start3A_242] : memref<4x2x128xi32, #tpu.memory_space<vmem>> -> memref<1x1x128xi32, #tpu.memory_space<vmem>>
        %dma_start3A_244 = tpu.memref_squeeze %dma_start3A_243 : memref<1x1x128xi32, #tpu.memory_space<vmem>> -> memref<128xi32, #tpu.memory_space<vmem>>
        %dma_start3A_245 = arith.constant 0 : i32
        %dma_start3A_246 = arith.constant 0 : i32
        %dma_start3A_247 = tpu.memref_slice %arg2[%dma_start3A_245, %dma_start3A_246] : memref<20480x128xf32, #tpu.memory_space<hbm>> -> memref<20480x128xf32, #tpu.memory_space<hbm>>
        tpu.enqueue_indirect_dma source(%dma_start3A_247 : memref<20480x128xf32, #tpu.memory_space<hbm>>) target(%arg6 : memref<128x128xf32, #tpu.memory_space<vmem>>) offsets(%dma_start3A_244 : memref<128xi32, #tpu.memory_space<vmem>>) semaphore(%arg13 : memref<!tpu.dma_semaphore, #tpu.memory_space<semaphore_mem>>)
      } else {
      }
      %add3A_202 = arith.constant 3 : i32
      %add3A_203 = arith.addi %mul3A_139, %add3A_202 : i32
      %lt3A_204 = arith.cmpi slt, %add3A_203, %add3A_14 : i32
      %convert_element_type3A_205 = arith.extui %lt3A_204 : i1 to i32
      %cond3A_206 = arith.constant 0 : i32
      %cond3A_207 = arith.cmpi ne, %convert_element_type3A_205, %cond3A_206 : i32
      scf.if %cond3A_207 {
        %dma_wait3A_215 = arith.constant 3 : i32
        %dma_wait3A_216 = arith.constant 0 : i32
        %dma_wait3A_217 = arith.constant 0 : i32
        %dma_wait3A_218 = tpu.memref_slice %arg5[%dma_wait3A_215, %dma_wait3A_216, %dma_wait3A_217] : memref<4x2x128xi32, #tpu.memory_space<vmem>> -> memref<1x1x128xi32, #tpu.memory_space<vmem>>
        %dma_wait3A_219 = tpu.memref_squeeze %dma_wait3A_218 : memref<1x1x128xi32, #tpu.memory_space<vmem>> -> memref<128xi32, #tpu.memory_space<vmem>>
        %dma_wait3A_220 = arith.constant 0 : i32
        %dma_wait3A_221 = arith.constant 0 : i32
        %dma_wait3A_222 = tpu.memref_slice %arg2[%dma_wait3A_220, %dma_wait3A_221] : memref<20480x128xf32, #tpu.memory_space<hbm>> -> memref<20480x128xf32, #tpu.memory_space<hbm>>
        tpu.wait_indirect_dma semaphore(%arg14 : memref<!tpu.dma_semaphore, #tpu.memory_space<semaphore_mem>>) src(%dma_wait3A_222 : memref<20480x128xf32, #tpu.memory_space<hbm>>) dst(%arg7 : memref<128x128xf32, #tpu.memory_space<vmem>>)
        %run_scoped3A_223 = arith.constant 3 : i32
        %run_scoped3A_224 = arith.constant 1 : i32
        "tpu.region"() ({
          %run_scoped3A_225 = tpu.sem_alloc : memref<!tpu.dma_semaphore, #tpu.memory_space<semaphore_mem>>
          %dma_start3A_226 = arith.constant 0 : i32
          %dma_start3A_227 = tpu.memref_slice %arg5[%run_scoped3A_223, %run_scoped3A_224, %dma_start3A_226] : memref<4x2x128xi32, #tpu.memory_space<vmem>> -> memref<1x1x128xi32, #tpu.memory_space<vmem>>
          %dma_start3A_228 = tpu.memref_squeeze %dma_start3A_227 : memref<1x1x128xi32, #tpu.memory_space<vmem>> -> memref<128xi32, #tpu.memory_space<vmem>>
          %dma_start3A_229 = arith.constant 0 : i32
          %dma_start3A_230 = arith.constant 0 : i32
          %dma_start3A_231 = tpu.memref_slice %arg8[%dma_start3A_229, %dma_start3A_230] : memref<10240x128xf32, #tpu.memory_space<vmem_shared>> -> memref<10240x128xf32, #tpu.memory_space<vmem_shared>>
          tpu.enqueue_indirect_dma source(%arg7 : memref<128x128xf32, #tpu.memory_space<vmem>>) target(%dma_start3A_231 : memref<10240x128xf32, #tpu.memory_space<vmem_shared>>) offsets(%dma_start3A_228 : memref<128xi32, #tpu.memory_space<vmem>>) semaphore(%run_scoped3A_225 : memref<!tpu.dma_semaphore, #tpu.memory_space<semaphore_mem>>) {add = true}
          %dma_wait3A_232 = arith.constant 0 : i32
          %dma_wait3A_233 = tpu.memref_slice %arg5[%run_scoped3A_223, %run_scoped3A_224, %dma_wait3A_232] : memref<4x2x128xi32, #tpu.memory_space<vmem>> -> memref<1x1x128xi32, #tpu.memory_space<vmem>>
          %dma_wait3A_234 = tpu.memref_squeeze %dma_wait3A_233 : memref<1x1x128xi32, #tpu.memory_space<vmem>> -> memref<128xi32, #tpu.memory_space<vmem>>
          %dma_wait3A_235 = arith.constant 0 : i32
          %dma_wait3A_236 = arith.constant 0 : i32
          %dma_wait3A_237 = tpu.memref_slice %arg8[%dma_wait3A_235, %dma_wait3A_236] : memref<10240x128xf32, #tpu.memory_space<vmem_shared>> -> memref<10240x128xf32, #tpu.memory_space<vmem_shared>>
          tpu.wait_indirect_dma semaphore(%run_scoped3A_225 : memref<!tpu.dma_semaphore, #tpu.memory_space<semaphore_mem>>) src(%arg7 : memref<128x128xf32, #tpu.memory_space<vmem>>) dst(%dma_wait3A_237 : memref<10240x128xf32, #tpu.memory_space<vmem_shared>>)
          tpu.yield
        }) : () -> ()
      } else {
      }
      %add3A_208 = arith.constant 6 : i32
      %add3A_209 = arith.addi %mul3A_139, %add3A_208 : i32
      %lt3A_210 = arith.cmpi slt, %add3A_209, %add3A_14 : i32
      %convert_element_type3A_211 = arith.extui %lt3A_210 : i1 to i32
      %cond3A_212 = arith.constant 0 : i32
      %cond3A_213 = arith.cmpi ne, %convert_element_type3A_211, %cond3A_212 : i32
      scf.if %cond3A_213 {
        %add3A_215 = arith.constant 6 : i32
        %add3A_216 = arith.addi %mul3A_139, %add3A_215 : i32
        %add3A_217 = arith.addi %add3A_11, %add3A_216 : i32
        %mul3A_218 = arith.constant 128 : i32
        %mul3A_219 = arith.muli %add3A_217, %mul3A_218 : i32
        %dma_start3A_220 = arith.constant 2 : i32
        %dma_start3A_221 = arith.constant 0 : i32
        %dma_start3A_222 = arith.constant 0 : i32
        %dma_start3A_223 = tpu.memref_slice %arg5[%dma_start3A_220, %dma_start3A_221, %dma_start3A_222] : memref<4x2x128xi32, #tpu.memory_space<vmem>> -> memref<1x2x128xi32, #tpu.memory_space<vmem>>
        %dma_start3A_224 = tpu.memref_squeeze %dma_start3A_223 : memref<1x2x128xi32, #tpu.memory_space<vmem>> -> memref<2x128xi32, #tpu.memory_space<vmem>>
        %dma_start3A_225 = arith.constant 0 : i32
        %dma_start3A_226 = tpu.memref_slice %arg3[%dma_start3A_225, %mul3A_219] : memref<2x160000xi32, #tpu.memory_space<hbm>> -> memref<2x128xi32, #tpu.memory_space<hbm>>
        %dma_start3A_227 = arith.constant 0 : i32
        %dma_start3A_228 = arith.constant 0 : i32
        %dma_start3A_229 = tpu.memref_slice %arg5[%dma_start3A_220, %dma_start3A_227, %dma_start3A_228] : memref<4x2x128xi32, #tpu.memory_space<vmem>> -> memref<1x2x128xi32, #tpu.memory_space<vmem>>
        %dma_start3A_230 = tpu.memref_squeeze %dma_start3A_229 : memref<1x2x128xi32, #tpu.memory_space<vmem>> -> memref<2x128xi32, #tpu.memory_space<vmem>>
        %dma_start3A_231 = arith.constant 0 : i32
        %dma_start3A_232 = tpu.memref_slice %arg3[%dma_start3A_231, %mul3A_219] : memref<2x160000xi32, #tpu.memory_space<hbm>> -> memref<2x128xi32, #tpu.memory_space<hbm>>
        tpu.enqueue_dma source(%dma_start3A_232 : memref<2x128xi32, #tpu.memory_space<hbm>>) target(%dma_start3A_230 : memref<2x128xi32, #tpu.memory_space<vmem>>) target_semaphore(%arg11 : memref<!tpu.dma_semaphore, #tpu.memory_space<semaphore_mem>>)
      } else {
      }
      %while3A_214 = arith.constant 0 : i32
      scf.yield %while3A_214 : i32
    }
    %while3A_129 = arith.constant 1 : i32
    %while3A_130 = scf.for %while3A_136 = %while3A_126 to %while3A_122 step %while3A_129 iter_args(%while3A_137 = %while3A_128) -> (i32)  : i32 {
      %mul3A_138 = arith.constant 4 : i32
      %mul3A_139 = arith.muli %while3A_136, %mul3A_138 : i32
      %add3A_140 = arith.constant 1 : i32
      %add3A_141 = arith.addi %mul3A_139, %add3A_140 : i32
      %lt3A_142 = arith.cmpi slt, %add3A_141, %add3A_14 : i32
      %convert_element_type3A_143 = arith.extui %lt3A_142 : i1 to i32
      %cond3A = arith.constant 0 : i32
      %cond3A_144 = arith.cmpi ne, %convert_element_type3A_143, %cond3A : i32
      scf.if %cond3A_144 {
        %add3A_215 = arith.constant 1 : i32
        %add3A_216 = arith.addi %mul3A_139, %add3A_215 : i32
        %add3A_217 = arith.addi %add3A_11, %add3A_216 : i32
        %mul3A_218 = arith.constant 128 : i32
        %mul3A_219 = arith.muli %add3A_217, %mul3A_218 : i32
        %dma_wait3A_220 = arith.constant 1 : i32
        %dma_wait3A_221 = arith.constant 0 : i32
        %dma_wait3A_222 = arith.constant 0 : i32
        %dma_wait3A_223 = tpu.memref_slice %arg5[%dma_wait3A_220, %dma_wait3A_221, %dma_wait3A_222] : memref<4x2x128xi32, #tpu.memory_space<vmem>> -> memref<1x2x128xi32, #tpu.memory_space<vmem>>
        %dma_wait3A_224 = tpu.memref_squeeze %dma_wait3A_223 : memref<1x2x128xi32, #tpu.memory_space<vmem>> -> memref<2x128xi32, #tpu.memory_space<vmem>>
        %dma_wait3A_225 = arith.constant 0 : i32
        %dma_wait3A_226 = tpu.memref_slice %arg3[%dma_wait3A_225, %mul3A_219] : memref<2x160000xi32, #tpu.memory_space<hbm>> -> memref<2x128xi32, #tpu.memory_space<hbm>>
        %dma_wait3A_227 = arith.constant 0 : i32
        %dma_wait3A_228 = arith.constant 0 : i32
        %dma_wait3A_229 = tpu.memref_slice %arg5[%dma_wait3A_220, %dma_wait3A_227, %dma_wait3A_228] : memref<4x2x128xi32, #tpu.memory_space<vmem>> -> memref<1x2x128xi32, #tpu.memory_space<vmem>>
        %dma_wait3A_230 = tpu.memref_squeeze %dma_wait3A_229 : memref<1x2x128xi32, #tpu.memory_space<vmem>> -> memref<2x128xi32, #tpu.memory_space<vmem>>
        %dma_wait3A_231 = arith.constant 0 : i32
        %dma_wait3A_232 = tpu.memref_slice %arg3[%dma_wait3A_231, %mul3A_219] : memref<2x160000xi32, #tpu.memory_space<hbm>> -> memref<2x128xi32, #tpu.memory_space<hbm>>
        tpu.wait_dma2 semaphore(%arg10 : memref<!tpu.dma_semaphore, #tpu.memory_space<semaphore_mem>>) src(%dma_wait3A_232 : memref<2x128xi32, #tpu.memory_space<hbm>>) dst(%dma_wait3A_230 : memref<2x128xi32, #tpu.memory_space<vmem>>)
        %scan3A_233 = arith.constant 0 : i32
        %scan3A_234 = arith.constant 0 : i32
        %scan3A_235 = arith.constant 8 : i32
        %scan3A_236 = arith.addi %scan3A_234, %scan3A_235 : i32
        %scan3A_237 = arith.constant 1 : i32
        %scan3A_238 = scf.for %scan3A_248 = %scan3A_234 to %scan3A_236 step %scan3A_237 iter_args(%scan3A_249 = %scan3A_233) -> (i32)  : i32 {
          %mul3A_250 = arith.constant 16 : i32
          %mul3A_251 = arith.muli %scan3A_248, %mul3A_250 : i32
          %get3A = arith.constant 1 : i32
          %get3A_252 = arith.constant 0 : i32
          %get3A_253 = arith.index_cast %get3A : i32 to index
          %get3A_254 = arith.index_cast %get3A_252 : i32 to index
          %get3A_255 = arith.index_cast %mul3A_251 : i32 to index
          %get3A_256 = tpu.vector_load %arg5[%get3A_253, %get3A_254, %get3A_255] {strides = array<i32>} : memref<4x2x128xi32, #tpu.memory_space<vmem>>, vector<1x1x16xi32>,
          %get3A_257 = vector.shape_cast %get3A_256 : vector<1x1x16xi32> to vector<16xi32>
          %add3A_258 = vector.broadcast %mul3A_16 : i32 to vector<16xi32>
          %add3A_259 = arith.addi %get3A_257, %add3A_258 : vector<16xi32>
          %mul3A_260 = arith.constant 16 : i32
          %mul3A_261 = arith.muli %scan3A_248, %mul3A_260 : i32
          %swap3A = arith.constant 1 : i32
          %swap3A_262 = arith.constant 0 : i32
          %swap3A_263 = arith.index_cast %swap3A : i32 to index
          %swap3A_264 = arith.index_cast %swap3A_262 : i32 to index
          %swap3A_265 = arith.index_cast %mul3A_261 : i32 to index
          %swap3A_266 = tpu.vector_load %arg5[%swap3A_263, %swap3A_264, %swap3A_265] {strides = array<i32>} : memref<4x2x128xi32, #tpu.memory_space<vmem>>, vector<1x1x16xi32>,
          %swap3A_267 = vector.shape_cast %swap3A_266 : vector<1x1x16xi32> to vector<16xi32>
          %swap3A_268 = vector.shape_cast %add3A_259 : vector<16xi32> to vector<1x1x16xi32>
          tpu.vector_store %arg5[%swap3A_263, %swap3A_264, %swap3A_265], %swap3A_268 {strides = array<i32>} : memref<4x2x128xi32, #tpu.memory_space<vmem>>, vector<1x1x16xi32>,
          %scan3A_269 = arith.constant 0 : i32
          scf.yield %scan3A_269 : i32
        }
        %scan3A_239 = arith.constant 8 : i32
        %dma_start3A_240 = arith.constant 1 : i32
        %dma_start3A_241 = arith.constant 0 : i32
        %dma_start3A_242 = arith.constant 0 : i32
        %dma_start3A_243 = tpu.memref_slice %arg5[%dma_start3A_240, %dma_start3A_241, %dma_start3A_242] : memref<4x2x128xi32, #tpu.memory_space<vmem>> -> memref<1x1x128xi32, #tpu.memory_space<vmem>>
        %dma_start3A_244 = tpu.memref_squeeze %dma_start3A_243 : memref<1x1x128xi32, #tpu.memory_space<vmem>> -> memref<128xi32, #tpu.memory_space<vmem>>
        %dma_start3A_245 = arith.constant 0 : i32
        %dma_start3A_246 = arith.constant 0 : i32
        %dma_start3A_247 = tpu.memref_slice %arg2[%dma_start3A_245, %dma_start3A_246] : memref<20480x128xf32, #tpu.memory_space<hbm>> -> memref<20480x128xf32, #tpu.memory_space<hbm>>
        tpu.enqueue_indirect_dma source(%dma_start3A_247 : memref<20480x128xf32, #tpu.memory_space<hbm>>) target(%arg7 : memref<128x128xf32, #tpu.memory_space<vmem>>) offsets(%dma_start3A_244 : memref<128xi32, #tpu.memory_space<vmem>>) semaphore(%arg14 : memref<!tpu.dma_semaphore, #tpu.memory_space<semaphore_mem>>)
      } else {
      }
      %dma_wait3A_145 = arith.constant 0 : i32
      %dma_wait3A_146 = arith.constant 0 : i32
      %dma_wait3A_147 = arith.constant 0 : i32
      %dma_wait3A_148 = tpu.memref_slice %arg5[%dma_wait3A_145, %dma_wait3A_146, %dma_wait3A_147] : memref<4x2x128xi32, #tpu.memory_space<vmem>> -> memref<1x1x128xi32, #tpu.memory_space<vmem>>
      %dma_wait3A_149 = tpu.memref_squeeze %dma_wait3A_148 : memref<1x1x128xi32, #tpu.memory_space<vmem>> -> memref<128xi32, #tpu.memory_space<vmem>>
      %dma_wait3A_150 = arith.constant 0 : i32
      %dma_wait3A_151 = arith.constant 0 : i32
      %dma_wait3A_152 = tpu.memref_slice %arg2[%dma_wait3A_150, %dma_wait3A_151] : memref<20480x128xf32, #tpu.memory_space<hbm>> -> memref<20480x128xf32, #tpu.memory_space<hbm>>
      tpu.wait_indirect_dma semaphore(%arg13 : memref<!tpu.dma_semaphore, #tpu.memory_space<semaphore_mem>>) src(%dma_wait3A_152 : memref<20480x128xf32, #tpu.memory_space<hbm>>) dst(%arg6 : memref<128x128xf32, #tpu.memory_space<vmem>>)
      %run_scoped3A = arith.constant 0 : i32
      %run_scoped3A_153 = arith.constant 1 : i32
      "tpu.region"() ({
        %run_scoped3A_215 = tpu.sem_alloc : memref<!tpu.dma_semaphore, #tpu.memory_space<semaphore_mem>>
        %dma_start3A_216 = arith.constant 0 : i32
        %dma_start3A_217 = tpu.memref_slice %arg5[%run_scoped3A, %run_scoped3A_153, %dma_start3A_216] : memref<4x2x128xi32, #tpu.memory_space<vmem>> -> memref<1x1x128xi32, #tpu.memory_space<vmem>>
        %dma_start3A_218 = tpu.memref_squeeze %dma_start3A_217 : memref<1x1x128xi32, #tpu.memory_space<vmem>> -> memref<128xi32, #tpu.memory_space<vmem>>
        %dma_start3A_219 = arith.constant 0 : i32
        %dma_start3A_220 = arith.constant 0 : i32
        %dma_start3A_221 = tpu.memref_slice %arg8[%dma_start3A_219, %dma_start3A_220] : memref<10240x128xf32, #tpu.memory_space<vmem_shared>> -> memref<10240x128xf32, #tpu.memory_space<vmem_shared>>
        tpu.enqueue_indirect_dma source(%arg6 : memref<128x128xf32, #tpu.memory_space<vmem>>) target(%dma_start3A_221 : memref<10240x128xf32, #tpu.memory_space<vmem_shared>>) offsets(%dma_start3A_218 : memref<128xi32, #tpu.memory_space<vmem>>) semaphore(%run_scoped3A_215 : memref<!tpu.dma_semaphore, #tpu.memory_space<semaphore_mem>>) {add = true}
        %dma_wait3A_222 = arith.constant 0 : i32
        %dma_wait3A_223 = tpu.memref_slice %arg5[%run_scoped3A, %run_scoped3A_153, %dma_wait3A_222] : memref<4x2x128xi32, #tpu.memory_space<vmem>> -> memref<1x1x128xi32, #tpu.memory_space<vmem>>
        %dma_wait3A_224 = tpu.memref_squeeze %dma_wait3A_223 : memref<1x1x128xi32, #tpu.memory_space<vmem>> -> memref<128xi32, #tpu.memory_space<vmem>>
        %dma_wait3A_225 = arith.constant 0 : i32
        %dma_wait3A_226 = arith.constant 0 : i32
        %dma_wait3A_227 = tpu.memref_slice %arg8[%dma_wait3A_225, %dma_wait3A_226] : memref<10240x128xf32, #tpu.memory_space<vmem_shared>> -> memref<10240x128xf32, #tpu.memory_space<vmem_shared>>
        tpu.wait_indirect_dma semaphore(%run_scoped3A_215 : memref<!tpu.dma_semaphore, #tpu.memory_space<semaphore_mem>>) src(%arg6 : memref<128x128xf32, #tpu.memory_space<vmem>>) dst(%dma_wait3A_227 : memref<10240x128xf32, #tpu.memory_space<vmem_shared>>)
        tpu.yield
      }) : () -> ()
      %add3A_154 = arith.constant 3 : i32
      %add3A_155 = arith.addi %mul3A_139, %add3A_154 : i32
      %lt3A_156 = arith.cmpi slt, %add3A_155, %add3A_14 : i32
      %convert_element_type3A_157 = arith.extui %lt3A_156 : i1 to i32
      %cond3A_158 = arith.constant 0 : i32
      %cond3A_159 = arith.cmpi ne, %convert_element_type3A_157, %cond3A_158 : i32
      scf.if %cond3A_159 {
        %add3A_215 = arith.constant 3 : i32
        %add3A_216 = arith.addi %mul3A_139, %add3A_215 : i32
        %add3A_217 = arith.addi %add3A_11, %add3A_216 : i32
        %mul3A_218 = arith.constant 128 : i32
        %mul3A_219 = arith.muli %add3A_217, %mul3A_218 : i32
        %dma_start3A_220 = arith.constant 3 : i32
        %dma_start3A_221 = arith.constant 0 : i32
        %dma_start3A_222 = arith.constant 0 : i32
        %dma_start3A_223 = tpu.memref_slice %arg5[%dma_start3A_220, %dma_start3A_221, %dma_start3A_222] : memref<4x2x128xi32, #tpu.memory_space<vmem>> -> memref<1x2x128xi32, #tpu.memory_space<vmem>>
        %dma_start3A_224 = tpu.memref_squeeze %dma_start3A_223 : memref<1x2x128xi32, #tpu.memory_space<vmem>> -> memref<2x128xi32, #tpu.memory_space<vmem>>
        %dma_start3A_225 = arith.constant 0 : i32
        %dma_start3A_226 = tpu.memref_slice %arg3[%dma_start3A_225, %mul3A_219] : memref<2x160000xi32, #tpu.memory_space<hbm>> -> memref<2x128xi32, #tpu.memory_space<hbm>>
        %dma_start3A_227 = arith.constant 0 : i32
        %dma_start3A_228 = arith.constant 0 : i32
        %dma_start3A_229 = tpu.memref_slice %arg5[%dma_start3A_220, %dma_start3A_227, %dma_start3A_228] : memref<4x2x128xi32, #tpu.memory_space<vmem>> -> memref<1x2x128xi32, #tpu.memory_space<vmem>>
        %dma_start3A_230 = tpu.memref_squeeze %dma_start3A_229 : memref<1x2x128xi32, #tpu.memory_space<vmem>> -> memref<2x128xi32, #tpu.memory_space<vmem>>
        %dma_start3A_231 = arith.constant 0 : i32
        %dma_start3A_232 = tpu.memref_slice %arg3[%dma_start3A_231, %mul3A_219] : memref<2x160000xi32, #tpu.memory_space<hbm>> -> memref<2x128xi32, #tpu.memory_space<hbm>>
        tpu.enqueue_dma source(%dma_start3A_232 : memref<2x128xi32, #tpu.memory_space<hbm>>) target(%dma_start3A_230 : memref<2x128xi32, #tpu.memory_space<vmem>>) target_semaphore(%arg12 : memref<!tpu.dma_semaphore, #tpu.memory_space<semaphore_mem>>)
      } else {
      }
      %add3A_160 = arith.constant 2 : i32
      %add3A_161 = arith.addi %mul3A_139, %add3A_160 : i32
      %lt3A_162 = arith.cmpi slt, %add3A_161, %add3A_14 : i32
      %convert_element_type3A_163 = arith.extui %lt3A_162 : i1 to i32
      %cond3A_164 = arith.constant 0 : i32
      %cond3A_165 = arith.cmpi ne, %convert_element_type3A_163, %cond3A_164 : i32
      scf.if %cond3A_165 {
        %add3A_215 = arith.constant 2 : i32
        %add3A_216 = arith.addi %mul3A_139, %add3A_215 : i32
        %add3A_217 = arith.addi %add3A_11, %add3A_216 : i32
        %mul3A_218 = arith.constant 128 : i32
        %mul3A_219 = arith.muli %add3A_217, %mul3A_218 : i32
        %dma_wait3A_220 = arith.constant 2 : i32
        %dma_wait3A_221 = arith.constant 0 : i32
        %dma_wait3A_222 = arith.constant 0 : i32
        %dma_wait3A_223 = tpu.memref_slice %arg5[%dma_wait3A_220, %dma_wait3A_221, %dma_wait3A_222] : memref<4x2x128xi32, #tpu.memory_space<vmem>> -> memref<1x2x128xi32, #tpu.memory_space<vmem>>
        %dma_wait3A_224 = tpu.memref_squeeze %dma_wait3A_223 : memref<1x2x128xi32, #tpu.memory_space<vmem>> -> memref<2x128xi32, #tpu.memory_space<vmem>>
        %dma_wait3A_225 = arith.constant 0 : i32
        %dma_wait3A_226 = tpu.memref_slice %arg3[%dma_wait3A_225, %mul3A_219] : memref<2x160000xi32, #tpu.memory_space<hbm>> -> memref<2x128xi32, #tpu.memory_space<hbm>>
        %dma_wait3A_227 = arith.constant 0 : i32
        %dma_wait3A_228 = arith.constant 0 : i32
        %dma_wait3A_229 = tpu.memref_slice %arg5[%dma_wait3A_220, %dma_wait3A_227, %dma_wait3A_228] : memref<4x2x128xi32, #tpu.memory_space<vmem>> -> memref<1x2x128xi32, #tpu.memory_space<vmem>>
        %dma_wait3A_230 = tpu.memref_squeeze %dma_wait3A_229 : memref<1x2x128xi32, #tpu.memory_space<vmem>> -> memref<2x128xi32, #tpu.memory_space<vmem>>
        %dma_wait3A_231 = arith.constant 0 : i32
        %dma_wait3A_232 = tpu.memref_slice %arg3[%dma_wait3A_231, %mul3A_219] : memref<2x160000xi32, #tpu.memory_space<hbm>> -> memref<2x128xi32, #tpu.memory_space<hbm>>
        tpu.wait_dma2 semaphore(%arg11 : memref<!tpu.dma_semaphore, #tpu.memory_space<semaphore_mem>>) src(%dma_wait3A_232 : memref<2x128xi32, #tpu.memory_space<hbm>>) dst(%dma_wait3A_230 : memref<2x128xi32, #tpu.memory_space<vmem>>)
        %scan3A_233 = arith.constant 0 : i32
        %scan3A_234 = arith.constant 0 : i32
        %scan3A_235 = arith.constant 8 : i32
        %scan3A_236 = arith.addi %scan3A_234, %scan3A_235 : i32
        %scan3A_237 = arith.constant 1 : i32
        %scan3A_238 = scf.for %scan3A_248 = %scan3A_234 to %scan3A_236 step %scan3A_237 iter_args(%scan3A_249 = %scan3A_233) -> (i32)  : i32 {
          %mul3A_250 = arith.constant 16 : i32
          %mul3A_251 = arith.muli %scan3A_248, %mul3A_250 : i32
          %get3A = arith.constant 2 : i32
          %get3A_252 = arith.constant 0 : i32
          %get3A_253 = arith.index_cast %get3A : i32 to index
          %get3A_254 = arith.index_cast %get3A_252 : i32 to index
          %get3A_255 = arith.index_cast %mul3A_251 : i32 to index
          %get3A_256 = tpu.vector_load %arg5[%get3A_253, %get3A_254, %get3A_255] {strides = array<i32>} : memref<4x2x128xi32, #tpu.memory_space<vmem>>, vector<1x1x16xi32>,
          %get3A_257 = vector.shape_cast %get3A_256 : vector<1x1x16xi32> to vector<16xi32>
          %add3A_258 = vector.broadcast %mul3A_16 : i32 to vector<16xi32>
          %add3A_259 = arith.addi %get3A_257, %add3A_258 : vector<16xi32>
          %mul3A_260 = arith.constant 16 : i32
          %mul3A_261 = arith.muli %scan3A_248, %mul3A_260 : i32
          %swap3A = arith.constant 2 : i32
          %swap3A_262 = arith.constant 0 : i32
          %swap3A_263 = arith.index_cast %swap3A : i32 to index
          %swap3A_264 = arith.index_cast %swap3A_262 : i32 to index
          %swap3A_265 = arith.index_cast %mul3A_261 : i32 to index
          %swap3A_266 = tpu.vector_load %arg5[%swap3A_263, %swap3A_264, %swap3A_265] {strides = array<i32>} : memref<4x2x128xi32, #tpu.memory_space<vmem>>, vector<1x1x16xi32>,
          %swap3A_267 = vector.shape_cast %swap3A_266 : vector<1x1x16xi32> to vector<16xi32>
          %swap3A_268 = vector.shape_cast %add3A_259 : vector<16xi32> to vector<1x1x16xi32>
          tpu.vector_store %arg5[%swap3A_263, %swap3A_264, %swap3A_265], %swap3A_268 {strides = array<i32>} : memref<4x2x128xi32, #tpu.memory_space<vmem>>, vector<1x1x16xi32>,
          %scan3A_269 = arith.constant 0 : i32
          scf.yield %scan3A_269 : i32
        }
        %scan3A_239 = arith.constant 8 : i32
        %dma_start3A_240 = arith.constant 2 : i32
        %dma_start3A_241 = arith.constant 0 : i32
        %dma_start3A_242 = arith.constant 0 : i32
        %dma_start3A_243 = tpu.memref_slice %arg5[%dma_start3A_240, %dma_start3A_241, %dma_start3A_242] : memref<4x2x128xi32, #tpu.memory_space<vmem>> -> memref<1x1x128xi32, #tpu.memory_space<vmem>>
        %dma_start3A_244 = tpu.memref_squeeze %dma_start3A_243 : memref<1x1x128xi32, #tpu.memory_space<vmem>> -> memref<128xi32, #tpu.memory_space<vmem>>
        %dma_start3A_245 = arith.constant 0 : i32
        %dma_start3A_246 = arith.constant 0 : i32
        %dma_start3A_247 = tpu.memref_slice %arg2[%dma_start3A_245, %dma_start3A_246] : memref<20480x128xf32, #tpu.memory_space<hbm>> -> memref<20480x128xf32, #tpu.memory_space<hbm>>
        tpu.enqueue_indirect_dma source(%dma_start3A_247 : memref<20480x128xf32, #tpu.memory_space<hbm>>) target(%arg6 : memref<128x128xf32, #tpu.memory_space<vmem>>) offsets(%dma_start3A_244 : memref<128xi32, #tpu.memory_space<vmem>>) semaphore(%arg13 : memref<!tpu.dma_semaphore, #tpu.memory_space<semaphore_mem>>)
      } else {
      }
      %add3A_166 = arith.constant 1 : i32
      %add3A_167 = arith.addi %mul3A_139, %add3A_166 : i32
      %lt3A_168 = arith.cmpi slt, %add3A_167, %add3A_14 : i32
      %convert_element_type3A_169 = arith.extui %lt3A_168 : i1 to i32
      %cond3A_170 = arith.constant 0 : i32
      %cond3A_171 = arith.cmpi ne, %convert_element_type3A_169, %cond3A_170 : i32
      scf.if %cond3A_171 {
        %dma_wait3A_215 = arith.constant 1 : i32
        %dma_wait3A_216 = arith.constant 0 : i32
        %dma_wait3A_217 = arith.constant 0 : i32
        %dma_wait3A_218 = tpu.memref_slice %arg5[%dma_wait3A_215, %dma_wait3A_216, %dma_wait3A_217] : memref<4x2x128xi32, #tpu.memory_space<vmem>> -> memref<1x1x128xi32, #tpu.memory_space<vmem>>
        %dma_wait3A_219 = tpu.memref_squeeze %dma_wait3A_218 : memref<1x1x128xi32, #tpu.memory_space<vmem>> -> memref<128xi32, #tpu.memory_space<vmem>>
        %dma_wait3A_220 = arith.constant 0 : i32
        %dma_wait3A_221 = arith.constant 0 : i32
        %dma_wait3A_222 = tpu.memref_slice %arg2[%dma_wait3A_220, %dma_wait3A_221] : memref<20480x128xf32, #tpu.memory_space<hbm>> -> memref<20480x128xf32, #tpu.memory_space<hbm>>
        tpu.wait_indirect_dma semaphore(%arg14 : memref<!tpu.dma_semaphore, #tpu.memory_space<semaphore_mem>>) src(%dma_wait3A_222 : memref<20480x128xf32, #tpu.memory_space<hbm>>) dst(%arg7 : memref<128x128xf32, #tpu.memory_space<vmem>>)
        %run_scoped3A_223 = arith.constant 1 : i32
        %run_scoped3A_224 = arith.constant 1 : i32
        "tpu.region"() ({
          %run_scoped3A_225 = tpu.sem_alloc : memref<!tpu.dma_semaphore, #tpu.memory_space<semaphore_mem>>
          %dma_start3A_226 = arith.constant 0 : i32
          %dma_start3A_227 = tpu.memref_slice %arg5[%run_scoped3A_223, %run_scoped3A_224, %dma_start3A_226] : memref<4x2x128xi32, #tpu.memory_space<vmem>> -> memref<1x1x128xi32, #tpu.memory_space<vmem>>
          %dma_start3A_228 = tpu.memref_squeeze %dma_start3A_227 : memref<1x1x128xi32, #tpu.memory_space<vmem>> -> memref<128xi32, #tpu.memory_space<vmem>>
          %dma_start3A_229 = arith.constant 0 : i32
          %dma_start3A_230 = arith.constant 0 : i32
          %dma_start3A_231 = tpu.memref_slice %arg8[%dma_start3A_229, %dma_start3A_230] : memref<10240x128xf32, #tpu.memory_space<vmem_shared>> -> memref<10240x128xf32, #tpu.memory_space<vmem_shared>>
          tpu.enqueue_indirect_dma source(%arg7 : memref<128x128xf32, #tpu.memory_space<vmem>>) target(%dma_start3A_231 : memref<10240x128xf32, #tpu.memory_space<vmem_shared>>) offsets(%dma_start3A_228 : memref<128xi32, #tpu.memory_space<vmem>>) semaphore(%run_scoped3A_225 : memref<!tpu.dma_semaphore, #tpu.memory_space<semaphore_mem>>) {add = true}
          %dma_wait3A_232 = arith.constant 0 : i32
          %dma_wait3A_233 = tpu.memref_slice %arg5[%run_scoped3A_223, %run_scoped3A_224, %dma_wait3A_232] : memref<4x2x128xi32, #tpu.memory_space<vmem>> -> memref<1x1x128xi32, #tpu.memory_space<vmem>>
          %dma_wait3A_234 = tpu.memref_squeeze %dma_wait3A_233 : memref<1x1x128xi32, #tpu.memory_space<vmem>> -> memref<128xi32, #tpu.memory_space<vmem>>
          %dma_wait3A_235 = arith.constant 0 : i32
          %dma_wait3A_236 = arith.constant 0 : i32
          %dma_wait3A_237 = tpu.memref_slice %arg8[%dma_wait3A_235, %dma_wait3A_236] : memref<10240x128xf32, #tpu.memory_space<vmem_shared>> -> memref<10240x128xf32, #tpu.memory_space<vmem_shared>>
          tpu.wait_indirect_dma semaphore(%run_scoped3A_225 : memref<!tpu.dma_semaphore, #tpu.memory_space<semaphore_mem>>) src(%arg7 : memref<128x128xf32, #tpu.memory_space<vmem>>) dst(%dma_wait3A_237 : memref<10240x128xf32, #tpu.memory_space<vmem_shared>>)
          tpu.yield
        }) : () -> ()
      } else {
      }
      %add3A_172 = arith.constant 4 : i32
      %add3A_173 = arith.addi %mul3A_139, %add3A_172 : i32
      %lt3A_174 = arith.cmpi slt, %add3A_173, %add3A_14 : i32
      %convert_element_type3A_175 = arith.extui %lt3A_174 : i1 to i32
      %cond3A_176 = arith.constant 0 : i32
      %cond3A_177 = arith.cmpi ne, %convert_element_type3A_175, %cond3A_176 : i32
      scf.if %cond3A_177 {
        %add3A_215 = arith.constant 4 : i32
        %add3A_216 = arith.addi %mul3A_139, %add3A_215 : i32
        %add3A_217 = arith.addi %add3A_11, %add3A_216 : i32
        %mul3A_218 = arith.constant 128 : i32
        %mul3A_219 = arith.muli %add3A_217, %mul3A_218 : i32
        %dma_start3A_220 = arith.constant 0 : i32
        %dma_start3A_221 = arith.constant 0 : i32
        %dma_start3A_222 = arith.constant 0 : i32
        %dma_start3A_223 = tpu.memref_slice %arg5[%dma_start3A_220, %dma_start3A_221, %dma_start3A_222] : memref<4x2x128xi32, #tpu.memory_space<vmem>> -> memref<1x2x128xi32, #tpu.memory_space<vmem>>
        %dma_start3A_224 = tpu.memref_squeeze %dma_start3A_223 : memref<1x2x128xi32, #tpu.memory_space<vmem>> -> memref<2x128xi32, #tpu.memory_space<vmem>>
        %dma_start3A_225 = arith.constant 0 : i32
        %dma_start3A_226 = tpu.memref_slice %arg3[%dma_start3A_225, %mul3A_219] : memref<2x160000xi32, #tpu.memory_space<hbm>> -> memref<2x128xi32, #tpu.memory_space<hbm>>
        %dma_start3A_227 = arith.constant 0 : i32
        %dma_start3A_228 = arith.constant 0 : i32
        %dma_start3A_229 = tpu.memref_slice %arg5[%dma_start3A_220, %dma_start3A_227, %dma_start3A_228] : memref<4x2x128xi32, #tpu.memory_space<vmem>> -> memref<1x2x128xi32, #tpu.memory_space<vmem>>
        %dma_start3A_230 = tpu.memref_squeeze %dma_start3A_229 : memref<1x2x128xi32, #tpu.memory_space<vmem>> -> memref<2x128xi32, #tpu.memory_space<vmem>>
        %dma_start3A_231 = arith.constant 0 : i32
        %dma_start3A_232 = tpu.memref_slice %arg3[%dma_start3A_231, %mul3A_219] : memref<2x160000xi32, #tpu.memory_space<hbm>> -> memref<2x128xi32, #tpu.memory_space<hbm>>
        tpu.enqueue_dma source(%dma_start3A_232 : memref<2x128xi32, #tpu.memory_space<hbm>>) target(%dma_start3A_230 : memref<2x128xi32, #tpu.memory_space<vmem>>) target_semaphore(%arg9 : memref<!tpu.dma_semaphore, #tpu.memory_space<semaphore_mem>>)
      } else {
      }
      %add3A_178 = arith.constant 3 : i32
      %add3A_179 = arith.addi %mul3A_139, %add3A_178 : i32
      %lt3A_180 = arith.cmpi slt, %add3A_179, %add3A_14 : i32
      %convert_element_type3A_181 = arith.extui %lt3A_180 : i1 to i32
      %cond3A_182 = arith.constant 0 : i32
      %cond3A_183 = arith.cmpi ne, %convert_element_type3A_181, %cond3A_182 : i32
      scf.if %cond3A_183 {
        %add3A_215 = arith.constant 3 : i32
        %add3A_216 = arith.addi %mul3A_139, %add3A_215 : i32
        %add3A_217 = arith.addi %add3A_11, %add3A_216 : i32
        %mul3A_218 = arith.constant 128 : i32
        %mul3A_219 = arith.muli %add3A_217, %mul3A_218 : i32
        %dma_wait3A_220 = arith.constant 3 : i32
        %dma_wait3A_221 = arith.constant 0 : i32
        %dma_wait3A_222 = arith.constant 0 : i32
        %dma_wait3A_223 = tpu.memref_slice %arg5[%dma_wait3A_220, %dma_wait3A_221, %dma_wait3A_222] : memref<4x2x128xi32, #tpu.memory_space<vmem>> -> memref<1x2x128xi32, #tpu.memory_space<vmem>>
        %dma_wait3A_224 = tpu.memref_squeeze %dma_wait3A_223 : memref<1x2x128xi32, #tpu.memory_space<vmem>> -> memref<2x128xi32, #tpu.memory_space<vmem>>
        %dma_wait3A_225 = arith.constant 0 : i32
        %dma_wait3A_226 = tpu.memref_slice %arg3[%dma_wait3A_225, %mul3A_219] : memref<2x160000xi32, #tpu.memory_space<hbm>> -> memref<2x128xi32, #tpu.memory_space<hbm>>
        %dma_wait3A_227 = arith.constant 0 : i32
        %dma_wait3A_228 = arith.constant 0 : i32
        %dma_wait3A_229 = tpu.memref_slice %arg5[%dma_wait3A_220, %dma_wait3A_227, %dma_wait3A_228] : memref<4x2x128xi32, #tpu.memory_space<vmem>> -> memref<1x2x128xi32, #tpu.memory_space<vmem>>
        %dma_wait3A_230 = tpu.memref_squeeze %dma_wait3A_229 : memref<1x2x128xi32, #tpu.memory_space<vmem>> -> memref<2x128xi32, #tpu.memory_space<vmem>>
        %dma_wait3A_231 = arith.constant 0 : i32
        %dma_wait3A_232 = tpu.memref_slice %arg3[%dma_wait3A_231, %mul3A_219] : memref<2x160000xi32, #tpu.memory_space<hbm>> -> memref<2x128xi32, #tpu.memory_space<hbm>>
        tpu.wait_dma2 semaphore(%arg12 : memref<!tpu.dma_semaphore, #tpu.memory_space<semaphore_mem>>) src(%dma_wait3A_232 : memref<2x128xi32, #tpu.memory_space<hbm>>) dst(%dma_wait3A_230 : memref<2x128xi32, #tpu.memory_space<vmem>>)
        %scan3A_233 = arith.constant 0 : i32
        %scan3A_234 = arith.constant 0 : i32
        %scan3A_235 = arith.constant 8 : i32
        %scan3A_236 = arith.addi %scan3A_234, %scan3A_235 : i32
        %scan3A_237 = arith.constant 1 : i32
        %scan3A_238 = scf.for %scan3A_248 = %scan3A_234 to %scan3A_236 step %scan3A_237 iter_args(%scan3A_249 = %scan3A_233) -> (i32)  : i32 {
          %mul3A_250 = arith.constant 16 : i32
          %mul3A_251 = arith.muli %scan3A_248, %mul3A_250 : i32
          %get3A = arith.constant 3 : i32
          %get3A_252 = arith.constant 0 : i32
          %get3A_253 = arith.index_cast %get3A : i32 to index
          %get3A_254 = arith.index_cast %get3A_252 : i32 to index
          %get3A_255 = arith.index_cast %mul3A_251 : i32 to index
          %get3A_256 = tpu.vector_load %arg5[%get3A_253, %get3A_254, %get3A_255] {strides = array<i32>} : memref<4x2x128xi32, #tpu.memory_space<vmem>>, vector<1x1x16xi32>,
          %get3A_257 = vector.shape_cast %get3A_256 : vector<1x1x16xi32> to vector<16xi32>
          %add3A_258 = vector.broadcast %mul3A_16 : i32 to vector<16xi32>
          %add3A_259 = arith.addi %get3A_257, %add3A_258 : vector<16xi32>
          %mul3A_260 = arith.constant 16 : i32
          %mul3A_261 = arith.muli %scan3A_248, %mul3A_260 : i32
          %swap3A = arith.constant 3 : i32
          %swap3A_262 = arith.constant 0 : i32
          %swap3A_263 = arith.index_cast %swap3A : i32 to index
          %swap3A_264 = arith.index_cast %swap3A_262 : i32 to index
          %swap3A_265 = arith.index_cast %mul3A_261 : i32 to index
          %swap3A_266 = tpu.vector_load %arg5[%swap3A_263, %swap3A_264, %swap3A_265] {strides = array<i32>} : memref<4x2x128xi32, #tpu.memory_space<vmem>>, vector<1x1x16xi32>,
          %swap3A_267 = vector.shape_cast %swap3A_266 : vector<1x1x16xi32> to vector<16xi32>
          %swap3A_268 = vector.shape_cast %add3A_259 : vector<16xi32> to vector<1x1x16xi32>
          tpu.vector_store %arg5[%swap3A_263, %swap3A_264, %swap3A_265], %swap3A_268 {strides = array<i32>} : memref<4x2x128xi32, #tpu.memory_space<vmem>>, vector<1x1x16xi32>,
          %scan3A_269 = arith.constant 0 : i32
          scf.yield %scan3A_269 : i32
        }
        %scan3A_239 = arith.constant 8 : i32
        %dma_start3A_240 = arith.constant 3 : i32
        %dma_start3A_241 = arith.constant 0 : i32
        %dma_start3A_242 = arith.constant 0 : i32
        %dma_start3A_243 = tpu.memref_slice %arg5[%dma_start3A_240, %dma_start3A_241, %dma_start3A_242] : memref<4x2x128xi32, #tpu.memory_space<vmem>> -> memref<1x1x128xi32, #tpu.memory_space<vmem>>
        %dma_start3A_244 = tpu.memref_squeeze %dma_start3A_243 : memref<1x1x128xi32, #tpu.memory_space<vmem>> -> memref<128xi32, #tpu.memory_space<vmem>>
        %dma_start3A_245 = arith.constant 0 : i32
        %dma_start3A_246 = arith.constant 0 : i32
        %dma_start3A_247 = tpu.memref_slice %arg2[%dma_start3A_245, %dma_start3A_246] : memref<20480x128xf32, #tpu.memory_space<hbm>> -> memref<20480x128xf32, #tpu.memory_space<hbm>>
        tpu.enqueue_indirect_dma source(%dma_start3A_247 : memref<20480x128xf32, #tpu.memory_space<hbm>>) target(%arg7 : memref<128x128xf32, #tpu.memory_space<vmem>>) offsets(%dma_start3A_244 : memref<128xi32, #tpu.memory_space<vmem>>) semaphore(%arg14 : memref<!tpu.dma_semaphore, #tpu.memory_space<semaphore_mem>>)
      } else {
      }
      %add3A_184 = arith.constant 2 : i32
      %add3A_185 = arith.addi %mul3A_139, %add3A_184 : i32
      %lt3A_186 = arith.cmpi slt, %add3A_185, %add3A_14 : i32
      %convert_element_type3A_187 = arith.extui %lt3A_186 : i1 to i32
      %cond3A_188 = arith.constant 0 : i32
      %cond3A_189 = arith.cmpi ne, %convert_element_type3A_187, %cond3A_188 : i32
      scf.if %cond3A_189 {
        %dma_wait3A_215 = arith.constant 2 : i32
        %dma_wait3A_216 = arith.constant 0 : i32
        %dma_wait3A_217 = arith.constant 0 : i32
        %dma_wait3A_218 = tpu.memref_slice %arg5[%dma_wait3A_215, %dma_wait3A_216, %dma_wait3A_217] : memref<4x2x128xi32, #tpu.memory_space<vmem>> -> memref<1x1x128xi32, #tpu.memory_space<vmem>>
        %dma_wait3A_219 = tpu.memref_squeeze %dma_wait3A_218 : memref<1x1x128xi32, #tpu.memory_space<vmem>> -> memref<128xi32, #tpu.memory_space<vmem>>
        %dma_wait3A_220 = arith.constant 0 : i32
        %dma_wait3A_221 = arith.constant 0 : i32
        %dma_wait3A_222 = tpu.memref_slice %arg2[%dma_wait3A_220, %dma_wait3A_221] : memref<20480x128xf32, #tpu.memory_space<hbm>> -> memref<20480x128xf32, #tpu.memory_space<hbm>>
        tpu.wait_indirect_dma semaphore(%arg13 : memref<!tpu.dma_semaphore, #tpu.memory_space<semaphore_mem>>) src(%dma_wait3A_222 : memref<20480x128xf32, #tpu.memory_space<hbm>>) dst(%arg6 : memref<128x128xf32, #tpu.memory_space<vmem>>)
        %run_scoped3A_223 = arith.constant 2 : i32
        %run_scoped3A_224 = arith.constant 1 : i32
        "tpu.region"() ({
          %run_scoped3A_225 = tpu.sem_alloc : memref<!tpu.dma_semaphore, #tpu.memory_space<semaphore_mem>>
          %dma_start3A_226 = arith.constant 0 : i32
          %dma_start3A_227 = tpu.memref_slice %arg5[%run_scoped3A_223, %run_scoped3A_224, %dma_start3A_226] : memref<4x2x128xi32, #tpu.memory_space<vmem>> -> memref<1x1x128xi32, #tpu.memory_space<vmem>>
          %dma_start3A_228 = tpu.memref_squeeze %dma_start3A_227 : memref<1x1x128xi32, #tpu.memory_space<vmem>> -> memref<128xi32, #tpu.memory_space<vmem>>
          %dma_start3A_229 = arith.constant 0 : i32
          %dma_start3A_230 = arith.constant 0 : i32
          %dma_start3A_231 = tpu.memref_slice %arg8[%dma_start3A_229, %dma_start3A_230] : memref<10240x128xf32, #tpu.memory_space<vmem_shared>> -> memref<10240x128xf32, #tpu.memory_space<vmem_shared>>
          tpu.enqueue_indirect_dma source(%arg6 : memref<128x128xf32, #tpu.memory_space<vmem>>) target(%dma_start3A_231 : memref<10240x128xf32, #tpu.memory_space<vmem_shared>>) offsets(%dma_start3A_228 : memref<128xi32, #tpu.memory_space<vmem>>) semaphore(%run_scoped3A_225 : memref<!tpu.dma_semaphore, #tpu.memory_space<semaphore_mem>>) {add = true}
          %dma_wait3A_232 = arith.constant 0 : i32
          %dma_wait3A_233 = tpu.memref_slice %arg5[%run_scoped3A_223, %run_scoped3A_224, %dma_wait3A_232] : memref<4x2x128xi32, #tpu.memory_space<vmem>> -> memref<1x1x128xi32, #tpu.memory_space<vmem>>
          %dma_wait3A_234 = tpu.memref_squeeze %dma_wait3A_233 : memref<1x1x128xi32, #tpu.memory_space<vmem>> -> memref<128xi32, #tpu.memory_space<vmem>>
          %dma_wait3A_235 = arith.constant 0 : i32
          %dma_wait3A_236 = arith.constant 0 : i32
          %dma_wait3A_237 = tpu.memref_slice %arg8[%dma_wait3A_235, %dma_wait3A_236] : memref<10240x128xf32, #tpu.memory_space<vmem_shared>> -> memref<10240x128xf32, #tpu.memory_space<vmem_shared>>
          tpu.wait_indirect_dma semaphore(%run_scoped3A_225 : memref<!tpu.dma_semaphore, #tpu.memory_space<semaphore_mem>>) src(%arg6 : memref<128x128xf32, #tpu.memory_space<vmem>>) dst(%dma_wait3A_237 : memref<10240x128xf32, #tpu.memory_space<vmem_shared>>)
          tpu.yield
        }) : () -> ()
      } else {
      }
      %add3A_190 = arith.constant 5 : i32
      %add3A_191 = arith.addi %mul3A_139, %add3A_190 : i32
      %lt3A_192 = arith.cmpi slt, %add3A_191, %add3A_14 : i32
      %convert_element_type3A_193 = arith.extui %lt3A_192 : i1 to i32
      %cond3A_194 = arith.constant 0 : i32
      %cond3A_195 = arith.cmpi ne, %convert_element_type3A_193, %cond3A_194 : i32
      scf.if %cond3A_195 {
        %add3A_215 = arith.constant 5 : i32
        %add3A_216 = arith.addi %mul3A_139, %add3A_215 : i32
        %add3A_217 = arith.addi %add3A_11, %add3A_216 : i32
        %mul3A_218 = arith.constant 128 : i32
        %mul3A_219 = arith.muli %add3A_217, %mul3A_218 : i32
        %dma_start3A_220 = arith.constant 1 : i32
        %dma_start3A_221 = arith.constant 0 : i32
        %dma_start3A_222 = arith.constant 0 : i32
        %dma_start3A_223 = tpu.memref_slice %arg5[%dma_start3A_220, %dma_start3A_221, %dma_start3A_222] : memref<4x2x128xi32, #tpu.memory_space<vmem>> -> memref<1x2x128xi32, #tpu.memory_space<vmem>>
        %dma_start3A_224 = tpu.memref_squeeze %dma_start3A_223 : memref<1x2x128xi32, #tpu.memory_space<vmem>> -> memref<2x128xi32, #tpu.memory_space<vmem>>
        %dma_start3A_225 = arith.constant 0 : i32
        %dma_start3A_226 = tpu.memref_slice %arg3[%dma_start3A_225, %mul3A_219] : memref<2x160000xi32, #tpu.memory_space<hbm>> -> memref<2x128xi32, #tpu.memory_space<hbm>>
        %dma_start3A_227 = arith.constant 0 : i32
        %dma_start3A_228 = arith.constant 0 : i32
        %dma_start3A_229 = tpu.memref_slice %arg5[%dma_start3A_220, %dma_start3A_227, %dma_start3A_228] : memref<4x2x128xi32, #tpu.memory_space<vmem>> -> memref<1x2x128xi32, #tpu.memory_space<vmem>>
        %dma_start3A_230 = tpu.memref_squeeze %dma_start3A_229 : memref<1x2x128xi32, #tpu.memory_space<vmem>> -> memref<2x128xi32, #tpu.memory_space<vmem>>
        %dma_start3A_231 = arith.constant 0 : i32
        %dma_start3A_232 = tpu.memref_slice %arg3[%dma_start3A_231, %mul3A_219] : memref<2x160000xi32, #tpu.memory_space<hbm>> -> memref<2x128xi32, #tpu.memory_space<hbm>>
        tpu.enqueue_dma source(%dma_start3A_232 : memref<2x128xi32, #tpu.memory_space<hbm>>) target(%dma_start3A_230 : memref<2x128xi32, #tpu.memory_space<vmem>>) target_semaphore(%arg10 : memref<!tpu.dma_semaphore, #tpu.memory_space<semaphore_mem>>)
      } else {
      }
      %add3A_196 = arith.constant 4 : i32
      %add3A_197 = arith.addi %mul3A_139, %add3A_196 : i32
      %lt3A_198 = arith.cmpi slt, %add3A_197, %add3A_14 : i32
      %convert_element_type3A_199 = arith.extui %lt3A_198 : i1 to i32
      %cond3A_200 = arith.constant 0 : i32
      %cond3A_201 = arith.cmpi ne, %convert_element_type3A_199, %cond3A_200 : i32
      scf.if %cond3A_201 {
        %add3A_215 = arith.constant 4 : i32
        %add3A_216 = arith.addi %mul3A_139, %add3A_215 : i32
        %add3A_217 = arith.addi %add3A_11, %add3A_216 : i32
        %mul3A_218 = arith.constant 128 : i32
        %mul3A_219 = arith.muli %add3A_217, %mul3A_218 : i32
        %dma_wait3A_220 = arith.constant 0 : i32
        %dma_wait3A_221 = arith.constant 0 : i32
        %dma_wait3A_222 = arith.constant 0 : i32
        %dma_wait3A_223 = tpu.memref_slice %arg5[%dma_wait3A_220, %dma_wait3A_221, %dma_wait3A_222] : memref<4x2x128xi32, #tpu.memory_space<vmem>> -> memref<1x2x128xi32, #tpu.memory_space<vmem>>
        %dma_wait3A_224 = tpu.memref_squeeze %dma_wait3A_223 : memref<1x2x128xi32, #tpu.memory_space<vmem>> -> memref<2x128xi32, #tpu.memory_space<vmem>>
        %dma_wait3A_225 = arith.constant 0 : i32
        %dma_wait3A_226 = tpu.memref_slice %arg3[%dma_wait3A_225, %mul3A_219] : memref<2x160000xi32, #tpu.memory_space<hbm>> -> memref<2x128xi32, #tpu.memory_space<hbm>>
        %dma_wait3A_227 = arith.constant 0 : i32
        %dma_wait3A_228 = arith.constant 0 : i32
        %dma_wait3A_229 = tpu.memref_slice %arg5[%dma_wait3A_220, %dma_wait3A_227, %dma_wait3A_228] : memref<4x2x128xi32, #tpu.memory_space<vmem>> -> memref<1x2x128xi32, #tpu.memory_space<vmem>>
        %dma_wait3A_230 = tpu.memref_squeeze %dma_wait3A_229 : memref<1x2x128xi32, #tpu.memory_space<vmem>> -> memref<2x128xi32, #tpu.memory_space<vmem>>
        %dma_wait3A_231 = arith.constant 0 : i32
        %dma_wait3A_232 = tpu.memref_slice %arg3[%dma_wait3A_231, %mul3A_219] : memref<2x160000xi32, #tpu.memory_space<hbm>> -> memref<2x128xi32, #tpu.memory_space<hbm>>
        tpu.wait_dma2 semaphore(%arg9 : memref<!tpu.dma_semaphore, #tpu.memory_space<semaphore_mem>>) src(%dma_wait3A_232 : memref<2x128xi32, #tpu.memory_space<hbm>>) dst(%dma_wait3A_230 : memref<2x128xi32, #tpu.memory_space<vmem>>)
        %scan3A_233 = arith.constant 0 : i32
        %scan3A_234 = arith.constant 0 : i32
        %scan3A_235 = arith.constant 8 : i32
        %scan3A_236 = arith.addi %scan3A_234, %scan3A_235 : i32
        %scan3A_237 = arith.constant 1 : i32
        %scan3A_238 = scf.for %scan3A_248 = %scan3A_234 to %scan3A_236 step %scan3A_237 iter_args(%scan3A_249 = %scan3A_233) -> (i32)  : i32 {
          %mul3A_250 = arith.constant 16 : i32
          %mul3A_251 = arith.muli %scan3A_248, %mul3A_250 : i32
          %get3A = arith.constant 0 : i32
          %get3A_252 = arith.constant 0 : i32
          %get3A_253 = arith.index_cast %get3A : i32 to index
          %get3A_254 = arith.index_cast %get3A_252 : i32 to index
          %get3A_255 = arith.index_cast %mul3A_251 : i32 to index
          %get3A_256 = tpu.vector_load %arg5[%get3A_253, %get3A_254, %get3A_255] {strides = array<i32>} : memref<4x2x128xi32, #tpu.memory_space<vmem>>, vector<1x1x16xi32>,
          %get3A_257 = vector.shape_cast %get3A_256 : vector<1x1x16xi32> to vector<16xi32>
          %add3A_258 = vector.broadcast %mul3A_16 : i32 to vector<16xi32>
          %add3A_259 = arith.addi %get3A_257, %add3A_258 : vector<16xi32>
          %mul3A_260 = arith.constant 16 : i32
          %mul3A_261 = arith.muli %scan3A_248, %mul3A_260 : i32
          %swap3A = arith.constant 0 : i32
          %swap3A_262 = arith.constant 0 : i32
          %swap3A_263 = arith.index_cast %swap3A : i32 to index
          %swap3A_264 = arith.index_cast %swap3A_262 : i32 to index
          %swap3A_265 = arith.index_cast %mul3A_261 : i32 to index
          %swap3A_266 = tpu.vector_load %arg5[%swap3A_263, %swap3A_264, %swap3A_265] {strides = array<i32>} : memref<4x2x128xi32, #tpu.memory_space<vmem>>, vector<1x1x16xi32>,
          %swap3A_267 = vector.shape_cast %swap3A_266 : vector<1x1x16xi32> to vector<16xi32>
          %swap3A_268 = vector.shape_cast %add3A_259 : vector<16xi32> to vector<1x1x16xi32>
          tpu.vector_store %arg5[%swap3A_263, %swap3A_264, %swap3A_265], %swap3A_268 {strides = array<i32>} : memref<4x2x128xi32, #tpu.memory_space<vmem>>, vector<1x1x16xi32>,
          %scan3A_269 = arith.constant 0 : i32
          scf.yield %scan3A_269 : i32
        }
        %scan3A_239 = arith.constant 8 : i32
        %dma_start3A_240 = arith.constant 0 : i32
        %dma_start3A_241 = arith.constant 0 : i32
        %dma_start3A_242 = arith.constant 0 : i32
        %dma_start3A_243 = tpu.memref_slice %arg5[%dma_start3A_240, %dma_start3A_241, %dma_start3A_242] : memref<4x2x128xi32, #tpu.memory_space<vmem>> -> memref<1x1x128xi32, #tpu.memory_space<vmem>>
        %dma_start3A_244 = tpu.memref_squeeze %dma_start3A_243 : memref<1x1x128xi32, #tpu.memory_space<vmem>> -> memref<128xi32, #tpu.memory_space<vmem>>
        %dma_start3A_245 = arith.constant 0 : i32
        %dma_start3A_246 = arith.constant 0 : i32
        %dma_start3A_247 = tpu.memref_slice %arg2[%dma_start3A_245, %dma_start3A_246] : memref<20480x128xf32, #tpu.memory_space<hbm>> -> memref<20480x128xf32, #tpu.memory_space<hbm>>
        tpu.enqueue_indirect_dma source(%dma_start3A_247 : memref<20480x128xf32, #tpu.memory_space<hbm>>) target(%arg6 : memref<128x128xf32, #tpu.memory_space<vmem>>) offsets(%dma_start3A_244 : memref<128xi32, #tpu.memory_space<vmem>>) semaphore(%arg13 : memref<!tpu.dma_semaphore, #tpu.memory_space<semaphore_mem>>)
      } else {
      }
      %add3A_202 = arith.constant 3 : i32
      %add3A_203 = arith.addi %mul3A_139, %add3A_202 : i32
      %lt3A_204 = arith.cmpi slt, %add3A_203, %add3A_14 : i32
      %convert_element_type3A_205 = arith.extui %lt3A_204 : i1 to i32
      %cond3A_206 = arith.constant 0 : i32
      %cond3A_207 = arith.cmpi ne, %convert_element_type3A_205, %cond3A_206 : i32
      scf.if %cond3A_207 {
        %dma_wait3A_215 = arith.constant 3 : i32
        %dma_wait3A_216 = arith.constant 0 : i32
        %dma_wait3A_217 = arith.constant 0 : i32
        %dma_wait3A_218 = tpu.memref_slice %arg5[%dma_wait3A_215, %dma_wait3A_216, %dma_wait3A_217] : memref<4x2x128xi32, #tpu.memory_space<vmem>> -> memref<1x1x128xi32, #tpu.memory_space<vmem>>
        %dma_wait3A_219 = tpu.memref_squeeze %dma_wait3A_218 : memref<1x1x128xi32, #tpu.memory_space<vmem>> -> memref<128xi32, #tpu.memory_space<vmem>>
        %dma_wait3A_220 = arith.constant 0 : i32
        %dma_wait3A_221 = arith.constant 0 : i32
        %dma_wait3A_222 = tpu.memref_slice %arg2[%dma_wait3A_220, %dma_wait3A_221] : memref<20480x128xf32, #tpu.memory_space<hbm>> -> memref<20480x128xf32, #tpu.memory_space<hbm>>
        tpu.wait_indirect_dma semaphore(%arg14 : memref<!tpu.dma_semaphore, #tpu.memory_space<semaphore_mem>>) src(%dma_wait3A_222 : memref<20480x128xf32, #tpu.memory_space<hbm>>) dst(%arg7 : memref<128x128xf32, #tpu.memory_space<vmem>>)
        %run_scoped3A_223 = arith.constant 3 : i32
        %run_scoped3A_224 = arith.constant 1 : i32
        "tpu.region"() ({
          %run_scoped3A_225 = tpu.sem_alloc : memref<!tpu.dma_semaphore, #tpu.memory_space<semaphore_mem>>
          %dma_start3A_226 = arith.constant 0 : i32
          %dma_start3A_227 = tpu.memref_slice %arg5[%run_scoped3A_223, %run_scoped3A_224, %dma_start3A_226] : memref<4x2x128xi32, #tpu.memory_space<vmem>> -> memref<1x1x128xi32, #tpu.memory_space<vmem>>
          %dma_start3A_228 = tpu.memref_squeeze %dma_start3A_227 : memref<1x1x128xi32, #tpu.memory_space<vmem>> -> memref<128xi32, #tpu.memory_space<vmem>>
          %dma_start3A_229 = arith.constant 0 : i32
          %dma_start3A_230 = arith.constant 0 : i32
          %dma_start3A_231 = tpu.memref_slice %arg8[%dma_start3A_229, %dma_start3A_230] : memref<10240x128xf32, #tpu.memory_space<vmem_shared>> -> memref<10240x128xf32, #tpu.memory_space<vmem_shared>>
          tpu.enqueue_indirect_dma source(%arg7 : memref<128x128xf32, #tpu.memory_space<vmem>>) target(%dma_start3A_231 : memref<10240x128xf32, #tpu.memory_space<vmem_shared>>) offsets(%dma_start3A_228 : memref<128xi32, #tpu.memory_space<vmem>>) semaphore(%run_scoped3A_225 : memref<!tpu.dma_semaphore, #tpu.memory_space<semaphore_mem>>) {add = true}
          %dma_wait3A_232 = arith.constant 0 : i32
          %dma_wait3A_233 = tpu.memref_slice %arg5[%run_scoped3A_223, %run_scoped3A_224, %dma_wait3A_232] : memref<4x2x128xi32, #tpu.memory_space<vmem>> -> memref<1x1x128xi32, #tpu.memory_space<vmem>>
          %dma_wait3A_234 = tpu.memref_squeeze %dma_wait3A_233 : memref<1x1x128xi32, #tpu.memory_space<vmem>> -> memref<128xi32, #tpu.memory_space<vmem>>
          %dma_wait3A_235 = arith.constant 0 : i32
          %dma_wait3A_236 = arith.constant 0 : i32
          %dma_wait3A_237 = tpu.memref_slice %arg8[%dma_wait3A_235, %dma_wait3A_236] : memref<10240x128xf32, #tpu.memory_space<vmem_shared>> -> memref<10240x128xf32, #tpu.memory_space<vmem_shared>>
          tpu.wait_indirect_dma semaphore(%run_scoped3A_225 : memref<!tpu.dma_semaphore, #tpu.memory_space<semaphore_mem>>) src(%arg7 : memref<128x128xf32, #tpu.memory_space<vmem>>) dst(%dma_wait3A_237 : memref<10240x128xf32, #tpu.memory_space<vmem_shared>>)
          tpu.yield
        }) : () -> ()
      } else {
      }
      %add3A_208 = arith.constant 6 : i32
      %add3A_209 = arith.addi %mul3A_139, %add3A_208 : i32
      %lt3A_210 = arith.cmpi slt, %add3A_209, %add3A_14 : i32
      %convert_element_type3A_211 = arith.extui %lt3A_210 : i1 to i32
      %cond3A_212 = arith.constant 0 : i32
      %cond3A_213 = arith.cmpi ne, %convert_element_type3A_211, %cond3A_212 : i32
      scf.if %cond3A_213 {
        %add3A_215 = arith.constant 6 : i32
        %add3A_216 = arith.addi %mul3A_139, %add3A_215 : i32
        %add3A_217 = arith.addi %add3A_11, %add3A_216 : i32
        %mul3A_218 = arith.constant 128 : i32
        %mul3A_219 = arith.muli %add3A_217, %mul3A_218 : i32
        %dma_start3A_220 = arith.constant 2 : i32
        %dma_start3A_221 = arith.constant 0 : i32
        %dma_start3A_222 = arith.constant 0 : i32
        %dma_start3A_223 = tpu.memref_slice %arg5[%dma_start3A_220, %dma_start3A_221, %dma_start3A_222] : memref<4x2x128xi32, #tpu.memory_space<vmem>> -> memref<1x2x128xi32, #tpu.memory_space<vmem>>
        %dma_start3A_224 = tpu.memref_squeeze %dma_start3A_223 : memref<1x2x128xi32, #tpu.memory_space<vmem>> -> memref<2x128xi32, #tpu.memory_space<vmem>>
        %dma_start3A_225 = arith.constant 0 : i32
        %dma_start3A_226 = tpu.memref_slice %arg3[%dma_start3A_225, %mul3A_219] : memref<2x160000xi32, #tpu.memory_space<hbm>> -> memref<2x128xi32, #tpu.memory_space<hbm>>
        %dma_start3A_227 = arith.constant 0 : i32
        %dma_start3A_228 = arith.constant 0 : i32
        %dma_start3A_229 = tpu.memref_slice %arg5[%dma_start3A_220, %dma_start3A_227, %dma_start3A_228] : memref<4x2x128xi32, #tpu.memory_space<vmem>> -> memref<1x2x128xi32, #tpu.memory_space<vmem>>
        %dma_start3A_230 = tpu.memref_squeeze %dma_start3A_229 : memref<1x2x128xi32, #tpu.memory_space<vmem>> -> memref<2x128xi32, #tpu.memory_space<vmem>>
        %dma_start3A_231 = arith.constant 0 : i32
        %dma_start3A_232 = tpu.memref_slice %arg3[%dma_start3A_231, %mul3A_219] : memref<2x160000xi32, #tpu.memory_space<hbm>> -> memref<2x128xi32, #tpu.memory_space<hbm>>
        tpu.enqueue_dma source(%dma_start3A_232 : memref<2x128xi32, #tpu.memory_space<hbm>>) target(%dma_start3A_230 : memref<2x128xi32, #tpu.memory_space<vmem>>) target_semaphore(%arg11 : memref<!tpu.dma_semaphore, #tpu.memory_space<semaphore_mem>>)
      } else {
      }
      %while3A_214 = arith.constant 0 : i32
      scf.yield %while3A_214 : i32
    }
    %barrier3A_131 = arith.constant 0 : index
    tpu.barrier barrier_id(%barrier3A_131)
    %mul3A_132 = arith.constant 640 : i32
    %mul3A_133 = arith.muli %arg1, %mul3A_132 : i32
    %mul3A_134 = arith.constant 640 : i32
    %mul3A_135 = arith.muli %arg1, %mul3A_134 : i32
    "tpu.region"() ({
      %run_scoped3A = tpu.sem_alloc : memref<!tpu.dma_semaphore, #tpu.memory_space<semaphore_mem>>
      %dma_start3A_136 = arith.constant 0 : i32
      %dma_start3A_137 = tpu.memref_slice %arg4[%arg0, %mul3A_135, %dma_start3A_136] : memref<2x10240x128xf32, #tpu.memory_space<hbm>> -> memref<1x640x128xf32, #tpu.memory_space<hbm>>
      %dma_start3A_138 = tpu.memref_squeeze %dma_start3A_137 : memref<1x640x128xf32, #tpu.memory_space<hbm>> -> memref<640x128xf32, #tpu.memory_space<hbm>>
      %dma_start3A_139 = arith.constant 0 : i32
      %dma_start3A_140 = tpu.memref_slice %arg8[%mul3A_133, %dma_start3A_139] : memref<10240x128xf32, #tpu.memory_space<vmem_shared>> -> memref<640x128xf32, #tpu.memory_space<vmem_shared>>
      tpu.enqueue_dma source(%dma_start3A_140 : memref<640x128xf32, #tpu.memory_space<vmem_shared>>) target(%dma_start3A_138 : memref<640x128xf32, #tpu.memory_space<hbm>>) target_semaphore(%run_scoped3A : memref<!tpu.dma_semaphore, #tpu.memory_space<semaphore_mem>>)
      %dma_wait3A_141 = arith.constant 0 : i32
      %dma_wait3A_142 = tpu.memref_slice %arg4[%arg0, %mul3A_135, %dma_wait3A_141] : memref<2x10240x128xf32, #tpu.memory_space<hbm>> -> memref<1x640x128xf32, #tpu.memory_space<hbm>>
      %dma_wait3A_143 = tpu.memref_squeeze %dma_wait3A_142 : memref<1x640x128xf32, #tpu.memory_space<hbm>> -> memref<640x128xf32, #tpu.memory_space<hbm>>
      %dma_wait3A_144 = arith.constant 0 : i32
      %dma_wait3A_145 = tpu.memref_slice %arg8[%mul3A_133, %dma_wait3A_144] : memref<10240x128xf32, #tpu.memory_space<vmem_shared>> -> memref<640x128xf32, #tpu.memory_space<vmem_shared>>
      tpu.wait_dma2 semaphore(%run_scoped3A : memref<!tpu.dma_semaphore, #tpu.memory_space<semaphore_mem>>) src(%dma_wait3A_145 : memref<640x128xf32, #tpu.memory_space<vmem_shared>>) dst(%dma_wait3A_143 : memref<640x128xf32, #tpu.memory_space<hbm>>)
      tpu.yield
    }) : () -> ()
    return
  }
}

#map = affine_map<(d0, d1) -> (0, 0)>
module attributes {stable_mosaic.version = 14 : i64} {
  func.func @_deg_hist(%arg0: i32, %arg1: i32, %arg2: memref<2x160000xi32, #tpu.memory_space<hbm>>, %arg3: memref<2x10240xf32, #tpu.memory_space<hbm>>, %arg4: memref<50x128xi32, #tpu.memory_space<vmem>>, %arg5: memref<128xf32, #tpu.memory_space<vmem>>, %arg6: memref<640xf32, #tpu.memory_space<vmem>>, %arg7: memref<10240xf32, #tpu.memory_space<vmem_shared>>, %arg8: memref<!tpu.dma_semaphore, #tpu.memory_space<semaphore_mem>>) attributes {dimension_semantics = [#tpu.dimension_semantics<core_parallel>, #tpu.dimension_semantics<subcore_parallel>], iteration_bounds = array<i64: 2, 16>, scalar_prefetch = 0 : i64, scratch_operands = 5 : i64, tpu.core_type = #tpu.core_type<sc_vector_subcore>, window_params = [{transform_indices = #map}, {transform_indices = #map}]} {
    %mul3A = arith.constant 16 : i32
    %mul3A_0 = arith.muli %arg0, %mul3A : i32
    %add3A = arith.addi %mul3A_0, %arg1 : i32
    %mul3A_1 = arith.constant 50 : i32
    %mul3A_2 = arith.muli %add3A, %mul3A_1 : i32
    %scan3A = arith.constant 0 : i32
    %scan3A_3 = arith.constant 0 : i32
    %scan3A_4 = arith.constant 8 : i32
    %scan3A_5 = arith.addi %scan3A_3, %scan3A_4 : i32
    %scan3A_6 = arith.constant 1 : i32
    %scan3A_7 = scf.for %scan3A_30 = %scan3A_3 to %scan3A_5 step %scan3A_6 iter_args(%scan3A_31 = %scan3A) -> (i32)  : i32 {
      %broadcast_in_dim3A = arith.constant 1.000000e+00 : f32
      %broadcast_in_dim3A_32 = vector.broadcast %broadcast_in_dim3A : f32 to vector<16xf32>
      %mul3A_33 = arith.constant 16 : i32
      %mul3A_34 = arith.muli %scan3A_30, %mul3A_33 : i32
      %swap3A = arith.index_cast %mul3A_34 : i32 to index
      %swap3A_35 = tpu.vector_load %arg5[%swap3A] {strides = array<i32>} : memref<128xf32, #tpu.memory_space<vmem>>, vector<16xf32>,
      %swap3A_36 = vector.shape_cast %swap3A_35 : vector<16xf32> to vector<16xf32>
      %swap3A_37 = vector.shape_cast %broadcast_in_dim3A_32 : vector<16xf32> to vector<16xf32>
      tpu.vector_store %arg5[%swap3A], %swap3A_37 {strides = array<i32>} : memref<128xf32, #tpu.memory_space<vmem>>, vector<16xf32>,
      %scan3A_38 = arith.constant 0 : i32
      scf.yield %scan3A_38 : i32
    }
    %scan3A_8 = arith.constant 8 : i32
    %scan3A_9 = arith.constant 0 : i32
    %scan3A_10 = arith.constant 0 : i32
    %scan3A_11 = arith.constant 40 : i32
    %scan3A_12 = arith.addi %scan3A_10, %scan3A_11 : i32
    %scan3A_13 = arith.constant 1 : i32
    %scan3A_14 = scf.for %scan3A_30 = %scan3A_10 to %scan3A_12 step %scan3A_13 iter_args(%scan3A_31 = %scan3A_9) -> (i32)  : i32 {
      %broadcast_in_dim3A = arith.constant 0.000000e+00 : f32
      %broadcast_in_dim3A_32 = vector.broadcast %broadcast_in_dim3A : f32 to vector<16xf32>
      %mul3A_33 = arith.constant 16 : i32
      %mul3A_34 = arith.muli %scan3A_30, %mul3A_33 : i32
      %swap3A = arith.index_cast %mul3A_34 : i32 to index
      %swap3A_35 = tpu.vector_load %arg6[%swap3A] {strides = array<i32>} : memref<640xf32, #tpu.memory_space<vmem>>, vector<16xf32>,
      %swap3A_36 = vector.shape_cast %swap3A_35 : vector<16xf32> to vector<16xf32>
      %swap3A_37 = vector.shape_cast %broadcast_in_dim3A_32 : vector<16xf32> to vector<16xf32>
      tpu.vector_store %arg6[%swap3A], %swap3A_37 {strides = array<i32>} : memref<640xf32, #tpu.memory_space<vmem>>, vector<16xf32>,
      %scan3A_38 = arith.constant 0 : i32
      scf.yield %scan3A_38 : i32
    }
    %scan3A_15 = arith.constant 40 : i32
    %mul3A_16 = arith.constant 640 : i32
    %mul3A_17 = arith.muli %arg1, %mul3A_16 : i32
    "tpu.region"() ({
      %run_scoped3A = tpu.sem_alloc : memref<!tpu.dma_semaphore, #tpu.memory_space<semaphore_mem>>
      %dma_start3A = tpu.memref_slice %arg7[%mul3A_17] : memref<10240xf32, #tpu.memory_space<vmem_shared>> -> memref<640xf32, #tpu.memory_space<vmem_shared>>
      %dma_start3A_30 = tpu.memref_slice %arg7[%mul3A_17] : memref<10240xf32, #tpu.memory_space<vmem_shared>> -> memref<640xf32, #tpu.memory_space<vmem_shared>>
      tpu.enqueue_dma source(%arg6 : memref<640xf32, #tpu.memory_space<vmem>>) target(%dma_start3A_30 : memref<640xf32, #tpu.memory_space<vmem_shared>>) target_semaphore(%run_scoped3A : memref<!tpu.dma_semaphore, #tpu.memory_space<semaphore_mem>>)
      %dma_wait3A = tpu.memref_slice %arg7[%mul3A_17] : memref<10240xf32, #tpu.memory_space<vmem_shared>> -> memref<640xf32, #tpu.memory_space<vmem_shared>>
      %dma_wait3A_31 = tpu.memref_slice %arg7[%mul3A_17] : memref<10240xf32, #tpu.memory_space<vmem_shared>> -> memref<640xf32, #tpu.memory_space<vmem_shared>>
      tpu.wait_dma2 semaphore(%run_scoped3A : memref<!tpu.dma_semaphore, #tpu.memory_space<semaphore_mem>>) src(%arg6 : memref<640xf32, #tpu.memory_space<vmem>>) dst(%dma_wait3A_31 : memref<640xf32, #tpu.memory_space<vmem_shared>>)
      tpu.yield
    }) : () -> ()
    %lt3A = arith.constant 25 : i32
    %lt3A_18 = arith.cmpi slt, %add3A, %lt3A : i32
    %convert_element_type3A = arith.extui %lt3A_18 : i1 to i32
    %cond3A = arith.constant 0 : i32
    %cond3A_19 = arith.cmpi ne, %convert_element_type3A, %cond3A : i32
    scf.if %cond3A_19 {
      %scan3A_30 = arith.constant 0 : i32
      %scan3A_31 = arith.constant 0 : i32
      %scan3A_32 = arith.constant 50 : i32
      %scan3A_33 = arith.addi %scan3A_31, %scan3A_32 : i32
      %scan3A_34 = arith.constant 1 : i32
      %scan3A_35 = scf.for %scan3A_44 = %scan3A_31 to %scan3A_33 step %scan3A_34 iter_args(%scan3A_45 = %scan3A_30) -> (i32)  : i32 {
        %add3A_46 = arith.addi %mul3A_2, %scan3A_44 : i32
        %mul3A_47 = arith.constant 128 : i32
        %mul3A_48 = arith.muli %add3A_46, %mul3A_47 : i32
        %dma_start3A = arith.constant 1 : i32
        %dma_start3A_49 = arith.constant 0 : i32
        %dma_start3A_50 = tpu.memref_slice %arg4[%scan3A_44, %dma_start3A_49] : memref<50x128xi32, #tpu.memory_space<vmem>> -> memref<1x128xi32, #tpu.memory_space<vmem>>
        %dma_start3A_51 = tpu.memref_squeeze %dma_start3A_50 : memref<1x128xi32, #tpu.memory_space<vmem>> -> memref<128xi32, #tpu.memory_space<vmem>>
        %dma_start3A_52 = tpu.memref_slice %arg2[%dma_start3A, %mul3A_48] : memref<2x160000xi32, #tpu.memory_space<hbm>> -> memref<1x128xi32, #tpu.memory_space<hbm>>
        %dma_start3A_53 = tpu.memref_squeeze %dma_start3A_52 : memref<1x128xi32, #tpu.memory_space<hbm>> -> memref<128xi32, #tpu.memory_space<hbm>>
        %dma_start3A_54 = arith.constant 0 : i32
        %dma_start3A_55 = tpu.memref_slice %arg4[%scan3A_44, %dma_start3A_54] : memref<50x128xi32, #tpu.memory_space<vmem>> -> memref<1x128xi32, #tpu.memory_space<vmem>>
        %dma_start3A_56 = tpu.memref_squeeze %dma_start3A_55 : memref<1x128xi32, #tpu.memory_space<vmem>> -> memref<128xi32, #tpu.memory_space<vmem>>
        %dma_start3A_57 = tpu.memref_slice %arg2[%dma_start3A, %mul3A_48] : memref<2x160000xi32, #tpu.memory_space<hbm>> -> memref<1x128xi32, #tpu.memory_space<hbm>>
        %dma_start3A_58 = tpu.memref_squeeze %dma_start3A_57 : memref<1x128xi32, #tpu.memory_space<hbm>> -> memref<128xi32, #tpu.memory_space<hbm>>
        tpu.enqueue_dma source(%dma_start3A_58 : memref<128xi32, #tpu.memory_space<hbm>>) target(%dma_start3A_56 : memref<128xi32, #tpu.memory_space<vmem>>) target_semaphore(%arg8 : memref<!tpu.dma_semaphore, #tpu.memory_space<semaphore_mem>>)
        %scan3A_59 = arith.constant 0 : i32
        scf.yield %scan3A_59 : i32
      }
      %scan3A_36 = arith.constant 50 : i32
      %scan3A_37 = arith.constant 0 : i32
      %scan3A_38 = arith.constant 0 : i32
      %scan3A_39 = arith.constant 50 : i32
      %scan3A_40 = arith.addi %scan3A_38, %scan3A_39 : i32
      %scan3A_41 = arith.constant 1 : i32
      %scan3A_42 = scf.for %scan3A_44 = %scan3A_38 to %scan3A_40 step %scan3A_41 iter_args(%scan3A_45 = %scan3A_37) -> (i32)  : i32 {
        %add3A_46 = arith.addi %mul3A_2, %scan3A_44 : i32
        %mul3A_47 = arith.constant 128 : i32
        %mul3A_48 = arith.muli %add3A_46, %mul3A_47 : i32
        %dma_wait3A = arith.constant 1 : i32
        %dma_wait3A_49 = arith.constant 0 : i32
        %dma_wait3A_50 = tpu.memref_slice %arg4[%scan3A_44, %dma_wait3A_49] : memref<50x128xi32, #tpu.memory_space<vmem>> -> memref<1x128xi32, #tpu.memory_space<vmem>>
        %dma_wait3A_51 = tpu.memref_squeeze %dma_wait3A_50 : memref<1x128xi32, #tpu.memory_space<vmem>> -> memref<128xi32, #tpu.memory_space<vmem>>
        %dma_wait3A_52 = tpu.memref_slice %arg2[%dma_wait3A, %mul3A_48] : memref<2x160000xi32, #tpu.memory_space<hbm>> -> memref<1x128xi32, #tpu.memory_space<hbm>>
        %dma_wait3A_53 = tpu.memref_squeeze %dma_wait3A_52 : memref<1x128xi32, #tpu.memory_space<hbm>> -> memref<128xi32, #tpu.memory_space<hbm>>
        %dma_wait3A_54 = arith.constant 0 : i32
        %dma_wait3A_55 = tpu.memref_slice %arg4[%scan3A_44, %dma_wait3A_54] : memref<50x128xi32, #tpu.memory_space<vmem>> -> memref<1x128xi32, #tpu.memory_space<vmem>>
        %dma_wait3A_56 = tpu.memref_squeeze %dma_wait3A_55 : memref<1x128xi32, #tpu.memory_space<vmem>> -> memref<128xi32, #tpu.memory_space<vmem>>
        %dma_wait3A_57 = tpu.memref_slice %arg2[%dma_wait3A, %mul3A_48] : memref<2x160000xi32, #tpu.memory_space<hbm>> -> memref<1x128xi32, #tpu.memory_space<hbm>>
        %dma_wait3A_58 = tpu.memref_squeeze %dma_wait3A_57 : memref<1x128xi32, #tpu.memory_space<hbm>> -> memref<128xi32, #tpu.memory_space<hbm>>
        tpu.wait_dma2 semaphore(%arg8 : memref<!tpu.dma_semaphore, #tpu.memory_space<semaphore_mem>>) src(%dma_wait3A_58 : memref<128xi32, #tpu.memory_space<hbm>>) dst(%dma_wait3A_56 : memref<128xi32, #tpu.memory_space<vmem>>)
        %scan3A_59 = arith.constant 0 : i32
        scf.yield %scan3A_59 : i32
      }
      %scan3A_43 = arith.constant 50 : i32
    } else {
    }
    %barrier3A = arith.constant 0 : index
    tpu.barrier barrier_id(%barrier3A)
    %lt3A_20 = arith.constant 25 : i32
    %lt3A_21 = arith.cmpi slt, %add3A, %lt3A_20 : i32
    %convert_element_type3A_22 = arith.extui %lt3A_21 : i1 to i32
    %cond3A_23 = arith.constant 0 : i32
    %cond3A_24 = arith.cmpi ne, %convert_element_type3A_22, %cond3A_23 : i32
    scf.if %cond3A_24 {
      %scan3A_30 = arith.constant 0 : i32
      %scan3A_31 = arith.constant 0 : i32
      %scan3A_32 = arith.constant 50 : i32
      %scan3A_33 = arith.addi %scan3A_31, %scan3A_32 : i32
      %scan3A_34 = arith.constant 1 : i32
      %scan3A_35 = scf.for %scan3A_37 = %scan3A_31 to %scan3A_33 step %scan3A_34 iter_args(%scan3A_38 = %scan3A_30) -> (i32)  : i32 {
        "tpu.region"() ({
          %run_scoped3A = tpu.sem_alloc : memref<!tpu.dma_semaphore, #tpu.memory_space<semaphore_mem>>
          %dma_start3A = arith.constant 0 : i32
          %dma_start3A_40 = tpu.memref_slice %arg4[%scan3A_37, %dma_start3A] : memref<50x128xi32, #tpu.memory_space<vmem>> -> memref<1x128xi32, #tpu.memory_space<vmem>>
          %dma_start3A_41 = tpu.memref_squeeze %dma_start3A_40 : memref<1x128xi32, #tpu.memory_space<vmem>> -> memref<128xi32, #tpu.memory_space<vmem>>
          %dma_start3A_42 = arith.constant 0 : i32
          %dma_start3A_43 = tpu.memref_slice %arg7[%dma_start3A_42] : memref<10240xf32, #tpu.memory_space<vmem_shared>> -> memref<10240xf32, #tpu.memory_space<vmem_shared>>
          tpu.enqueue_indirect_dma source(%arg5 : memref<128xf32, #tpu.memory_space<vmem>>) target(%dma_start3A_43 : memref<10240xf32, #tpu.memory_space<vmem_shared>>) offsets(%dma_start3A_41 : memref<128xi32, #tpu.memory_space<vmem>>) semaphore(%run_scoped3A : memref<!tpu.dma_semaphore, #tpu.memory_space<semaphore_mem>>) {add = true}
          %dma_wait3A = arith.constant 0 : i32
          %dma_wait3A_44 = tpu.memref_slice %arg4[%scan3A_37, %dma_wait3A] : memref<50x128xi32, #tpu.memory_space<vmem>> -> memref<1x128xi32, #tpu.memory_space<vmem>>
          %dma_wait3A_45 = tpu.memref_squeeze %dma_wait3A_44 : memref<1x128xi32, #tpu.memory_space<vmem>> -> memref<128xi32, #tpu.memory_space<vmem>>
          %dma_wait3A_46 = arith.constant 0 : i32
          %dma_wait3A_47 = tpu.memref_slice %arg7[%dma_wait3A_46] : memref<10240xf32, #tpu.memory_space<vmem_shared>> -> memref<10240xf32, #tpu.memory_space<vmem_shared>>
          tpu.wait_indirect_dma semaphore(%run_scoped3A : memref<!tpu.dma_semaphore, #tpu.memory_space<semaphore_mem>>) src(%arg5 : memref<128xf32, #tpu.memory_space<vmem>>) dst(%dma_wait3A_47 : memref<10240xf32, #tpu.memory_space<vmem_shared>>)
          tpu.yield
        }) : () -> ()
        %scan3A_39 = arith.constant 0 : i32
        scf.yield %scan3A_39 : i32
      }
      %scan3A_36 = arith.constant 50 : i32
    } else {
    }
    %barrier3A_25 = arith.constant 0 : index
    tpu.barrier barrier_id(%barrier3A_25)
    %mul3A_26 = arith.constant 640 : i32
    %mul3A_27 = arith.muli %arg1, %mul3A_26 : i32
    %mul3A_28 = arith.constant 640 : i32
    %mul3A_29 = arith.muli %arg1, %mul3A_28 : i32
    "tpu.region"() ({
      %run_scoped3A = tpu.sem_alloc : memref<!tpu.dma_semaphore, #tpu.memory_space<semaphore_mem>>
      %dma_start3A = tpu.memref_slice %arg3[%arg0, %mul3A_29] : memref<2x10240xf32, #tpu.memory_space<hbm>> -> memref<1x640xf32, #tpu.memory_space<hbm>>
      %dma_start3A_30 = tpu.memref_squeeze %dma_start3A : memref<1x640xf32, #tpu.memory_space<hbm>> -> memref<640xf32, #tpu.memory_space<hbm>>
      %dma_start3A_31 = tpu.memref_slice %arg7[%mul3A_27] : memref<10240xf32, #tpu.memory_space<vmem_shared>> -> memref<640xf32, #tpu.memory_space<vmem_shared>>
      tpu.enqueue_dma source(%dma_start3A_31 : memref<640xf32, #tpu.memory_space<vmem_shared>>) target(%dma_start3A_30 : memref<640xf32, #tpu.memory_space<hbm>>) target_semaphore(%run_scoped3A : memref<!tpu.dma_semaphore, #tpu.memory_space<semaphore_mem>>)
      %dma_wait3A = tpu.memref_slice %arg3[%arg0, %mul3A_29] : memref<2x10240xf32, #tpu.memory_space<hbm>> -> memref<1x640xf32, #tpu.memory_space<hbm>>
      %dma_wait3A_32 = tpu.memref_squeeze %dma_wait3A : memref<1x640xf32, #tpu.memory_space<hbm>> -> memref<640xf32, #tpu.memory_space<hbm>>
      %dma_wait3A_33 = tpu.memref_slice %arg7[%mul3A_27] : memref<10240xf32, #tpu.memory_space<vmem_shared>> -> memref<640xf32, #tpu.memory_space<vmem_shared>>
      tpu.wait_dma2 semaphore(%run_scoped3A : memref<!tpu.dma_semaphore, #tpu.memory_space<semaphore_mem>>) src(%dma_wait3A_33 : memref<640xf32, #tpu.memory_space<vmem_shared>>) dst(%dma_wait3A_32 : memref<640xf32, #tpu.memory_space<hbm>>)
      tpu.yield
    }) : () -> ()
    return
  }
}

module attributes {stable_mosaic.version = 14 : i64} {
  func.func @_tcx_body(%arg0: i32, %arg1: memref<2000x256xf32, #tpu.memory_space<vmem>>, %arg2: memref<2000x128xbf16, #tpu.memory_space<vmem>>, %arg3: memref<2x2000x128xf32, #tpu.memory_space<vmem>>) attributes {dimension_semantics = [#tpu.dimension_semantics<arbitrary>], iteration_bounds = array<i64: 5>, scalar_prefetch = 0 : i64, scratch_operands = 0 : i64, tpu.core_type = #tpu.core_type<tc>, window_params = [{transform_indices = @transform_0, window_bounds = array<i64: 2000, 256>}, {transform_indices = @transform_1, window_bounds = array<i64: 2000, 128>}, {transform_indices = @transform_2, window_bounds = array<i64: 2, 2000, 128>}]} {
    %get3A = arith.constant 0 : index
    %get3A_0 = arith.constant 0 : index
    %get3A_1 = vector.load %arg2[%get3A, %get3A_0] : memref<2000x128xbf16, #tpu.memory_space<vmem>>, vector<2000x128xbf16>
    %convert_element_type3A = arith.extf %get3A_1 : vector<2000x128xbf16> to vector<2000x128xf32>
    %add3A = arith.constant 1.000000e+00 : f32
    %add3A_2 = vector.broadcast %add3A : f32 to vector<2000x128xf32>
    %add3A_3 = arith.addf %convert_element_type3A, %add3A_2 : vector<2000x128xf32>
    %rsqrt3A = math.rsqrt %add3A_3 : vector<2000x128xf32>
    %get3A_4 = arith.constant 0 : index
    %get3A_5 = arith.constant 0 : index
    %get3A_6 = vector.load %arg1[%get3A_4, %get3A_5] : memref<2000x256xf32, #tpu.memory_space<vmem>>, vector<2000x256xf32>
    %slice3A = vector.extract_strided_slice %get3A_6 {offsets = [0, 0], sizes = [2000, 128], strides = [1, 1]} : vector<2000x256xf32> to vector<2000x128xf32>
    %mul3A = arith.mulf %slice3A, %rsqrt3A : vector<2000x128xf32>
    %swap3A = arith.constant 0 : index
    %swap3A_7 = arith.constant 0 : index
    %swap3A_8 = arith.constant 0 : index
    %swap3A_9 = vector.load %arg3[%swap3A, %swap3A_7, %swap3A_8] : memref<2x2000x128xf32, #tpu.memory_space<vmem>>, vector<1x2000x128xf32>
    %swap3A_10 = vector.shape_cast %swap3A_9 : vector<1x2000x128xf32> to vector<2000x128xf32>
    %swap3A_11 = vector.shape_cast %mul3A : vector<2000x128xf32> to vector<1x2000x128xf32>
    tpu.vector_store %arg3[%swap3A, %swap3A_7, %swap3A_8], %swap3A_11 {strides = array<i32>} : memref<2x2000x128xf32, #tpu.memory_space<vmem>>, vector<1x2000x128xf32>,
    %slice3A_12 = vector.extract_strided_slice %get3A_6 {offsets = [0, 128], sizes = [2000, 128], strides = [1, 1]} : vector<2000x256xf32> to vector<2000x128xf32>
    %mul3A_13 = arith.mulf %slice3A_12, %rsqrt3A : vector<2000x128xf32>
    %swap3A_14 = arith.constant 1 : index
    %swap3A_15 = arith.constant 0 : index
    %swap3A_16 = arith.constant 0 : index
    %swap3A_17 = vector.load %arg3[%swap3A_14, %swap3A_15, %swap3A_16] : memref<2x2000x128xf32, #tpu.memory_space<vmem>>, vector<1x2000x128xf32>
    %swap3A_18 = vector.shape_cast %swap3A_17 : vector<1x2000x128xf32> to vector<2000x128xf32>
    %swap3A_19 = vector.shape_cast %mul3A_13 : vector<2000x128xf32> to vector<1x2000x128xf32>
    tpu.vector_store %arg3[%swap3A_14, %swap3A_15, %swap3A_16], %swap3A_19 {strides = array<i32>} : memref<2x2000x128xf32, #tpu.memory_space<vmem>>, vector<1x2000x128xf32>,
    return
  }
  func.func @transform_0(%arg0: i32) -> (i32, i32) {
    %c0_i32 = arith.constant 0 : i32
    %c0_i32_0 = arith.constant 0 : i32
    return %arg0, %c0_i32 : i32, i32
  }
  func.func @transform_1(%arg0: i32) -> (i32, i32) {
    %c0_i32 = arith.constant 0 : i32
    %c0_i32_0 = arith.constant 0 : i32
    return %arg0, %c0_i32 : i32, i32
  }
  func.func @transform_2(%arg0: i32) -> (i32, i32, i32) {
    %c0_i32 = arith.constant 0 : i32
    %c0_i32_0 = arith.constant 0 : i32
    %c0_i32_1 = arith.constant 0 : i32
    return %c0_i32, %arg0, %c0_i32_0 : i32, i32, i32
  }
}

module attributes {stable_mosaic.version = 14 : i64} {
  func.func @_tcmid_body(%arg0: i32, %arg1: memref<2x2000x128xf32, #tpu.memory_space<vmem>>, %arg2: memref<2000x128xbf16, #tpu.memory_space<vmem>>, %arg3: memref<512xf32, #tpu.memory_space<vmem>>, %arg4: memref<2x128x512xbf16, #tpu.memory_space<vmem>>, %arg5: memref<512x128xbf16, #tpu.memory_space<vmem>>, %arg6: memref<2000x128xf32, #tpu.memory_space<vmem>>) attributes {dimension_semantics = [#tpu.dimension_semantics<arbitrary>], iteration_bounds = array<i64: 5>, scalar_prefetch = 0 : i64, scratch_operands = 0 : i64, tpu.core_type = #tpu.core_type<tc>, window_params = [{transform_indices = @transform_0, window_bounds = array<i64: 2, 2000, 128>}, {transform_indices = @transform_1, window_bounds = array<i64: 2000, 128>}, {pipeline_mode = #tpu.pipeline_mode<synchronous>, transform_indices = @transform_2, window_bounds = array<i64: 512>}, {pipeline_mode = #tpu.pipeline_mode<synchronous>, transform_indices = @transform_3, window_bounds = array<i64: 2, 128, 512>}, {pipeline_mode = #tpu.pipeline_mode<synchronous>, transform_indices = @transform_4, window_bounds = array<i64: 512, 128>}, {transform_indices = @transform_5, window_bounds = array<i64: 2000, 128>}]} {
    %get3A = arith.constant 0 : index
    %get3A_0 = arith.constant 0 : index
    %get3A_1 = vector.load %arg2[%get3A, %get3A_0] : memref<2000x128xbf16, #tpu.memory_space<vmem>>, vector<2000x128xbf16>
    %convert_element_type3A = arith.extf %get3A_1 : vector<2000x128xbf16> to vector<2000x128xf32>
    %add3A = arith.constant 1.000000e+00 : f32
    %add3A_2 = vector.broadcast %add3A : f32 to vector<2000x128xf32>
    %add3A_3 = arith.addf %convert_element_type3A, %add3A_2 : vector<2000x128xf32>
    %rsqrt3A = math.rsqrt %add3A_3 : vector<2000x128xf32>
    %get3A_4 = arith.constant 0 : index
    %get3A_5 = arith.constant 0 : index
    %get3A_6 = arith.constant 0 : index
    %get3A_7 = vector.load %arg1[%get3A_4, %get3A_5, %get3A_6] : memref<2x2000x128xf32, #tpu.memory_space<vmem>>, vector<1x2000x128xf32>
    %get3A_8 = vector.shape_cast %get3A_7 : vector<1x2000x128xf32> to vector<2000x128xf32>
    %convert_element_type3A_9 = arith.truncf %get3A_8 : vector<2000x128xf32> to vector<2000x128xbf16>
    %get3A_10 = arith.constant 0 : index
    %get3A_11 = arith.constant 0 : index
    %get3A_12 = arith.constant 0 : index
    %get3A_13 = vector.load %arg4[%get3A_10, %get3A_11, %get3A_12] : memref<2x128x512xbf16, #tpu.memory_space<vmem>>, vector<1x128x512xbf16>
    %get3A_14 = vector.shape_cast %get3A_13 : vector<1x128x512xbf16> to vector<128x512xbf16>
    %dot_general3A = arith.constant dense<0.000000e+00> : vector<2000x512xf32>
    %dot_general3A_15 = tpu.matmul %convert_element_type3A_9, %get3A_14, %dot_general3A {dimension_numbers = #tpu.dot_dimension_numbers<[1], [0], [0], [1], [0, 0, 1, 1], [], []>, transpose_lhs_hint = false} : vector<2000x128xbf16>, vector<128x512xbf16>, vector<2000x512xf32> -> vector<2000x512xf32>
    %get3A_16 = arith.constant 1 : index
    %get3A_17 = arith.constant 0 : index
    %get3A_18 = arith.constant 0 : index
    %get3A_19 = vector.load %arg1[%get3A_16, %get3A_17, %get3A_18] : memref<2x2000x128xf32, #tpu.memory_space<vmem>>, vector<1x2000x128xf32>
    %get3A_20 = vector.shape_cast %get3A_19 : vector<1x2000x128xf32> to vector<2000x128xf32>
    %convert_element_type3A_21 = arith.truncf %get3A_20 : vector<2000x128xf32> to vector<2000x128xbf16>
    %get3A_22 = arith.constant 1 : index
    %get3A_23 = arith.constant 0 : index
    %get3A_24 = arith.constant 0 : index
    %get3A_25 = vector.load %arg4[%get3A_22, %get3A_23, %get3A_24] : memref<2x128x512xbf16, #tpu.memory_space<vmem>>, vector<1x128x512xbf16>
    %get3A_26 = vector.shape_cast %get3A_25 : vector<1x128x512xbf16> to vector<128x512xbf16>
    %dot_general3A_27 = arith.constant dense<0.000000e+00> : vector<2000x512xf32>
    %dot_general3A_28 = tpu.matmul %convert_element_type3A_21, %get3A_26, %dot_general3A_27 {dimension_numbers = #tpu.dot_dimension_numbers<[1], [0], [0], [1], [0, 0, 1, 1], [], []>, transpose_lhs_hint = false} : vector<2000x128xbf16>, vector<128x512xbf16>, vector<2000x512xf32> -> vector<2000x512xf32>
    %add3A_29 = arith.addf %dot_general3A_15, %dot_general3A_28 : vector<2000x512xf32>
    %slice3A = vector.extract_strided_slice %rsqrt3A {offsets = [0, 0], sizes = [2000, 1], strides = [1, 1]} : vector<2000x128xf32> to vector<2000x1xf32>
    %mul3A = vector.broadcast %slice3A : vector<2000x1xf32> to vector<2000x512xf32>
    %mul3A_30 = arith.mulf %add3A_29, %mul3A : vector<2000x512xf32>
    %get3A_31 = arith.constant 0 : index
    %get3A_32 = vector.load %arg3[%get3A_31] : memref<512xf32, #tpu.memory_space<vmem>>, vector<512xf32>
    %broadcast_in_dim3A = vector.shape_cast %get3A_32 : vector<512xf32> to vector<1x512xf32>
    %add3A_33 = vector.broadcast %broadcast_in_dim3A : vector<1x512xf32> to vector<2000x512xf32>
    %add3A_34 = arith.addf %mul3A_30, %add3A_33 : vector<2000x512xf32>
    %max3A = arith.constant 0.000000e+00 : f32
    %max3A_35 = vector.broadcast %max3A : f32 to vector<2000x512xf32>
    %max3A_36 = arith.maximumf %add3A_34, %max3A_35 : vector<2000x512xf32>
    %convert_element_type3A_37 = arith.truncf %max3A_36 : vector<2000x512xf32> to vector<2000x512xbf16>
    %get3A_38 = arith.constant 0 : index
    %get3A_39 = arith.constant 0 : index
    %get3A_40 = vector.load %arg5[%get3A_38, %get3A_39] : memref<512x128xbf16, #tpu.memory_space<vmem>>, vector<512x128xbf16>
    %dot_general3A_41 = arith.constant dense<0.000000e+00> : vector<2000x128xf32>
    %dot_general3A_42 = tpu.matmul %convert_element_type3A_37, %get3A_40, %dot_general3A_41 {dimension_numbers = #tpu.dot_dimension_numbers<[1], [0], [0], [1], [0, 0, 1, 1], [], []>, transpose_lhs_hint = false} : vector<2000x512xbf16>, vector<512x128xbf16>, vector<2000x128xf32> -> vector<2000x128xf32>
    %mul3A_43 = arith.mulf %dot_general3A_42, %rsqrt3A : vector<2000x128xf32>
    %swap3A = arith.constant 0 : index
    %swap3A_44 = arith.constant 0 : index
    %swap3A_45 = vector.load %arg6[%swap3A, %swap3A_44] : memref<2000x128xf32, #tpu.memory_space<vmem>>, vector<2000x128xf32>
    tpu.vector_store %arg6[%swap3A, %swap3A_44], %mul3A_43 {strides = array<i32>} : memref<2000x128xf32, #tpu.memory_space<vmem>>, vector<2000x128xf32>,
    return
  }
  func.func @transform_0(%arg0: i32) -> (i32, i32, i32) {
    %c0_i32 = arith.constant 0 : i32
    %c0_i32_0 = arith.constant 0 : i32
    %c0_i32_1 = arith.constant 0 : i32
    return %c0_i32, %arg0, %c0_i32_0 : i32, i32, i32
  }
  func.func @transform_1(%arg0: i32) -> (i32, i32) {
    %c0_i32 = arith.constant 0 : i32
    %c0_i32_0 = arith.constant 0 : i32
    return %arg0, %c0_i32 : i32, i32
  }
  func.func @transform_2(%arg0: i32) -> i32 {
    %c0_i32 = arith.constant 0 : i32
    %c0_i32_0 = arith.constant 0 : i32
    return %c0_i32 : i32
  }
  func.func @transform_3(%arg0: i32) -> (i32, i32, i32) {
    %c0_i32 = arith.constant 0 : i32
    %c0_i32_0 = arith.constant 0 : i32
    %c0_i32_1 = arith.constant 0 : i32
    %c0_i32_2 = arith.constant 0 : i32
    return %c0_i32, %c0_i32_0, %c0_i32_1 : i32, i32, i32
  }
  func.func @transform_4(%arg0: i32) -> (i32, i32) {
    %c0_i32 = arith.constant 0 : i32
    %c0_i32_0 = arith.constant 0 : i32
    %c0_i32_1 = arith.constant 0 : i32
    return %c0_i32, %c0_i32_0 : i32, i32
  }
  func.func @transform_5(%arg0: i32) -> (i32, i32) {
    %c0_i32 = arith.constant 0 : i32
    %c0_i32_0 = arith.constant 0 : i32
    return %arg0, %c0_i32 : i32, i32
  }
}

module attributes {stable_mosaic.version = 14 : i64} {
  func.func @_tc3_body(%arg0: i32, %arg1: memref<2x2000x128xf32, #tpu.memory_space<vmem>>, %arg2: memref<2000x128xbf16, #tpu.memory_space<vmem>>, %arg3: memref<128xf32, #tpu.memory_space<vmem>>, %arg4: memref<2000x128xf32, #tpu.memory_space<vmem>>) attributes {dimension_semantics = [#tpu.dimension_semantics<arbitrary>], iteration_bounds = array<i64: 5>, scalar_prefetch = 0 : i64, scratch_operands = 0 : i64, tpu.core_type = #tpu.core_type<tc>, window_params = [{transform_indices = @transform_0, window_bounds = array<i64: 2, 2000, 128>}, {transform_indices = @transform_1, window_bounds = array<i64: 2000, 128>}, {pipeline_mode = #tpu.pipeline_mode<synchronous>, transform_indices = @transform_2, window_bounds = array<i64: 128>}, {transform_indices = @transform_3, window_bounds = array<i64: 2000, 128>}]} {
    %get3A = arith.constant 0 : index
    %get3A_0 = arith.constant 0 : index
    %get3A_1 = vector.load %arg2[%get3A, %get3A_0] : memref<2000x128xbf16, #tpu.memory_space<vmem>>, vector<2000x128xbf16>
    %convert_element_type3A = arith.extf %get3A_1 : vector<2000x128xbf16> to vector<2000x128xf32>
    %add3A = arith.constant 1.000000e+00 : f32
    %add3A_2 = vector.broadcast %add3A : f32 to vector<2000x128xf32>
    %add3A_3 = arith.addf %convert_element_type3A, %add3A_2 : vector<2000x128xf32>
    %rsqrt3A = math.rsqrt %add3A_3 : vector<2000x128xf32>
    %get3A_4 = arith.constant 0 : index
    %get3A_5 = arith.constant 0 : index
    %get3A_6 = arith.constant 0 : index
    %get3A_7 = vector.load %arg1[%get3A_4, %get3A_5, %get3A_6] : memref<2x2000x128xf32, #tpu.memory_space<vmem>>, vector<1x2000x128xf32>
    %get3A_8 = vector.shape_cast %get3A_7 : vector<1x2000x128xf32> to vector<2000x128xf32>
    %get3A_9 = arith.constant 1 : index
    %get3A_10 = arith.constant 0 : index
    %get3A_11 = arith.constant 0 : index
    %get3A_12 = vector.load %arg1[%get3A_9, %get3A_10, %get3A_11] : memref<2x2000x128xf32, #tpu.memory_space<vmem>>, vector<1x2000x128xf32>
    %get3A_13 = vector.shape_cast %get3A_12 : vector<1x2000x128xf32> to vector<2000x128xf32>
    %add3A_14 = arith.addf %get3A_8, %get3A_13 : vector<2000x128xf32>
    %mul3A = arith.mulf %add3A_14, %rsqrt3A : vector<2000x128xf32>
    %get3A_15 = arith.constant 0 : index
    %get3A_16 = vector.load %arg3[%get3A_15] : memref<128xf32, #tpu.memory_space<vmem>>, vector<128xf32>
    %broadcast_in_dim3A = vector.shape_cast %get3A_16 : vector<128xf32> to vector<1x128xf32>
    %add3A_17 = vector.broadcast %broadcast_in_dim3A : vector<1x128xf32> to vector<2000x128xf32>
    %add3A_18 = arith.addf %mul3A, %add3A_17 : vector<2000x128xf32>
    %reduce_max3A = arith.constant dense<0xFF800000> : vector<2000xf32>
    %reduce_max3A_19 = vector.multi_reduction <maximumf>, %add3A_18, %reduce_max3A [1] : vector<2000x128xf32> to vector<2000xf32>
    %broadcast_in_dim3A_20 = vector.shape_cast %reduce_max3A_19 : vector<2000xf32> to vector<2000x1xf32>
    %sub3A = vector.broadcast %broadcast_in_dim3A_20 : vector<2000x1xf32> to vector<2000x128xf32>
    %sub3A_21 = arith.subf %add3A_18, %sub3A : vector<2000x128xf32>
    %exp3A = math.exp %sub3A_21 : vector<2000x128xf32>
    %reduce_sum3A = arith.constant dense<0.000000e+00> : vector<2000xf32>
    %reduce_sum3A_22 = vector.multi_reduction <add>, %exp3A, %reduce_sum3A [1] : vector<2000x128xf32> to vector<2000xf32>
    %broadcast_in_dim3A_23 = vector.shape_cast %reduce_sum3A_22 : vector<2000xf32> to vector<2000x1xf32>
    %log3A = math.log %broadcast_in_dim3A_23 : vector<2000x1xf32>
    %sub3A_24 = vector.broadcast %log3A : vector<2000x1xf32> to vector<2000x128xf32>
    %sub3A_25 = arith.subf %sub3A_21, %sub3A_24 : vector<2000x128xf32>
    %swap3A = arith.constant 0 : index
    %swap3A_26 = arith.constant 0 : index
    %swap3A_27 = vector.load %arg4[%swap3A, %swap3A_26] : memref<2000x128xf32, #tpu.memory_space<vmem>>, vector<2000x128xf32>
    tpu.vector_store %arg4[%swap3A, %swap3A_26], %sub3A_25 {strides = array<i32>} : memref<2000x128xf32, #tpu.memory_space<vmem>>, vector<2000x128xf32>,
    return
  }
  func.func @transform_0(%arg0: i32) -> (i32, i32, i32) {
    %c0_i32 = arith.constant 0 : i32
    %c0_i32_0 = arith.constant 0 : i32
    %c0_i32_1 = arith.constant 0 : i32
    return %c0_i32, %arg0, %c0_i32_0 : i32, i32, i32
  }
  func.func @transform_1(%arg0: i32) -> (i32, i32) {
    %c0_i32 = arith.constant 0 : i32
    %c0_i32_0 = arith.constant 0 : i32
    return %arg0, %c0_i32 : i32, i32
  }
  func.func @transform_2(%arg0: i32) -> i32 {
    %c0_i32 = arith.constant 0 : i32
    %c0_i32_0 = arith.constant 0 : i32
    return %c0_i32 : i32
  }
  func.func @transform_3(%arg0: i32) -> (i32, i32) {
    %c0_i32 = arith.constant 0 : i32
    %c0_i32_0 = arith.constant 0 : i32
    return %arg0, %c0_i32 : i32, i32
  }
}

</mosaic_0001>

<sc_bundles>
// kernel: kernel.11.cloned.1.call-start
scs
__scs_entry_jumppad:
0x0: {  	(pc) =	sbr.rel $0x88, $3  }
0x1: {  	(tag) =	ssettag $0x0;
	lr =	simm.s32 $0x1  }
0x2: {  	[smem:$0x3F9B] =	sst lr;
	_ =	strace $0xD0000000  }
0x3: {  	_ = 	snop  }
0x4: {  	_ = 	snop  }
0x5: {  	_ = 	snop  }
0x6: {  	_ = 	snop  }
0x7: {  	_ = 	snop  }
__scs_overlays_trampoline_lowered:
0x8: {  	[smem:$0x3FAA] =	sst s0  }
0x9: {  	[smem:$0x3FAB] =	sst s1  }
0xa: {  	[smem:$0x3FAC] =	sst s2  }
0xb: {  	[smem:$0x3FAD] =	sst s3  }
0xc: {  	[smem:$0x3FAE] =	sst s4  }
0xd: {  	[smem:$0x3FAF] =	sst s5  }
0xe: {  	[smem:$0x3FB0] =	sst s6  }
0xf: {  	[smem:$0x3FB1] =	sst s7  }
0x10: {  	[smem:$0x3FB2] =	sst s8  }
0x11: {  	[smem:$0x3FB3] =	sst s9;
	s0 =	simm.s32 @!p0 $0x0  }
0x12: {  	s1 =	sld [smem:$0x3F99];
	s0 =	simm.s32 @p0 $0x1  }
0x13: {  	[smem:$0x3FB4] =	sst s0;
	s0 =	simm.s32 @!p1 $0x0  }
0x14: {  	s2 =	sld [smem:$0x3F98];
	s0 =	simm.s32 @p1 $0x1  }
0x15: {  	[smem:$0x3FB5] =	sst s0;
	s0 =	simm.s32 @!p2 $0x0  }
0x16: {  	s3 =	sld [smem:$0x3FDB];
	s0 =	simm.s32 @p2 $0x1  }
0x17: {  	s4 =	simm.s32 $0x1BF5;
	[smem:$0x3FB7] =	sst s0  }
0x18: {  	s0 =	sld [smem:$0x3F9A];
	_ =	swait.ge [sflag:s4], $0x0  }
0x19: {  	s7 =	sld [smem:$0x3F9B]  }
0x1a: {  	s8 =	sadd.s32 $0xFFFFE003, lr  }
0x1b: {  	s9 =	sadd.s32 $0xFFFFFEF7, lr;
	s5 =	simm.s32 $0xFFFFFFFF;
	p2 =	slt.u32 s8, $0xFFFFF086  }
0x1c: {  	p1 =	slt.u32 s9, $0xF7A;
	s5 =	simm.s32 @!p2 $0x0  }
0x1d: {  	s5 =	simm.s32 @p1 $0x1;
	p0 =	seq.s32 s7, s2  }
0x1e: {  	s7 =	smul.u32 @!p0 $0xF7A, s2;
	p2 =	seq.s32 @!p0 s5, $0x0  }
0x1f: {  	s9 =	smul.u32 $0xF7A, s1;
	s8 =	simm.s32 @!p0 $0x1BF5;
	p2 =	por !p2, p0  }
0x20: {  	[sflag:s8] =	ssyncset.s32 @!p0 $0xFFFFF086;
	s6 =	sadd.s32 @!p0 s3, s7;
	s7 =	simm.s32 @!p0 $0x108  }
0x21: {  	s3 =	sadd.s32 s3, s9;
	s6 =	sadd.s32 @!p0 $0x88, s6;
	s7 =	simm.s32 @p2 $0x1082  }
0x22: {  	[simem:s7], [sflag:s8] =	dma.local @!p0 [hbm:s6], $0xF7A  }
0x23: {  	s9 =	sor.u32 $0xD0000000, s2;
	s6 =	simm.s32 $0x108;
	_ =	swait.ge @!p0 [sflag:s8], $0x0  }
0x24: {  	s3 =	sadd.s32 $0x88, s3;
	s6 =	simm.s32 @!p1 $0x1082;
	[sflag:s4] =	ssyncset.s32 $0xFFFFF086  }
0x25: {  	[simem:s6], [sflag:s4] =	dma.local [hbm:s3], $0xF7A  }
0x26: {  	[smem:$0x3F9B] =	sst s1;
	(tag) =	ssettag s2;
	_ =	strace s9  }
0x27: {  	s1 =	sld [smem:$0x3FAB]  }
0x28: {  	s2 =	sld [smem:$0x3FAC]  }
0x29: {  	s4 =	sld [smem:$0x3FAE]  }
0x2a: {  	p0 =	seq.s32 s5, $0x0;
	s5 =	sld [smem:$0x3FAF]  }
0x2b: {  	s6 =	sld [smem:$0x3FB0]  }
0x2c: {  	s7 =	sld [smem:$0x3FB1]  }
0x2d: {  	s3 =	simm.s32 $0x108;
	s8 =	sld [smem:$0x3FB2]  }
0x2e: {  	s3 =	simm.s32 @!p0 $0x1082;
	s9 =	sld [smem:$0x3FB3]  }
0x2f: {  	lr =	sadd.s32 s0, s3;
	s0 =	sld [smem:$0x3FAA]  }
0x30: {  	s3 =	sld [smem:$0x3FAD]  }
0x31: {  	[smem:$0x3FB6] =	sst s10  }
0x32: {  	s10 =	sld [smem:$0x3FB4];
	_ =	sdelay $0x3  }
0x33: {  	p0 =	seq.s32 s10, $0x1;
	s10 =	sld [smem:$0x3FB6];
	_ =	sdelay $0x3  }
0x34: {  	[smem:$0x3FB6] =	sst s10  }
0x35: {  	s10 =	sld [smem:$0x3FB5];
	_ =	sdelay $0x3  }
0x36: {  	p1 =	seq.s32 s10, $0x1;
	s10 =	sld [smem:$0x3FB6];
	_ =	sdelay $0x3  }
0x37: {  	[smem:$0x3FB6] =	sst s10  }
0x38: {  	s10 =	sld [smem:$0x3FB7]  }
0x39: {  	_ = 	snop;
	(pc) =	sbr.ind lr, $3  }
0x3a: {  	_ = 	snop  }
0x3b: {  	_ = 	snop  }
0x3c: {  	p2 =	seq.s32 s10, $0x1;
	s10 =	sld [smem:$0x3FB6]  }
0x3d: {  	_ =	shalt  }
0x3e: {  	_ =	shalt  }
0x3f: {  	_ =	shalt  }
0x40: {  	_ =	shalt  }
0x41: {  	_ =	shalt  }
0x42: {  	_ =	shalt  }
0x43: {  	_ =	shalt  }
0x44: {  	_ =	shalt  }
0x45: {  	_ =	shalt  }
0x46: {  	_ =	shalt  }
0x47: {  	_ =	shalt  }
0x48: {  	_ =	shalt  }
0x49: {  	_ =	shalt  }
0x4a: {  	_ =	shalt  }
0x4b: {  	_ =	shalt  }
0x4c: {  	_ =	shalt  }
0x4d: {  	_ =	shalt  }
0x4e: {  	_ =	shalt  }
0x4f: {  	_ =	shalt  }
0x50: {  	_ =	shalt  }
0x51: {  	_ =	shalt  }
0x52: {  	_ =	shalt  }
0x53: {  	_ =	shalt  }
0x54: {  	_ =	shalt  }
0x55: {  	_ =	shalt  }
0x56: {  	_ =	shalt  }
0x57: {  	_ =	shalt  }
0x58: {  	_ =	shalt  }
0x59: {  	_ =	shalt  }
0x5a: {  	_ =	shalt  }
0x5b: {  	_ =	shalt  }
0x5c: {  	_ =	shalt  }
0x5d: {  	_ =	shalt  }
0x5e: {  	_ =	shalt  }
0x5f: {  	_ =	shalt  }
0x60: {  	_ =	shalt  }
0x61: {  	_ =	shalt  }
0x62: {  	_ =	shalt  }
0x63: {  	_ =	shalt  }
0x64: {  	_ =	shalt  }
0x65: {  	_ =	shalt  }
0x66: {  	_ =	shalt  }
0x67: {  	_ =	shalt  }
0x68: {  	_ =	shalt  }
0x69: {  	_ =	shalt  }
0x6a: {  	_ =	shalt  }
0x6b: {  	_ =	shalt  }
0x6c: {  	_ =	shalt  }
0x6d: {  	_ =	shalt  }
0x6e: {  	_ =	shalt  }
0x6f: {  	_ =	shalt  }
0x70: {  	_ =	shalt  }
0x71: {  	_ =	shalt  }
0x72: {  	_ =	shalt  }
0x73: {  	_ =	shalt  }
0x74: {  	_ =	shalt  }
0x75: {  	_ =	shalt  }
0x76: {  	_ =	shalt  }
0x77: {  	_ =	shalt  }
0x78: {  	_ =	shalt  }
0x79: {  	_ =	shalt  }
0x7a: {  	_ =	shalt  }
0x7b: {  	_ =	shalt  }
0x7c: {  	_ =	shalt  }
0x7d: {  	_ =	shalt  }
0x7e: {  	_ =	shalt  }
0x7f: {  	_ =	shalt  }
0x80: {  	_ =	shalt  }
0x81: {  	_ =	shalt  }
0x82: {  	_ =	shalt  }
0x83: {  	_ =	shalt  }
0x84: {  	_ =	shalt  }
0x85: {  	_ =	shalt  }
0x86: {  	_ =	shalt  }
0x87: {  	_ =	shalt  }
.Lfunc_end0:
.L_simem_size_0:
called_computation.1_lowered:
.L_overlay_start_0:
0x88: {  	s2 =	sld [smem:$0x3FD9]  }
0x89: {  	s3 =	sld [smem:$0x3FFE];
	_ =	sdelay $0x1  }
0x8a: {  	s1 =	srdreg.scid  }
0x8b: {  	s0 =	sand.u32 $0x1, s1  }
0x8c: {  	s17 =	sshll.u32 s0, $0xA;
	s2 =	sadd.s32 s3, s2  }
0x8d: {  	s2 =	sadd.s32 s2, s17  }
0x8e: {  	[smem:$0x3FC2] =	sst s2  }
0x8f: {  	_ = 	snop  }
0x90: {  	s2 =	sld [smem:$0x3FC8];
	(tm) =	ssettm $0x1  }
0x91: {  	s18 =	sld [smem:$0x3FFB];
	_ =	sdelay $0x3  }
0x92: {  	_ =	strace s18  }
0x93: {  	s3 =	sld [smem:$0x3FFC];
	_ =	sdelay $0x3  }
0x94: {  	_ =	strace s3  }
0x95: {  	s3 =	sld [smem:$0x3FFD];
	_ =	sdelay $0x3  }
0x96: {  	_ =	strace s3  }
0x97: {  	_ =	strace $0x8FFFFFFF  }
0x98: {  	s19 =	sld [smem:$0x3FDB];
	_ =	sdelay $0x1  }
0x99: {  	s4 =	simm.s32 $_scs_section_size  }
0x9a: {  	s5 =	simm.s32 $_size__tile_overlayer_lowered;
	s6 =	simm.s32 $_tile_overlayer_lowered  }
0x9b: {  	s22 =	simm.s32 $0x1BFF;
	s21 =	sshll.u32 s6, $0x1;
	s3 =	sadd.s32 s4, s19  }
0x9c: {  	s7 =	simm.s32 $0x0;
	s20 =	sshll.u32 s5, $0x1;
	s5 =	sadd.s32 s21, s3  }
0x9d: {  	[timem:s7], [sflag:s22] =	dma.local [hbm:s5], s20  }
0x9e: {  	_ =	swait.ge [sflag:s22], s20  }
0x9f: {  	s4 =	ssub.s32 $0x0, s20;
	[sflag:s22] =	ssyncset.done $0x0  }
0xa0: {  	[sflag:s22] =	ssyncadd.s32 s4;
	_ =	sdelay $0x1  }
0xa1: {  	s23 =	simm.s32 $0x1B8B  }
0xa2: {  	_ =	swait.ge [sflag:s23], $0x1  }
0xa3: {  	[sflag:s23] =	ssyncset.done $0x0  }
0xa4: {  	s25 =	simm.s32 $0x1B8E;
	s24 =	sld [smem:$0x3FFE];
	[sflag:s23] =	ssyncadd.s32 $0xFFFFFFFF  }
0xa5: {  	s26 =	simm.s32 $execute0_lowered;
	[smem:$0x3FD2] =	sst s25  }
0xa6: {  	s5 =	sshll.u32 s26, $0x1;
	_ =	strace $0x80000049;
	[dreg:$0x1] =	wrdreg $0xFFFFFFFF  }
0xa7: {  	s28 =	simm.s32 $_size_execute0_lowered;
	s3 =	sadd.s32 s3, s5;
	[dreg:$0x0] =	wrdreg $0x0  }
0xa8: {  	s5 =	sshll.u32 s28, $0x1;
	[dreg:$0x2] =	wrdreg s3  }
0xa9: {  	[dreg:$0x3] =	wrdreg s5  }
0xaa: {  	[dreg:$0x4] =	wrdreg $0xC0  }
0xab: {  	_ =	task [dreg:s7], $0x5FFFF  }
0xac: {  	[dreg:$0x1] =	wrdreg $0xFFFFFFFF  }
0xad: {  	[dreg:$0x0] =	wrdreg $0x60  }
0xae: {  	[dreg:$0x2] =	wrdreg s24  }
0xaf: {  	[dreg:$0x3] =	wrdreg s2  }
0xb0: {  	[dreg:$0x4] =	wrdreg $0x84000  }
0xb1: {  	[dreg:$0x5] =	wrdreg $0x9  }
0xb2: {  	_ =	task.clear_ibuf [dreg:s7], $0x6FFFF;
	_ =	strace $0x90000049  }
0xb3: {  	s29 =	simm.s32 $0x9;
	_ =	strace $0x8000004B  }
0xb4: {  	_ =	swait.ge [sflag:s29], $0x1  }
0xb5: {  	[sflag:s29] =	ssyncadd.s32 $0xFFFFFFFF  }
0xb6: {  	_ =	strace $0x9000004B  }
0xb7: {  	_ =	sfence  }
0xb8: {  	s30 =	sld [smem:$0x0];
	_ =	sdelay $0x2  }
0xb9: {  	s31 =	sshll.u32 s1, $0xD;
	s1 =	sshrl.u32 s1, $0x2  }
0xba: {  	s3 =	sand.u32 $0x4000, s31;
	s1 =	sadd.s32 s1, s30  }
0xbb: {  	s0 =	sor.u32 s3, s0;
	s1 =	sshll.u32 s1, $0x11  }
0xbc: {  	s0 =	sor.u32 s1, s0  }
0xbd: {  	s0 =	sadd.s32 $0x8F2B, s0  }
0xbe: {  	[sflag:s0] =	ssyncadd.remote.s32 $0x1  }
0xbf: {  	_ =	sfence.sel $0xFFFF  }
0xc0: {  	[dreg:$0x0] =	wrdreg $0xFFFFFFFF;
	(pc) =	sbr.abs _section_cstart, $3  }
0xc1: {  	[dreg:$0x1] =	wrdreg $0xFFFFFFFF  }
0xc2: {  	_ =	task.clear_ibuf [dreg:s7], $0x2FFFF;
	_ =	strace $0x9FFFFFFF  }
0xc3: {  	(tm) =	ssettm $0x7FFFFFFF  }
tec
execute0_lowered:
.L_overlay_start_1:
0x0: {  	(tag) =	ssettag $0x1  }
0x1: {  	s0 =	rddreg [dreg:$0x0]  }
0x2: {  	s2 =	rddreg [dreg:$0x1];
	s9 =	stileid.u32  }
0x3: {  	s1 =	rddreg [dreg:$0x2];
	s7 =	smul.u32 $0x14000, s9  }
0x4: {  	s3 =	srdreg.scid;
	s18 =	smul.u32 $0x280, s9  }
0x5: {  	s16 =	simm.s32 $0x100;
	s31 =	simm.s32 $0x180;
	s8 =	smul.u32 $0x50000, s9  }
0x6: {  	s28 =	simm.s32 $0x0;
	s5 =	sand.u32 $0x1, s3;
	s21 =	smul.u32 $0x4E, s9  }
0x7: {  	s3 =	simm.s32 $0x0;
	s4 =	sadd.s32 $0x1800, s0;
	s12 =	smul.u32 $0x9C0, s9  }
0x8: {  	s11 =	smin.u32 s9, $0x2;
	p0 =	slt.u32 s9, $0x2;
	s6 =	smul.u32 $0x140000, s5  }
0x9: {  	[smem:$0x7FF] =	sst s3;
	s25 =	smul.u32 $0x2800, s5;
	s5 =	ssub.s32 $0x2, s5  }
0xa: {  	s30 =	sshll.u32 s11, $0x5;
	_ =	strace $0x8000004A;
	s19 =	sshrl.u32 s5, $0x1  }
0xb: {  	s22 =	sshrl.u32 s8, $0x2;
	s23 =	sadd.s32 s11, s21;
	s21 =	simm.s32 $0x7  }
0xc: {  	[dreg:$0x5] =	wrdreg s31;
	s6 =	sadd.s32 s7, s6;
	s13 =	ssub.s32 s5, s19  }
0xd: {  	s20 =	sadd.s32 s18, s25;
	s15 =	sadd.s32 s22, s1;
	s24 =	sshll.u32 s23, $0x5  }
0xe: {  	s7 =	simm.s32 $0x4F;
	s18 =	simm.s32 $0x1;
	s19 =	simm.s32 $0x80  }
0xf: {  	s22 =	simm.s32 $0x2;
	s23 =	simm.s32 $0x4400;
	v0 =	vmov s25;
	s25 =	simm.s32 $0x8  }
0x10: {  	s6 =	sshrl.u32 s6, $0x3;
	s5 =	sshll.u32 s20, $0x4;
	s8 =	sadd.s32 s2, s24  }
0x11: {  	s7 =	simm.s32 @!p0 $0x4E;
	s2 =	sadd.s32 s12, s2;
	s13 =	smax.u32 s13, $0x1  }
0x12: {  	s15 =	sshrl.u32 s15, $0x3;
	s20 =	simm.s32 $0x400;
	s24 =	simm.s32 $0x5  }
0x13: {  	s0 =	sadd.s32 s6, s0;
	s5 =	sadd.s32 s4, s5;
	s6 =	sshll.u32 s9, $0x6  }
0x14: {  	s29 =	sadd.s32 $0x20, s8;
	s14 =	sadd.s32 $0xFFFFFFFE, s7;
	[dreg:$0x6] =	wrdreg s5  }
0x15: {  	s11 =	sadd.s32 $0x40, s8;
	s2 =	sadd.s32 s30, s2;
	[dreg:$0x8] =	wrdreg s29  }
0x16: {  	s26 =	sor.u32 $0x1C07, s6;
	[dreg:$0x4] =	wrdreg s14;
	s12 =	sadd.s32 $0x51800, s0  }
0x17: {  	s14 =	sadd.s32 $0x60, s2;
	[dreg:$0x7] =	wrdreg s26;
	s26 =	simm.s32 $0x6  }
.LBB2_1:
0x18: {  	s0 =	rddreg [dreg:$0x6]  }
0x19: {  	s2 =	rddreg [dreg:$0x7]  }
0x1a: {  	[spmem:s15], [sflag:s2] =	dma.local [hbm:s0], $0x2800  }
0x1b: {  	[tilespmem:s3], [sflag:$0x1] =	stream.linear.gather [hbm4b:s8+s3], $0x100, $0x38;
	[tilespmem:$0x1C400] =	vst v63  }
0x1c: {  	s0 =	rddreg [dreg:$0x8]  }
0x1d: {  	[tilespmem:s16], [sflag:$0x2] =	stream.linear.gather [hbm4b:s0+s3], $0x100, $0x38;
	[tilespmem:$0x1C400] =	vst v63  }
0x1e: {  	s31 =	simm.s32 $0x200  }
0x1f: {  	[tilespmem:s31], [sflag:$0x3] =	stream.linear.gather [hbm4b:s11+s3], $0x100, $0x38;
	[tilespmem:$0x1C400] =	vst v63  }
0x20: {  	_ =	swait.ge [sflag:s18], $0x100  }
0x21: {  	[sflag:s18] =	ssyncset.done $0x0  }
0x22: {  	[sflag:s18] =	ssyncadd.s32 $0xFFFFFF00  }
0x23: {  	v1 =	vld [tilespmem:$0x0]  }
0x24: {  	v2 =	vld [tilespmem:$0x10]  }
0x25: {  	v3 =	vld [tilespmem:$0x20]  }
0x26: {  	v4 =	vld [tilespmem:$0x30]  }
0x27: {  	v5 =	vld [tilespmem:$0x40]  }
0x28: {  	v6 =	vld [tilespmem:$0x50];
	v1 =	vadd.s32 v0, v1  }
0x29: {  	[tilespmem:$0x0] =	vst v1;
	v1 =	vadd.s32 v0, v2;
	v2 =	vld [tilespmem:$0x60]  }
0x2a: {  	[tilespmem:$0x10] =	vst v1;
	v1 =	vadd.s32 v0, v3;
	v3 =	vld [tilespmem:$0x70]  }
0x2b: {  	[tilespmem:$0x20] =	vst v1;
	v1 =	vadd.s32 v0, v4  }
0x2c: {  	[tilespmem:$0x30] =	vst v1;
	v1 =	vadd.s32 v0, v5  }
0x2d: {  	[tilespmem:$0x40] =	vst v1;
	v1 =	vadd.s32 v0, v6  }
0x2e: {  	[tilespmem:$0x50] =	vst v1;
	v1 =	vadd.s32 v0, v2  }
0x2f: {  	[tilespmem:$0x60] =	vst v1;
	v1 =	vadd.s32 v0, v3  }
0x30: {  	[tilespmem:$0x70] =	vst v1  }
0x31: {  	[tilespmem:s20], [sflag:$0x5] =	stream.indirect.gather [hbm4b:s4+s19], $0x80, s3, s19, $0xb8;
	[tilespmem:$0x1C400] =	vst v63  }
0x32: {  	_ =	swait.ge [sflag:s21], $0x2800  }
0x33: {  	[sflag:s21] =	ssyncset.done $0x0  }
0x34: {  	[sflag:s21] =	ssyncadd.s32 $0xFFFFD800  }
0x35: {  	s29 =	smov.u32 s14;
	s30 =	simm.s32 $0x0;
	[bflag:$0x0] =	sbarrier.arrive $0xFFFF  }
.LBB2_2:
0x36: {  	_ =	swait.ge [sflag:s22], $0x100  }
0x37: {  	[sflag:s22] =	ssyncset.done $0x0  }
0x38: {  	[sflag:s22] =	ssyncadd.s32 $0xFFFFFF00  }
0x39: {  	v1 =	vld [tilespmem:$0x100]  }
0x3a: {  	v2 =	vld [tilespmem:$0x110]  }
0x3b: {  	v3 =	vld [tilespmem:$0x120]  }
0x3c: {  	v4 =	vld [tilespmem:$0x130]  }
0x3d: {  	v5 =	vld [tilespmem:$0x140]  }
0x3e: {  	v6 =	vld [tilespmem:$0x150];
	v1 =	vadd.s32 v0, v1  }
0x3f: {  	[tilespmem:$0x100] =	vst v1;
	v1 =	vadd.s32 v0, v2;
	v2 =	vld [tilespmem:$0x160]  }
0x40: {  	[tilespmem:$0x110] =	vst v1;
	v1 =	vadd.s32 v0, v3;
	v3 =	vld [tilespmem:$0x170]  }
0x41: {  	[tilespmem:$0x120] =	vst v1;
	v1 =	vadd.s32 v0, v4  }
0x42: {  	[tilespmem:$0x130] =	vst v1;
	v1 =	vadd.s32 v0, v5  }
0x43: {  	[tilespmem:$0x140] =	vst v1;
	v1 =	vadd.s32 v0, v6  }
0x44: {  	[tilespmem:$0x150] =	vst v1;
	v1 =	vadd.s32 v0, v2  }
0x45: {  	[tilespmem:$0x160] =	vst v1;
	v1 =	vadd.s32 v0, v3  }
0x46: {  	[tilespmem:$0x170] =	vst v1  }
0x47: {  	[tilespmem:s23], [sflag:$0x6] =	stream.indirect.gather [hbm4b:s4+s19], $0x80, s16, s19, $0xb8;
	[tilespmem:$0x1C400] =	vst v63  }
0x48: {  	_ =	swait.ge [sflag:s24], $0x4000  }
0x49: {  	[sflag:s24] =	ssyncset.done $0x0  }
0x4a: {  	s0 =	sadd.s32 $0x3, s30;
	[sflag:s24] =	ssyncadd.s32 $0xFFFFC000  }
0x4b: {  	[spmem:s1] =	stream.indirect.scatter.add.f32 [tilespmem:s20], [sflag:$0x8], $0x80, s19, s19, $0xb8;
	[tilespmem:$0x1C400] =	vst v63  }
0x4c: {  	p0 =	sge.u32 s0, s7;
	_ =	swait.ge [sflag:s25], $0x4000  }
0x4d: {  	s31 =	simm.s32 @!p0 $0x0;
	[sflag:s25] =	ssyncset.done $0x0;
	s9 =	rddreg [dreg:$0x4]  }
0x4e: {  	s2 =	simm.s32 @!p0 $0x300;
	[sflag:s25] =	ssyncadd.s32 $0xFFFFC000;
	p1 =	sge.u32 s30, s9  }
0x4f: {  	[tilespmem:s2], [sflag:$0x4] =	stream.linear.gather @!p0 [hbm4b:s29+s31], $0x100, $0x38;
	[tilespmem:$0x1C400] =	vst v63  }
0x50: {  	s0 =	simm.s32 @!p1 $0x3  }
0x51: {  	_ =	swait.ge @!p1 [sflag:s0], $0x100  }
0x52: {  	[sflag:s0] =	ssyncset.done @!p1 $0x0  }
0x53: {  	[sflag:s0] =	ssyncadd.s32 @!p1 $0xFFFFFF00  }
0x54: {  	v1 =	vld @!p1 [tilespmem:$0x200]  }
0x55: {  	v2 =	vld @!p1 [tilespmem:$0x210]  }
0x56: {  	v3 =	vld @!p1 [tilespmem:$0x220]  }
0x57: {  	v4 =	vld @!p1 [tilespmem:$0x230]  }
0x58: {  	v5 =	vld @!p1 [tilespmem:$0x240]  }
0x59: {  	v6 =	vld @!p1 [tilespmem:$0x250];
	v1 =	vadd.s32 @!p1 v0, v1  }
0x5a: {  	[tilespmem:$0x200] =	vst @!p1 v1;
	v1 =	vadd.s32 @!p1 v0, v2;
	v2 =	vld @!p1 [tilespmem:$0x260]  }
0x5b: {  	[tilespmem:$0x210] =	vst @!p1 v1;
	v1 =	vadd.s32 @!p1 v0, v3;
	v3 =	vld @!p1 [tilespmem:$0x270]  }
0x5c: {  	[tilespmem:$0x220] =	vst @!p1 v1;
	v1 =	vadd.s32 @!p1 v0, v4  }
0x5d: {  	[tilespmem:$0x230] =	vst @!p1 v1;
	v1 =	vadd.s32 @!p1 v0, v5  }
0x5e: {  	[tilespmem:$0x240] =	vst @!p1 v1;
	v1 =	vadd.s32 @!p1 v0, v6  }
0x5f: {  	[tilespmem:$0x250] =	vst @!p1 v1;
	v1 =	vadd.s32 @!p1 v0, v2  }
0x60: {  	[tilespmem:$0x260] =	vst @!p1 v1;
	v1 =	vadd.s32 @!p1 v0, v3  }
0x61: {  	s17 =	simm.s32 @!p1 $0x80;
	s5 =	simm.s32 @!p1 $0x400;
	s0 =	simm.s32 @!p1 $0x200;
	[tilespmem:$0x270] =	vst @!p1 v1  }
0x62: {  	[tilespmem:s5], [sflag:$0x5] =	stream.indirect.gather @!p1 [hbm4b:s4+s17], $0x80, s0, s17, $0xb8;
	[tilespmem:$0x1C400] =	vst v63  }
0x63: {  	_ =	swait.ge [sflag:s26], $0x4000  }
0x64: {  	[sflag:s26] =	ssyncset.done $0x0  }
0x65: {  	s10 =	rddreg [dreg:$0x5];
	[sflag:s26] =	ssyncadd.s32 $0xFFFFC000  }
0x66: {  	[spmem:s1] =	stream.indirect.scatter.add.f32 [tilespmem:s23], [sflag:$0x8], $0x80, s10, s19, $0xb8;
	[tilespmem:$0x1C400] =	vst v63  }
0x67: {  	s31 =	sadd.s32 $0x4, s30;
	_ =	swait.ge [sflag:s25], $0x4000  }
0x68: {  	p2 =	sge.u32 s31, s7;
	[sflag:s25] =	ssyncset.done $0x0  }
0x69: {  	s9 =	sadd.s32 @!p2 $0x20, s29;
	s0 =	simm.s32 @!p2 $0x0;
	[sflag:s25] =	ssyncadd.s32 $0xFFFFC000  }
0x6a: {  	[tilespmem:s0], [sflag:$0x1] =	stream.linear.gather @!p2 [hbm4b:s9+s0], $0x100, $0x38;
	[tilespmem:$0x1C400] =	vst v63  }
0x6b: {  	s9 =	simm.s32 @!p0 $0x4  }
0x6c: {  	_ =	swait.ge @!p0 [sflag:s9], $0x100  }
0x6d: {  	[sflag:s9] =	ssyncset.done @!p0 $0x0  }
0x6e: {  	[sflag:s9] =	ssyncadd.s32 @!p0 $0xFFFFFF00  }
0x6f: {  	v1 =	vld @!p0 [tilespmem:$0x300]  }
0x70: {  	v2 =	vld @!p0 [tilespmem:$0x310]  }
0x71: {  	v3 =	vld @!p0 [tilespmem:$0x320]  }
0x72: {  	v4 =	vld @!p0 [tilespmem:$0x330]  }
0x73: {  	v5 =	vld @!p0 [tilespmem:$0x340]  }
0x74: {  	v6 =	vld @!p0 [tilespmem:$0x350];
	v1 =	vadd.s32 @!p0 v0, v1  }
0x75: {  	[tilespmem:$0x300] =	vst @!p0 v1;
	v1 =	vadd.s32 @!p0 v0, v2;
	v2 =	vld @!p0 [tilespmem:$0x360]  }
0x76: {  	[tilespmem:$0x310] =	vst @!p0 v1;
	v1 =	vadd.s32 @!p0 v0, v3;
	v3 =	vld @!p0 [tilespmem:$0x370]  }
0x77: {  	[tilespmem:$0x320] =	vst @!p0 v1;
	v1 =	vadd.s32 @!p0 v0, v4  }
0x78: {  	[tilespmem:$0x330] =	vst @!p0 v1;
	v1 =	vadd.s32 @!p0 v0, v5  }
0x79: {  	[tilespmem:$0x340] =	vst @!p0 v1;
	v1 =	vadd.s32 @!p0 v0, v6  }
0x7a: {  	[tilespmem:$0x350] =	vst @!p0 v1;
	v1 =	vadd.s32 @!p0 v0, v2  }
0x7b: {  	[tilespmem:$0x360] =	vst @!p0 v1;
	v1 =	vadd.s32 @!p0 v0, v3  }
0x7c: {  	s10 =	simm.s32 @!p0 $0x4400;
	s9 =	simm.s32 @!p0 $0x80;
	[tilespmem:$0x370] =	vst @!p0 v1  }
0x7d: {  	[tilespmem:s10], [sflag:$0x6] =	stream.indirect.gather @!p0 [hbm4b:s4+s9], $0x80, s2, s9, $0xb8;
	[tilespmem:$0x1C400] =	vst v63  }
0x7e: {  	s2 =	simm.s32 @!p1 $0x5  }
0x7f: {  	_ =	swait.ge @!p1 [sflag:s2], $0x4000  }
0x80: {  	[sflag:s2] =	ssyncset.done @!p1 $0x0  }
0x81: {  	[sflag:s2] =	ssyncadd.s32 @!p1 $0xFFFFC000;
	s2 =	simm.s32 @!p1 $0x280  }
0x82: {  	[spmem:s1] =	stream.indirect.scatter.add.f32 @!p1 [tilespmem:s5], [sflag:$0x8], $0x80, s2, s17, $0xb8;
	[tilespmem:$0x1C400] =	vst v63  }
0x83: {  	s2 =	simm.s32 @!p1 $0x8  }
0x84: {  	_ =	swait.ge @!p1 [sflag:s2], $0x4000  }
0x85: {  	s17 =	sadd.s32 $0x5, s30;
	[sflag:s2] =	ssyncset.done @!p1 $0x0  }
0x86: {  	[sflag:s2] =	ssyncadd.s32 @!p1 $0xFFFFC000;
	p1 =	sge.u32 s17, s7  }
0x87: {  	s2 =	sadd.s32 @!p1 $0x40, s29;
	s5 =	simm.s32 @!p1 $0x0;
	s17 =	simm.s32 @!p1 $0x100  }
0x88: {  	[tilespmem:s17], [sflag:$0x2] =	stream.linear.gather @!p1 [hbm4b:s2+s5], $0x100, $0x38;
	[tilespmem:$0x1C400] =	vst v63  }
0x89: {  	s2 =	simm.s32 @!p2 $0x1  }
0x8a: {  	_ =	swait.ge @!p2 [sflag:s2], $0x100  }
0x8b: {  	[sflag:s2] =	ssyncset.done @!p2 $0x0  }
0x8c: {  	[sflag:s2] =	ssyncadd.s32 @!p2 $0xFFFFFF00  }
0x8d: {  	v1 =	vld @!p2 [tilespmem:$0x0]  }
0x8e: {  	v2 =	vld @!p2 [tilespmem:$0x10]  }
0x8f: {  	v3 =	vld @!p2 [tilespmem:$0x20]  }
0x90: {  	v4 =	vld @!p2 [tilespmem:$0x30]  }
0x91: {  	v5 =	vld @!p2 [tilespmem:$0x40]  }
0x92: {  	v6 =	vld @!p2 [tilespmem:$0x50];
	v1 =	vadd.s32 @!p2 v0, v1  }
0x93: {  	[tilespmem:$0x0] =	vst @!p2 v1;
	v1 =	vadd.s32 @!p2 v0, v2;
	v2 =	vld @!p2 [tilespmem:$0x60]  }
0x94: {  	[tilespmem:$0x10] =	vst @!p2 v1;
	v1 =	vadd.s32 @!p2 v0, v3;
	v3 =	vld @!p2 [tilespmem:$0x70]  }
0x95: {  	[tilespmem:$0x20] =	vst @!p2 v1;
	v1 =	vadd.s32 @!p2 v0, v4  }
0x96: {  	[tilespmem:$0x30] =	vst @!p2 v1;
	v1 =	vadd.s32 @!p2 v0, v5  }
0x97: {  	[tilespmem:$0x40] =	vst @!p2 v1;
	v1 =	vadd.s32 @!p2 v0, v6  }
0x98: {  	[tilespmem:$0x50] =	vst @!p2 v1;
	v1 =	vadd.s32 @!p2 v0, v2  }
0x99: {  	[tilespmem:$0x60] =	vst @!p2 v1;
	v1 =	vadd.s32 @!p2 v0, v3  }
0x9a: {  	s5 =	simm.s32 @!p2 $0x400;
	s2 =	simm.s32 @!p2 $0x80;
	[tilespmem:$0x70] =	vst @!p2 v1  }
0x9b: {  	[tilespmem:s5], [sflag:$0x5] =	stream.indirect.gather @!p2 [hbm4b:s4+s2], $0x80, s0, s2, $0xb8;
	[tilespmem:$0x1C400] =	vst v63  }
0x9c: {  	s0 =	simm.s32 @!p0 $0x6  }
0x9d: {  	_ =	swait.ge @!p0 [sflag:s0], $0x4000  }
0x9e: {  	[sflag:s0] =	ssyncset.done @!p0 $0x0  }
0x9f: {  	[sflag:s0] =	ssyncadd.s32 @!p0 $0xFFFFC000;
	s0 =	simm.s32 @!p0 $0x380  }
0xa0: {  	[spmem:s1] =	stream.indirect.scatter.add.f32 @!p0 [tilespmem:s10], [sflag:$0x8], $0x80, s0, s9, $0xb8;
	[tilespmem:$0x1C400] =	vst v63  }
0xa1: {  	s0 =	simm.s32 @!p0 $0x8  }
0xa2: {  	_ =	swait.ge @!p0 [sflag:s0], $0x4000  }
0xa3: {  	s17 =	sadd.s32 $0x6, s30;
	[sflag:s0] =	ssyncset.done @!p0 $0x0  }
0xa4: {  	[sflag:s0] =	ssyncadd.s32 @!p0 $0xFFFFC000;
	p0 =	sge.u32 s17, s7  }
0xa5: {  	s0 =	sadd.s32 @!p0 $0x60, s29;
	s2 =	simm.s32 @!p0 $0x0;
	s5 =	simm.s32 @!p0 $0x200  }
0xa6: {  	[tilespmem:s5], [sflag:$0x3] =	stream.linear.gather @!p0 [hbm4b:s0+s2], $0x100, $0x38;
	[tilespmem:$0x1C400] =	vst v63  }
0xa7: {  	p0 =	sne.s32 s31, $0x50  }
.Ltmp0:
0xa8: {  	_ = 	snop;
	(pc) =	sbr.rel @p0 .LBB2_2-.Ltmp0, $2  }
0xa9: {  	_ =	sdelay $0x2  }
0xaa: {  	s30 =	smov.u32 s31;
	s29 =	sadd.s32 $0x80, s29  }
0xab: {  	s28 =	sadd.s32 $0x1, s28  }
0xac: {  	p0 =	sne.s32 s28, s13  }
.Ltmp1:
0xad: {  	[bflag:$0x0] =	sbarrier.arrive $0xFFFF;
	s0 =	sor.u32 $0x1C08, s6;
	(pc) =	sbr.rel @p0 .LBB2_1-.Ltmp1, $4  }
0xae: {  	[hbm:s12], [sflag:s0] =	dma.local [spmem:s15], $0x2800  }
0xaf: {  	_ =	swait.ge [sflag:s25], $0x2800  }
0xb0: {  	[sflag:s25] =	ssyncset.done $0x0  }
0xb1: {  	[sflag:s25] =	ssyncadd.s32 $0xFFFFD800  }
0xb2: {  	_ =	sfence.sel $0x180000  }
0xb3: {  	[bflag:$0x0] =	sbarrier.arrive $0xFFFF  }
0xb4: {  	_ =	strace $0x9000004A  }
0xb5: {  	s0 =	stileid.u32;
	[bflag:$0x2] =	sbarrier.arrive $0xFFFF  }
0xb6: {  	p0 =	sne.s32 s0, $0x0;
	s0 =	rddreg [dreg:$0x3]  }
0xb7: {  	s0 =	sadd.s32 @!p0 $0x100000, s0  }
0xb8: {  	[sflag:s0] =	ssyncadd.tile.s32 @!p0 $0x1;
	_ =	shalt  }
.Lfunc_end2:
_tile_overlayer_lowered:
.L_overlay_start_2:
0xb9: {  	(tag) =	ssettag $0x2  }
0xba: {  	s0 =	rddreg [dreg:$0x0];
	s2 =	stileid.u32  }
0xbb: {  	s1 =	rddreg [dreg:$0x1];
	p0 =	sne.s32 s2, $0x0  }
0xbc: {  	s3 =	rddreg [dreg:$0x2];
	[bflag:$0x3] =	sbarrier.arrive $0xFFFF;
	s2 =	simm.s32 @!p0 $0x1C08  }
0xbd: {  	[timem:s3], [sflag:s2] =	dma.local @!p0 [hbm:s0], s1  }
0xbe: {  	s0 =	simm.s32 @!p0 $0x8  }
0xbf: {  	_ =	swait.ge @!p0 [sflag:s0], s1  }
0xc0: {  	s1 =	ssub.s32 @!p0 $0x0, s1;
	[sflag:s0] =	ssyncset.done @!p0 $0x0  }
0xc1: {  	[sflag:s0] =	ssyncadd.s32 @!p0 s1  }
0xc2: {  	[bflag:$0x3] =	sbarrier.arrive $0xFFFF  }
0xc3: {  	_ =	shalt  }

// kernel: kernel.14.cloned.1.call-start
scs
__scs_entry_jumppad:
0x0: {  	(pc) =	sbr.rel $0x88, $3  }
0x1: {  	(tag) =	ssettag $0x0;
	lr =	simm.s32 $0x1  }
0x2: {  	[smem:$0x3F9B] =	sst lr;
	_ =	strace $0xD0000000  }
0x3: {  	_ = 	snop  }
0x4: {  	_ = 	snop  }
0x5: {  	_ = 	snop  }
0x6: {  	_ = 	snop  }
0x7: {  	_ = 	snop  }
__scs_overlays_trampoline_lowered:
0x8: {  	[smem:$0x3FAA] =	sst s0  }
0x9: {  	[smem:$0x3FAB] =	sst s1  }
0xa: {  	[smem:$0x3FAC] =	sst s2  }
0xb: {  	[smem:$0x3FAD] =	sst s3  }
0xc: {  	[smem:$0x3FAE] =	sst s4  }
0xd: {  	[smem:$0x3FAF] =	sst s5  }
0xe: {  	[smem:$0x3FB0] =	sst s6  }
0xf: {  	[smem:$0x3FB1] =	sst s7  }
0x10: {  	[smem:$0x3FB2] =	sst s8  }
0x11: {  	[smem:$0x3FB3] =	sst s9;
	s0 =	simm.s32 @!p0 $0x0  }
0x12: {  	s1 =	sld [smem:$0x3F99];
	s0 =	simm.s32 @p0 $0x1  }
0x13: {  	[smem:$0x3FB4] =	sst s0;
	s0 =	simm.s32 @!p1 $0x0  }
0x14: {  	s2 =	sld [smem:$0x3F98];
	s0 =	simm.s32 @p1 $0x1  }
0x15: {  	[smem:$0x3FB5] =	sst s0;
	s0 =	simm.s32 @!p2 $0x0  }
0x16: {  	s3 =	sld [smem:$0x3FDB];
	s0 =	simm.s32 @p2 $0x1  }
0x17: {  	s4 =	simm.s32 $0x1BF5;
	[smem:$0x3FB7] =	sst s0  }
0x18: {  	s0 =	sld [smem:$0x3F9A];
	_ =	swait.ge [sflag:s4], $0x0  }
0x19: {  	s7 =	sld [smem:$0x3F9B]  }
0x1a: {  	s8 =	sadd.s32 $0xFFFFE003, lr  }
0x1b: {  	s9 =	sadd.s32 $0xFFFFFEF7, lr;
	s5 =	simm.s32 $0xFFFFFFFF;
	p2 =	slt.u32 s8, $0xFFFFF086  }
0x1c: {  	p1 =	slt.u32 s9, $0xF7A;
	s5 =	simm.s32 @!p2 $0x0  }
0x1d: {  	s5 =	simm.s32 @p1 $0x1;
	p0 =	seq.s32 s7, s2  }
0x1e: {  	s7 =	smul.u32 @!p0 $0xF7A, s2;
	p2 =	seq.s32 @!p0 s5, $0x0  }
0x1f: {  	s9 =	smul.u32 $0xF7A, s1;
	s8 =	simm.s32 @!p0 $0x1BF5;
	p2 =	por !p2, p0  }
0x20: {  	[sflag:s8] =	ssyncset.s32 @!p0 $0xFFFFF086;
	s6 =	sadd.s32 @!p0 s3, s7;
	s7 =	simm.s32 @!p0 $0x108  }
0x21: {  	s3 =	sadd.s32 s3, s9;
	s6 =	sadd.s32 @!p0 $0x88, s6;
	s7 =	simm.s32 @p2 $0x1082  }
0x22: {  	[simem:s7], [sflag:s8] =	dma.local @!p0 [hbm:s6], $0xF7A  }
0x23: {  	s9 =	sor.u32 $0xD0000000, s2;
	s6 =	simm.s32 $0x108;
	_ =	swait.ge @!p0 [sflag:s8], $0x0  }
0x24: {  	s3 =	sadd.s32 $0x88, s3;
	s6 =	simm.s32 @!p1 $0x1082;
	[sflag:s4] =	ssyncset.s32 $0xFFFFF086  }
0x25: {  	[simem:s6], [sflag:s4] =	dma.local [hbm:s3], $0xF7A  }
0x26: {  	[smem:$0x3F9B] =	sst s1;
	(tag) =	ssettag s2;
	_ =	strace s9  }
0x27: {  	s1 =	sld [smem:$0x3FAB]  }
0x28: {  	s2 =	sld [smem:$0x3FAC]  }
0x29: {  	s4 =	sld [smem:$0x3FAE]  }
0x2a: {  	p0 =	seq.s32 s5, $0x0;
	s5 =	sld [smem:$0x3FAF]  }
0x2b: {  	s6 =	sld [smem:$0x3FB0]  }
0x2c: {  	s7 =	sld [smem:$0x3FB1]  }
0x2d: {  	s3 =	simm.s32 $0x108;
	s8 =	sld [smem:$0x3FB2]  }
0x2e: {  	s3 =	simm.s32 @!p0 $0x1082;
	s9 =	sld [smem:$0x3FB3]  }
0x2f: {  	lr =	sadd.s32 s0, s3;
	s0 =	sld [smem:$0x3FAA]  }
0x30: {  	s3 =	sld [smem:$0x3FAD]  }
0x31: {  	[smem:$0x3FB6] =	sst s10  }
0x32: {  	s10 =	sld [smem:$0x3FB4];
	_ =	sdelay $0x3  }
0x33: {  	p0 =	seq.s32 s10, $0x1;
	s10 =	sld [smem:$0x3FB6];
	_ =	sdelay $0x3  }
0x34: {  	[smem:$0x3FB6] =	sst s10  }
0x35: {  	s10 =	sld [smem:$0x3FB5];
	_ =	sdelay $0x3  }
0x36: {  	p1 =	seq.s32 s10, $0x1;
	s10 =	sld [smem:$0x3FB6];
	_ =	sdelay $0x3  }
0x37: {  	[smem:$0x3FB6] =	sst s10  }
0x38: {  	s10 =	sld [smem:$0x3FB7]  }
0x39: {  	_ = 	snop;
	(pc) =	sbr.ind lr, $3  }
0x3a: {  	_ = 	snop  }
0x3b: {  	_ = 	snop  }
0x3c: {  	p2 =	seq.s32 s10, $0x1;
	s10 =	sld [smem:$0x3FB6]  }
0x3d: {  	_ =	shalt  }
0x3e: {  	_ =	shalt  }
0x3f: {  	_ =	shalt  }
0x40: {  	_ =	shalt  }
0x41: {  	_ =	shalt  }
0x42: {  	_ =	shalt  }
0x43: {  	_ =	shalt  }
0x44: {  	_ =	shalt  }
0x45: {  	_ =	shalt  }
0x46: {  	_ =	shalt  }
0x47: {  	_ =	shalt  }
0x48: {  	_ =	shalt  }
0x49: {  	_ =	shalt  }
0x4a: {  	_ =	shalt  }
0x4b: {  	_ =	shalt  }
0x4c: {  	_ =	shalt  }
0x4d: {  	_ =	shalt  }
0x4e: {  	_ =	shalt  }
0x4f: {  	_ =	shalt  }
0x50: {  	_ =	shalt  }
0x51: {  	_ =	shalt  }
0x52: {  	_ =	shalt  }
0x53: {  	_ =	shalt  }
0x54: {  	_ =	shalt  }
0x55: {  	_ =	shalt  }
0x56: {  	_ =	shalt  }
0x57: {  	_ =	shalt  }
0x58: {  	_ =	shalt  }
0x59: {  	_ =	shalt  }
0x5a: {  	_ =	shalt  }
0x5b: {  	_ =	shalt  }
0x5c: {  	_ =	shalt  }
0x5d: {  	_ =	shalt  }
0x5e: {  	_ =	shalt  }
0x5f: {  	_ =	shalt  }
0x60: {  	_ =	shalt  }
0x61: {  	_ =	shalt  }
0x62: {  	_ =	shalt  }
0x63: {  	_ =	shalt  }
0x64: {  	_ =	shalt  }
0x65: {  	_ =	shalt  }
0x66: {  	_ =	shalt  }
0x67: {  	_ =	shalt  }
0x68: {  	_ =	shalt  }
0x69: {  	_ =	shalt  }
0x6a: {  	_ =	shalt  }
0x6b: {  	_ =	shalt  }
0x6c: {  	_ =	shalt  }
0x6d: {  	_ =	shalt  }
0x6e: {  	_ =	shalt  }
0x6f: {  	_ =	shalt  }
0x70: {  	_ =	shalt  }
0x71: {  	_ =	shalt  }
0x72: {  	_ =	shalt  }
0x73: {  	_ =	shalt  }
0x74: {  	_ =	shalt  }
0x75: {  	_ =	shalt  }
0x76: {  	_ =	shalt  }
0x77: {  	_ =	shalt  }
0x78: {  	_ =	shalt  }
0x79: {  	_ =	shalt  }
0x7a: {  	_ =	shalt  }
0x7b: {  	_ =	shalt  }
0x7c: {  	_ =	shalt  }
0x7d: {  	_ =	shalt  }
0x7e: {  	_ =	shalt  }
0x7f: {  	_ =	shalt  }
0x80: {  	_ =	shalt  }
0x81: {  	_ =	shalt  }
0x82: {  	_ =	shalt  }
0x83: {  	_ =	shalt  }
0x84: {  	_ =	shalt  }
0x85: {  	_ =	shalt  }
0x86: {  	_ =	shalt  }
0x87: {  	_ =	shalt  }
.Lfunc_end0:
.L_simem_size_0:
called_computation.2_lowered:
.L_overlay_start_0:
0x88: {  	s2 =	sld [smem:$0x3FD9]  }
0x89: {  	s3 =	sld [smem:$0x3FFE];
	_ =	sdelay $0x1  }
0x8a: {  	s1 =	srdreg.scid  }
0x8b: {  	s0 =	sand.u32 $0x1, s1  }
0x8c: {  	s17 =	sshll.u32 s0, $0xA;
	s2 =	sadd.s32 s3, s2  }
0x8d: {  	s2 =	sadd.s32 s2, s17  }
0x8e: {  	[smem:$0x3FC2] =	sst s2  }
0x8f: {  	_ = 	snop  }
0x90: {  	s2 =	sld [smem:$0x3FC8]  }
0x91: {  	s18 =	sld [smem:$0x3FD0];
	(tm) =	ssettm $0x1  }
0x92: {  	s4 =	sld [smem:$0x3FFB];
	_ =	sdelay $0x3  }
0x93: {  	_ =	strace s4  }
0x94: {  	s4 =	sld [smem:$0x3FFC];
	_ =	sdelay $0x3  }
0x95: {  	_ =	strace s4  }
0x96: {  	s4 =	sld [smem:$0x3FFD];
	_ =	sdelay $0x3  }
0x97: {  	_ =	strace s4  }
0x98: {  	_ =	strace $0x8FFFFFFF  }
0x99: {  	s19 =	sld [smem:$0x3FDB];
	_ =	sdelay $0x1  }
0x9a: {  	s5 =	simm.s32 $_scs_section_size  }
0x9b: {  	s6 =	simm.s32 $_size__tile_overlayer_lowered;
	s7 =	simm.s32 $_tile_overlayer_lowered  }
0x9c: {  	s22 =	simm.s32 $0x1BFF;
	s21 =	sshll.u32 s7, $0x1;
	s4 =	sadd.s32 s5, s19  }
0x9d: {  	s8 =	simm.s32 $0x0;
	s20 =	sshll.u32 s6, $0x1;
	s6 =	sadd.s32 s21, s4  }
0x9e: {  	[timem:s8], [sflag:s22] =	dma.local [hbm:s6], s20  }
0x9f: {  	_ =	swait.ge [sflag:s22], s20  }
0xa0: {  	s5 =	ssub.s32 $0x0, s20;
	[sflag:s22] =	ssyncset.done $0x0  }
0xa1: {  	[sflag:s22] =	ssyncadd.s32 s5;
	_ =	sdelay $0x1  }
0xa2: {  	s23 =	simm.s32 $0x1B8B  }
0xa3: {  	_ =	swait.ge [sflag:s23], $0x1  }
0xa4: {  	[sflag:s23] =	ssyncset.done $0x0  }
0xa5: {  	s25 =	simm.s32 $0x1B8E;
	s24 =	sld [smem:$0x3FFE];
	[sflag:s23] =	ssyncadd.s32 $0xFFFFFFFF  }
0xa6: {  	s26 =	simm.s32 $execute0_lowered;
	[smem:$0x3FD2] =	sst s25  }
0xa7: {  	s6 =	sshll.u32 s26, $0x1;
	_ =	strace $0x8000004C;
	[dreg:$0x1] =	wrdreg $0xFFFFFFFF  }
0xa8: {  	s28 =	simm.s32 $_size_execute0_lowered;
	s4 =	sadd.s32 s4, s6;
	[dreg:$0x0] =	wrdreg $0x0  }
0xa9: {  	s6 =	sshll.u32 s28, $0x1;
	[dreg:$0x2] =	wrdreg s4  }
0xaa: {  	[dreg:$0x3] =	wrdreg s6  }
0xab: {  	[dreg:$0x4] =	wrdreg $0xC0  }
0xac: {  	_ =	task [dreg:s8], $0x5FFFF  }
0xad: {  	[dreg:$0x1] =	wrdreg $0xFFFFFFFF  }
0xae: {  	[dreg:$0x0] =	wrdreg $0x60  }
0xaf: {  	[dreg:$0x2] =	wrdreg s24  }
0xb0: {  	[dreg:$0x3] =	wrdreg s2  }
0xb1: {  	[dreg:$0x4] =	wrdreg s18  }
0xb2: {  	[dreg:$0x5] =	wrdreg $0x84000  }
0xb3: {  	[dreg:$0x6] =	wrdreg $0x9  }
0xb4: {  	_ =	task.clear_ibuf [dreg:s8], $0x7FFFF;
	_ =	strace $0x9000004C  }
0xb5: {  	s29 =	simm.s32 $0x9;
	_ =	strace $0x8000004E  }
0xb6: {  	_ =	swait.ge [sflag:s29], $0x1  }
0xb7: {  	[sflag:s29] =	ssyncadd.s32 $0xFFFFFFFF  }
0xb8: {  	_ =	strace $0x9000004E  }
0xb9: {  	_ =	sfence  }
0xba: {  	s30 =	sld [smem:$0x0];
	_ =	sdelay $0x2  }
0xbb: {  	s31 =	sshll.u32 s1, $0xD;
	s1 =	sshrl.u32 s1, $0x2  }
0xbc: {  	s3 =	sand.u32 $0x4000, s31;
	s1 =	sadd.s32 s1, s30  }
0xbd: {  	s0 =	sor.u32 s3, s0;
	s1 =	sshll.u32 s1, $0x11  }
0xbe: {  	s0 =	sor.u32 s1, s0  }
0xbf: {  	s0 =	sadd.s32 $0x8F2B, s0  }
0xc0: {  	[sflag:s0] =	ssyncadd.remote.s32 $0x1  }
0xc1: {  	_ =	sfence.sel $0xFFFF  }
0xc2: {  	[dreg:$0x0] =	wrdreg $0xFFFFFFFF;
	(pc) =	sbr.abs _section_cstart, $3  }
0xc3: {  	[dreg:$0x1] =	wrdreg $0xFFFFFFFF  }
0xc4: {  	_ =	task.clear_ibuf [dreg:s8], $0x2FFFF;
	_ =	strace $0x9FFFFFFF  }
0xc5: {  	(tm) =	ssettm $0x7FFFFFFF  }
tec
execute0_lowered:
.L_overlay_start_1:
0x0: {  	(tag) =	ssettag $0x1  }
0x1: {  	s0 =	rddreg [dreg:$0x0];
	s16 =	stileid.u32  }
0x2: {  	s1 =	rddreg [dreg:$0x1];
	s6 =	smul.u32 $0x14000, s16  }
0x3: {  	s2 =	srdreg.scid;
	s9 =	smul.u32 $0x50000, s16  }
0x4: {  	s12 =	rddreg [dreg:$0x2];
	s3 =	simm.s32 $0x0;
	s20 =	smul.u32 $0x2800, s16  }
0x5: {  	s5 =	sand.u32 $0x1, s2;
	s2 =	rddreg [dreg:$0x3];
	s22 =	smul.u32 $0x27, s16  }
0x6: {  	s28 =	simm.s32 $0x0;
	[smem:$0x7FF] =	sst s3;
	s4 =	smul.u32 $0x140000, s5  }
0x7: {  	_ =	strace $0x8000004D;
	s17 =	ssub.s32 $0x2, s5;
	s7 =	sshll.u32 s5, $0x4  }
0x8: {  	p0 =	seq.s32 s5, $0x1;
	s14 =	smul.u32 $0x270, s5;
	s8 =	sshrl.u32 s17, $0x1  }
0x9: {  	s7 =	sor.u32 s16, s7;
	s19 =	sshrl.u32 s9, $0x2;
	s16 =	sshll.u32 s16, $0x6  }
0xa: {  	s6 =	sadd.s32 s6, s4;
	s4 =	sadd.s32 $0x1800, s0;
	s11 =	ssub.s32 s17, s8  }
0xb: {  	s18 =	smul.u32 $0x27, s7;
	s10 =	smin.u32 s7, $0x2;
	s13 =	sadd.s32 s19, s2  }
0xc: {  	p1 =	slt.u32 s7, $0x2;
	s14 =	sadd.s32 s22, s14;
	s31 =	sor.u32 $0x1C07, s16  }
0xd: {  	s22 =	simm.s32 $0x80;
	s6 =	sshrl.u32 s6, $0x3;
	s5 =	sadd.s32 s4, s20  }
0xe: {  	s29 =	smax.u32 s11, $0x1;
	[dreg:$0xd] =	wrdreg s31;
	s0 =	sadd.s32 s6, s0  }
0xf: {  	s6 =	sadd.s32 s10, s18;
	s10 =	sadd.s32 s10, s14;
	[dreg:$0xb] =	wrdreg s29  }
0x10: {  	s5 =	smov.u32 @p0 s12;
	s18 =	sshrl.u32 s13, $0x3;
	s21 =	sshll.u32 s6, $0x5  }
0x11: {  	s6 =	simm.s32 $0x28;
	s25 =	sshll.u32 s10, $0x5;
	s0 =	sadd.s32 $0x29800, s0  }
0x12: {  	s23 =	sadd.s32 s1, s21;
	s6 =	simm.s32 @!p1 $0x27;
	[dreg:$0xa] =	wrdreg s0  }
0x13: {  	s26 =	sadd.s32 s25, s1;
	s21 =	simm.s32 $0x1;
	s25 =	simm.s32 $0x5  }
0x14: {  	s8 =	sadd.s32 $0x20, s23;
	[dreg:$0x7] =	wrdreg s23;
	s7 =	sadd.s32 $0x40, s23  }
0x15: {  	s15 =	sadd.s32 $0xFFFFFFFF, s6;
	s24 =	sadd.s32 $0xFFFFFFFE, s6;
	[dreg:$0x8] =	wrdreg s8  }
0x16: {  	s1 =	sadd.s32 $0x60, s26;
	s0 =	sadd.s32 $0x80, s26;
	[dreg:$0x9] =	wrdreg s7  }
0x17: {  	s19 =	sadd.s32 $0xA0, s26;
	s30 =	sadd.s32 $0xC0, s26;
	[dreg:$0x5] =	wrdreg s15  }
0x18: {  	s23 =	simm.s32 $0x400;
	s26 =	simm.s32 $0x8;
	[dreg:$0x6] =	wrdreg s24  }
0x19: {  	[dreg:$0xc] =	wrdreg s30;
	s15 =	smov.u32 s5;
	s24 =	simm.s32 $0x7  }
.LBB2_1:
0x1a: {  	s5 =	rddreg [dreg:$0xd]  }
0x1b: {  	[spmem:s18], [sflag:s5] =	dma.local [hbm:s15], $0x2800  }
0x1c: {  	s5 =	rddreg [dreg:$0x7]  }
0x1d: {  	[tilespmem:s3], [sflag:$0x1] =	stream.linear.gather [hbm4b:s5+s3], $0x100, $0x38;
	[tilespmem:$0x1C400] =	vst v63  }
0x1e: {  	s7 =	simm.s32 $0x100;
	s12 =	rddreg [dreg:$0x8]  }
0x1f: {  	[tilespmem:s7], [sflag:$0x2] =	stream.linear.gather [hbm4b:s12+s3], $0x100, $0x38;
	[tilespmem:$0x1C400] =	vst v63  }
0x20: {  	s14 =	simm.s32 $0x200;
	s13 =	rddreg [dreg:$0x9]  }
0x21: {  	[tilespmem:s14], [sflag:$0x3] =	stream.linear.gather [hbm4b:s13+s3], $0x100, $0x38;
	[tilespmem:$0x1C400] =	vst v63  }
0x22: {  	_ =	swait.ge [sflag:s21], $0x100  }
0x23: {  	[sflag:s21] =	ssyncset.done $0x0  }
0x24: {  	[sflag:s21] =	ssyncadd.s32 $0xFFFFFF00  }
0x25: {  	[tilespmem:s23], [sflag:$0x5] =	stream.indirect.gather [hbm4b:s4+s22], $0x80, s3, s22, $0xb8;
	[tilespmem:$0x1C400] =	vst v63  }
0x26: {  	_ =	swait.ge [sflag:s24], $0x2800  }
0x27: {  	[sflag:s24] =	ssyncset.done $0x0  }
0x28: {  	[sflag:s24] =	ssyncadd.s32 $0xFFFFD800  }
0x29: {  	[bflag:$0x0] =	sbarrier.arrive $0xFFFF  }
0x2a: {  	s12 =	rddreg [dreg:$0x5]  }
0x2b: {  	p1 =	sle.u32 s12, $0x0  }
0x2c: {  	s12 =	simm.s32 @!p1 $0x2  }
0x2d: {  	_ =	swait.ge @!p1 [sflag:s12], $0x100  }
0x2e: {  	s13 =	simm.s32 @!p1 $0x4400;
	[sflag:s12] =	ssyncset.done @!p1 $0x0  }
0x2f: {  	s14 =	simm.s32 @!p1 $0x80;
	s20 =	simm.s32 @!p1 $0x100;
	[sflag:s12] =	ssyncadd.s32 @!p1 $0xFFFFFF00  }
0x30: {  	[tilespmem:s13], [sflag:$0x6] =	stream.indirect.gather @!p1 [hbm4b:s4+s14], $0x80, s20, s14, $0xb8;
	[tilespmem:$0x1C400] =	vst v63  }
0x31: {  	_ =	swait.ge [sflag:s25], $0x4000  }
0x32: {  	[sflag:s25] =	ssyncset.done $0x0  }
0x33: {  	[sflag:s25] =	ssyncadd.s32 $0xFFFFC000  }
0x34: {  	[spmem:s2] =	stream.indirect.scatter.add.f32 [tilespmem:s23], [sflag:$0x8], $0x80, s22, s22, $0xb8;
	[tilespmem:$0x1C400] =	vst v63  }
0x35: {  	p0 =	sle.u32 s6, $0x3;
	_ =	swait.ge [sflag:s26], $0x4000  }
0x36: {  	s29 =	simm.s32 @!p0 $0x300;
	[sflag:s26] =	ssyncset.done $0x0;
	s17 =	rddreg [dreg:$0x6]  }
0x37: {  	s20 =	simm.s32 @!p0 $0x0;
	[sflag:s26] =	ssyncadd.s32 $0xFFFFC000;
	p2 =	sle.u32 s17, $0x0  }
0x38: {  	[tilespmem:s29], [sflag:$0x4] =	stream.linear.gather @!p0 [hbm4b:s1+s20], $0x100, $0x38;
	[tilespmem:$0x1C400] =	vst v63  }
0x39: {  	s12 =	simm.s32 @!p2 $0x3  }
0x3a: {  	_ =	swait.ge @!p2 [sflag:s12], $0x100  }
0x3b: {  	s20 =	simm.s32 @!p2 $0x400;
	s30 =	simm.s32 @!p2 $0x80;
	[sflag:s12] =	ssyncset.done @!p2 $0x0  }
0x3c: {  	s31 =	simm.s32 @!p2 $0x200;
	[sflag:s12] =	ssyncadd.s32 @!p2 $0xFFFFFF00;
	s12 =	simm.s32 @!p1 $0x6  }
0x3d: {  	[tilespmem:s20], [sflag:$0x5] =	stream.indirect.gather @!p2 [hbm4b:s4+s30], $0x80, s31, s30, $0xb8;
	[tilespmem:$0x1C400] =	vst v63  }
0x3e: {  	_ =	swait.ge @!p1 [sflag:s12], $0x4000  }
0x3f: {  	[sflag:s12] =	ssyncset.done @!p1 $0x0  }
0x40: {  	s31 =	simm.s32 @!p1 $0x8;
	[sflag:s12] =	ssyncadd.s32 @!p1 $0xFFFFC000;
	s12 =	simm.s32 @!p1 $0x180  }
0x41: {  	[spmem:s2] =	stream.indirect.scatter.add.f32 @!p1 [tilespmem:s13], [sflag:$0x8], $0x80, s12, s14, $0xb8;
	[tilespmem:$0x1C400] =	vst v63  }
0x42: {  	_ =	swait.ge @!p1 [sflag:s31], $0x4000  }
0x43: {  	p3 =	sle.u32 s6, $0x4;
	[sflag:s31] =	ssyncset.done @!p1 $0x0  }
0x44: {  	s12 =	simm.s32 @!p3 $0x0;
	s13 =	simm.s32 @!p0 $0x4;
	[sflag:s31] =	ssyncadd.s32 @!p1 $0xFFFFC000  }
0x45: {  	[tilespmem:s12], [sflag:$0x1] =	stream.linear.gather @!p3 [hbm4b:s0+s12], $0x100, $0x38;
	[tilespmem:$0x1C400] =	vst v63  }
0x46: {  	_ =	swait.ge @!p0 [sflag:s13], $0x100  }
0x47: {  	s14 =	simm.s32 @!p0 $0x4400;
	[sflag:s13] =	ssyncset.done @!p0 $0x0  }
0x48: {  	s31 =	simm.s32 @!p2 $0x5;
	[sflag:s13] =	ssyncadd.s32 @!p0 $0xFFFFFF00;
	s13 =	simm.s32 @!p0 $0x80  }
0x49: {  	[tilespmem:s14], [sflag:$0x6] =	stream.indirect.gather @!p0 [hbm4b:s4+s13], $0x80, s29, s13, $0xb8;
	[tilespmem:$0x1C400] =	vst v63  }
0x4a: {  	_ =	swait.ge @!p2 [sflag:s31], $0x4000  }
0x4b: {  	[sflag:s31] =	ssyncset.done @!p2 $0x0  }
0x4c: {  	s29 =	simm.s32 @!p2 $0x280;
	[sflag:s31] =	ssyncadd.s32 @!p2 $0xFFFFC000;
	s31 =	simm.s32 @!p2 $0x8  }
0x4d: {  	[spmem:s2] =	stream.indirect.scatter.add.f32 @!p2 [tilespmem:s20], [sflag:$0x8], $0x80, s29, s30, $0xb8;
	[tilespmem:$0x1C400] =	vst v63  }
0x4e: {  	p1 =	sle.u32 s6, $0x5;
	_ =	swait.ge @!p2 [sflag:s31], $0x4000  }
0x4f: {  	s20 =	simm.s32 @!p1 $0x100;
	[sflag:s31] =	ssyncset.done @!p2 $0x0  }
0x50: {  	s29 =	simm.s32 @!p3 $0x1;
	s30 =	simm.s32 @!p1 $0x0;
	[sflag:s31] =	ssyncadd.s32 @!p2 $0xFFFFC000  }
0x51: {  	[tilespmem:s20], [sflag:$0x2] =	stream.linear.gather @!p1 [hbm4b:s19+s30], $0x100, $0x38;
	[tilespmem:$0x1C400] =	vst v63  }
0x52: {  	_ =	swait.ge @!p3 [sflag:s29], $0x100  }
0x53: {  	s31 =	simm.s32 @!p0 $0x6;
	[sflag:s29] =	ssyncset.done @!p3 $0x0  }
0x54: {  	s20 =	simm.s32 @!p3 $0x400;
	s30 =	simm.s32 @!p3 $0x80;
	[sflag:s29] =	ssyncadd.s32 @!p3 $0xFFFFFF00  }
0x55: {  	[tilespmem:s20], [sflag:$0x5] =	stream.indirect.gather @!p3 [hbm4b:s4+s30], $0x80, s12, s30, $0xb8;
	[tilespmem:$0x1C400] =	vst v63  }
0x56: {  	s12 =	simm.s32 @!p0 $0x380;
	_ =	swait.ge @!p0 [sflag:s31], $0x4000  }
0x57: {  	s30 =	simm.s32 $0x4;
	s20 =	simm.s32 @!p0 $0x8;
	[sflag:s31] =	ssyncset.done @!p0 $0x0  }
0x58: {  	s29 =	rddreg [dreg:$0xc];
	[sflag:s31] =	ssyncadd.s32 @!p0 $0xFFFFC000;
	s31 =	simm.s32 $0x0  }
0x59: {  	[spmem:s2] =	stream.indirect.scatter.add.f32 @!p0 [tilespmem:s14], [sflag:$0x8], $0x80, s12, s13, $0xb8;
	[tilespmem:$0x1C400] =	vst v63  }
0x5a: {  	s12 =	smov.u32 s1;
	s13 =	smov.u32 s0;
	s14 =	smov.u32 s19  }
.LBB2_2:
0x5b: {  	_ =	swait.ge @!p0 [sflag:s20], $0x4000  }
0x5c: {  	s8 =	sadd.s32 $0x6, s31;
	s31 =	smov.u32 s30;
	[sflag:s20] =	ssyncset.done @!p0 $0x0  }
0x5d: {  	s9 =	rddreg [dreg:$0x5];
	p1 =	sge.u32 s8, s6;
	[sflag:s20] =	ssyncadd.s32 @!p0 $0xFFFFC000  }
0x5e: {  	s8 =	simm.s32 @!p1 $0x0;
	s20 =	simm.s32 @!p1 $0x200;
	p2 =	sge.u32 s31, s9  }
0x5f: {  	[tilespmem:s20], [sflag:$0x3] =	stream.linear.gather @!p1 [hbm4b:s29+s8], $0x100, $0x38;
	[tilespmem:$0x1C400] =	vst v63  }
0x60: {  	s8 =	simm.s32 @!p2 $0x2  }
0x61: {  	_ =	swait.ge @!p2 [sflag:s8], $0x100  }
0x62: {  	s9 =	simm.s32 @!p2 $0x4400;
	[sflag:s8] =	ssyncset.done @!p2 $0x0  }
0x63: {  	s20 =	simm.s32 @!p2 $0x80;
	s10 =	simm.s32 @!p2 $0x100;
	[sflag:s8] =	ssyncadd.s32 @!p2 $0xFFFFFF00  }
0x64: {  	[tilespmem:s9], [sflag:$0x6] =	stream.indirect.gather @!p2 [hbm4b:s4+s20], $0x80, s10, s20, $0xb8;
	[tilespmem:$0x1C400] =	vst v63  }
0x65: {  	_ =	swait.ge [sflag:s25], $0x4000  }
0x66: {  	[sflag:s25] =	ssyncset.done $0x0  }
0x67: {  	s5 =	sadd.s32 $0x3, s31;
	[sflag:s25] =	ssyncadd.s32 $0xFFFFC000  }
0x68: {  	[spmem:s2] =	stream.indirect.scatter.add.f32 [tilespmem:s23], [sflag:$0x8], $0x80, s22, s22, $0xb8;
	[tilespmem:$0x1C400] =	vst v63  }
0x69: {  	s12 =	sadd.s32 $0x80, s12;
	p0 =	sge.u32 s5, s6;
	_ =	swait.ge [sflag:s26], $0x4000  }
0x6a: {  	s11 =	simm.s32 @!p0 $0x300;
	[sflag:s26] =	ssyncset.done $0x0;
	s7 =	rddreg [dreg:$0x6]  }
0x6b: {  	s10 =	simm.s32 @!p0 $0x0;
	[sflag:s26] =	ssyncadd.s32 $0xFFFFC000;
	p3 =	sge.u32 s31, s7  }
0x6c: {  	[tilespmem:s11], [sflag:$0x4] =	stream.linear.gather @!p0 [hbm4b:s12+s10], $0x100, $0x38;
	[tilespmem:$0x1C400] =	vst v63  }
0x6d: {  	s8 =	simm.s32 @!p3 $0x3  }
0x6e: {  	_ =	swait.ge @!p3 [sflag:s8], $0x100  }
0x6f: {  	s10 =	simm.s32 @!p3 $0x400;
	s5 =	simm.s32 @!p3 $0x80;
	[sflag:s8] =	ssyncset.done @!p3 $0x0  }
0x70: {  	s7 =	simm.s32 @!p3 $0x200;
	[sflag:s8] =	ssyncadd.s32 @!p3 $0xFFFFFF00;
	s8 =	simm.s32 @!p2 $0x6  }
0x71: {  	[tilespmem:s10], [sflag:$0x5] =	stream.indirect.gather @!p3 [hbm4b:s4+s5], $0x80, s7, s5, $0xb8;
	[tilespmem:$0x1C400] =	vst v63  }
0x72: {  	_ =	swait.ge @!p2 [sflag:s8], $0x4000  }
0x73: {  	[sflag:s8] =	ssyncset.done @!p2 $0x0  }
0x74: {  	s7 =	simm.s32 @!p2 $0x180;
	[sflag:s8] =	ssyncadd.s32 @!p2 $0xFFFFC000;
	s8 =	simm.s32 @!p2 $0x8  }
0x75: {  	[spmem:s2] =	stream.indirect.scatter.add.f32 @!p2 [tilespmem:s9], [sflag:$0x8], $0x80, s7, s20, $0xb8;
	[tilespmem:$0x1C400] =	vst v63  }
0x76: {  	s30 =	sadd.s32 $0x4, s30;
	_ =	swait.ge @!p2 [sflag:s8], $0x4000  }
0x77: {  	s13 =	sadd.s32 $0x80, s13;
	p4 =	sge.u32 s30, s6;
	[sflag:s8] =	ssyncset.done @!p2 $0x0  }
0x78: {  	s7 =	simm.s32 @!p4 $0x0;
	[sflag:s8] =	ssyncadd.s32 @!p2 $0xFFFFC000;
	s8 =	simm.s32 @!p0 $0x4  }
0x79: {  	[tilespmem:s7], [sflag:$0x1] =	stream.linear.gather @!p4 [hbm4b:s13+s7], $0x100, $0x38;
	[tilespmem:$0x1C400] =	vst v63  }
0x7a: {  	_ =	swait.ge @!p0 [sflag:s8], $0x100  }
0x7b: {  	s9 =	simm.s32 @!p0 $0x4400;
	[sflag:s8] =	ssyncset.done @!p0 $0x0  }
0x7c: {  	s20 =	simm.s32 @!p3 $0x5;
	[sflag:s8] =	ssyncadd.s32 @!p0 $0xFFFFFF00;
	s8 =	simm.s32 @!p0 $0x80  }
0x7d: {  	[tilespmem:s9], [sflag:$0x6] =	stream.indirect.gather @!p0 [hbm4b:s4+s8], $0x80, s11, s8, $0xb8;
	[tilespmem:$0x1C400] =	vst v63  }
0x7e: {  	_ =	swait.ge @!p3 [sflag:s20], $0x4000  }
0x7f: {  	s17 =	sadd.s32 $0x5, s31;
	[sflag:s20] =	ssyncset.done @!p3 $0x0  }
0x80: {  	s11 =	simm.s32 @!p3 $0x280;
	[sflag:s20] =	ssyncadd.s32 @!p3 $0xFFFFC000;
	s20 =	simm.s32 @!p3 $0x8  }
0x81: {  	[spmem:s2] =	stream.indirect.scatter.add.f32 @!p3 [tilespmem:s10], [sflag:$0x8], $0x80, s11, s5, $0xb8;
	[tilespmem:$0x1C400] =	vst v63  }
0x82: {  	p2 =	sge.u32 s17, s6;
	_ =	swait.ge @!p3 [sflag:s20], $0x4000  }
0x83: {  	s14 =	sadd.s32 $0x80, s14;
	s5 =	simm.s32 @!p2 $0x100;
	[sflag:s20] =	ssyncset.done @!p3 $0x0  }
0x84: {  	s10 =	simm.s32 @!p4 $0x1;
	s11 =	simm.s32 @!p2 $0x0;
	[sflag:s20] =	ssyncadd.s32 @!p3 $0xFFFFC000  }
0x85: {  	[tilespmem:s5], [sflag:$0x2] =	stream.linear.gather @!p2 [hbm4b:s14+s11], $0x100, $0x38;
	[tilespmem:$0x1C400] =	vst v63  }
0x86: {  	_ =	swait.ge @!p4 [sflag:s10], $0x100  }
0x87: {  	p1 =	sne.s32 s30, $0x28;
	[sflag:s10] =	ssyncset.done @!p4 $0x0  }
0x88: {  	s5 =	simm.s32 @!p4 $0x400;
	s11 =	simm.s32 @!p4 $0x80;
	[sflag:s10] =	ssyncadd.s32 @!p4 $0xFFFFFF00  }
0x89: {  	[tilespmem:s5], [sflag:$0x5] =	stream.indirect.gather @!p4 [hbm4b:s4+s11], $0x80, s7, s11, $0xb8;
	[tilespmem:$0x1C400] =	vst v63  }
.Ltmp0:
0x8a: {  	s17 =	simm.s32 @!p0 $0x6;
	(pc) =	sbr.rel @p1 .LBB2_2-.Ltmp0, $4  }
0x8b: {  	_ =	swait.ge @!p0 [sflag:s17], $0x4000  }
0x8c: {  	s29 =	sadd.s32 $0x80, s29;
	[sflag:s17] =	ssyncset.done @!p0 $0x0  }
0x8d: {  	s20 =	simm.s32 @!p0 $0x8;
	s5 =	simm.s32 @!p0 $0x380;
	[sflag:s17] =	ssyncadd.s32 @!p0 $0xFFFFC000  }
0x8e: {  	[spmem:s2] =	stream.indirect.scatter.add.f32 @!p0 [tilespmem:s9], [sflag:$0x8], $0x80, s5, s8, $0xb8;
	[tilespmem:$0x1C400] =	vst v63  }
0x8f: {  	_ =	swait.ge @!p0 [sflag:s20], $0x4000;
	s5 =	sadd.s32 $0x6, s31  }
0x90: {  	[sflag:s20] =	ssyncset.done @!p0 $0x0;
	p1 =	sge.u32 s5, s6  }
0x91: {  	[sflag:s20] =	ssyncadd.s32 @!p0 $0xFFFFC000;
	s5 =	simm.s32 @!p1 $0x0;
	s7 =	simm.s32 @!p1 $0x200  }
0x92: {  	[tilespmem:s7], [sflag:$0x3] =	stream.linear.gather @!p1 [hbm4b:s29+s5], $0x100, $0x38;
	[tilespmem:$0x1C400] =	vst v63  }
0x93: {  	[bflag:$0x0] =	sbarrier.arrive $0xFFFF  }
0x94: {  	s29 =	sor.u32 $0x1C08, s16;
	s30 =	rddreg [dreg:$0xa]  }
0x95: {  	[hbm:s30], [sflag:s29] =	dma.local [spmem:s18], $0x2800  }
0x96: {  	_ =	swait.ge [sflag:s26], $0x2800  }
0x97: {  	s28 =	sadd.s32 $0x1, s28;
	s31 =	rddreg [dreg:$0xb]  }
0x98: {  	p0 =	sne.s32 s28, s31  }
.Ltmp1:
0x99: {  	_ = 	snop;
	(pc) =	sbr.rel @p0 .LBB2_1-.Ltmp1, $3  }
0x9a: {  	_ =	sdelay $0x1  }
0x9b: {  	[sflag:s26] =	ssyncset.done $0x0  }
0x9c: {  	[sflag:s26] =	ssyncadd.s32 $0xFFFFD800  }
0x9d: {  	_ =	sfence.sel $0x180000  }
0x9e: {  	[bflag:$0x0] =	sbarrier.arrive $0xFFFF  }
0x9f: {  	_ =	strace $0x9000004D  }
0xa0: {  	s0 =	stileid.u32;
	[bflag:$0x2] =	sbarrier.arrive $0xFFFF  }
0xa1: {  	p0 =	sne.s32 s0, $0x0;
	s0 =	rddreg [dreg:$0x4]  }
0xa2: {  	s0 =	sadd.s32 @!p0 $0x100000, s0  }
0xa3: {  	[sflag:s0] =	ssyncadd.tile.s32 @!p0 $0x1;
	_ =	shalt  }
.Lfunc_end2:
_tile_overlayer_lowered:
.L_overlay_start_2:
0xa4: {  	(tag) =	ssettag $0x2  }
0xa5: {  	s0 =	rddreg [dreg:$0x0];
	s2 =	stileid.u32  }
0xa6: {  	s1 =	rddreg [dreg:$0x1];
	p0 =	sne.s32 s2, $0x0  }
0xa7: {  	s3 =	rddreg [dreg:$0x2];
	[bflag:$0x3] =	sbarrier.arrive $0xFFFF;
	s2 =	simm.s32 @!p0 $0x1C08  }
0xa8: {  	[timem:s3], [sflag:s2] =	dma.local @!p0 [hbm:s0], s1  }
0xa9: {  	s0 =	simm.s32 @!p0 $0x8  }
0xaa: {  	_ =	swait.ge @!p0 [sflag:s0], s1  }
0xab: {  	s1 =	ssub.s32 @!p0 $0x0, s1;
	[sflag:s0] =	ssyncset.done @!p0 $0x0  }
0xac: {  	[sflag:s0] =	ssyncadd.s32 @!p0 s1  }
0xad: {  	[bflag:$0x3] =	sbarrier.arrive $0xFFFF  }
0xae: {  	_ =	shalt  }

// kernel: kernel.8.cloned.1.call-start
scs
__scs_entry_jumppad:
0x0: {  	(pc) =	sbr.rel $0x88, $3  }
0x1: {  	(tag) =	ssettag $0x0;
	lr =	simm.s32 $0x1  }
0x2: {  	[smem:$0x3F9B] =	sst lr;
	_ =	strace $0xD0000000  }
0x3: {  	_ = 	snop  }
0x4: {  	_ = 	snop  }
0x5: {  	_ = 	snop  }
0x6: {  	_ = 	snop  }
0x7: {  	_ = 	snop  }
__scs_overlays_trampoline_lowered:
0x8: {  	[smem:$0x3FAA] =	sst s0  }
0x9: {  	[smem:$0x3FAB] =	sst s1  }
0xa: {  	[smem:$0x3FAC] =	sst s2  }
0xb: {  	[smem:$0x3FAD] =	sst s3  }
0xc: {  	[smem:$0x3FAE] =	sst s4  }
0xd: {  	[smem:$0x3FAF] =	sst s5  }
0xe: {  	[smem:$0x3FB0] =	sst s6  }
0xf: {  	[smem:$0x3FB1] =	sst s7  }
0x10: {  	[smem:$0x3FB2] =	sst s8  }
0x11: {  	[smem:$0x3FB3] =	sst s9;
	s0 =	simm.s32 @!p0 $0x0  }
0x12: {  	s1 =	sld [smem:$0x3F99];
	s0 =	simm.s32 @p0 $0x1  }
0x13: {  	[smem:$0x3FB4] =	sst s0;
	s0 =	simm.s32 @!p1 $0x0  }
0x14: {  	s2 =	sld [smem:$0x3F98];
	s0 =	simm.s32 @p1 $0x1  }
0x15: {  	[smem:$0x3FB5] =	sst s0;
	s0 =	simm.s32 @!p2 $0x0  }
0x16: {  	s3 =	sld [smem:$0x3FDB];
	s0 =	simm.s32 @p2 $0x1  }
0x17: {  	s4 =	simm.s32 $0x1BF5;
	[smem:$0x3FB7] =	sst s0  }
0x18: {  	s0 =	sld [smem:$0x3F9A];
	_ =	swait.ge [sflag:s4], $0x0  }
0x19: {  	s7 =	sld [smem:$0x3F9B]  }
0x1a: {  	s8 =	sadd.s32 $0xFFFFE003, lr  }
0x1b: {  	s9 =	sadd.s32 $0xFFFFFEF7, lr;
	s5 =	simm.s32 $0xFFFFFFFF;
	p2 =	slt.u32 s8, $0xFFFFF086  }
0x1c: {  	p1 =	slt.u32 s9, $0xF7A;
	s5 =	simm.s32 @!p2 $0x0  }
0x1d: {  	s5 =	simm.s32 @p1 $0x1;
	p0 =	seq.s32 s7, s2  }
0x1e: {  	s7 =	smul.u32 @!p0 $0xF7A, s2;
	p2 =	seq.s32 @!p0 s5, $0x0  }
0x1f: {  	s9 =	smul.u32 $0xF7A, s1;
	s8 =	simm.s32 @!p0 $0x1BF5;
	p2 =	por !p2, p0  }
0x20: {  	[sflag:s8] =	ssyncset.s32 @!p0 $0xFFFFF086;
	s6 =	sadd.s32 @!p0 s3, s7;
	s7 =	simm.s32 @!p0 $0x108  }
0x21: {  	s3 =	sadd.s32 s3, s9;
	s6 =	sadd.s32 @!p0 $0x88, s6;
	s7 =	simm.s32 @p2 $0x1082  }
0x22: {  	[simem:s7], [sflag:s8] =	dma.local @!p0 [hbm:s6], $0xF7A  }
0x23: {  	s9 =	sor.u32 $0xD0000000, s2;
	s6 =	simm.s32 $0x108;
	_ =	swait.ge @!p0 [sflag:s8], $0x0  }
0x24: {  	s3 =	sadd.s32 $0x88, s3;
	s6 =	simm.s32 @!p1 $0x1082;
	[sflag:s4] =	ssyncset.s32 $0xFFFFF086  }
0x25: {  	[simem:s6], [sflag:s4] =	dma.local [hbm:s3], $0xF7A  }
0x26: {  	[smem:$0x3F9B] =	sst s1;
	(tag) =	ssettag s2;
	_ =	strace s9  }
0x27: {  	s1 =	sld [smem:$0x3FAB]  }
0x28: {  	s2 =	sld [smem:$0x3FAC]  }
0x29: {  	s4 =	sld [smem:$0x3FAE]  }
0x2a: {  	p0 =	seq.s32 s5, $0x0;
	s5 =	sld [smem:$0x3FAF]  }
0x2b: {  	s6 =	sld [smem:$0x3FB0]  }
0x2c: {  	s7 =	sld [smem:$0x3FB1]  }
0x2d: {  	s3 =	simm.s32 $0x108;
	s8 =	sld [smem:$0x3FB2]  }
0x2e: {  	s3 =	simm.s32 @!p0 $0x1082;
	s9 =	sld [smem:$0x3FB3]  }
0x2f: {  	lr =	sadd.s32 s0, s3;
	s0 =	sld [smem:$0x3FAA]  }
0x30: {  	s3 =	sld [smem:$0x3FAD]  }
0x31: {  	[smem:$0x3FB6] =	sst s10  }
0x32: {  	s10 =	sld [smem:$0x3FB4];
	_ =	sdelay $0x3  }
0x33: {  	p0 =	seq.s32 s10, $0x1;
	s10 =	sld [smem:$0x3FB6];
	_ =	sdelay $0x3  }
0x34: {  	[smem:$0x3FB6] =	sst s10  }
0x35: {  	s10 =	sld [smem:$0x3FB5];
	_ =	sdelay $0x3  }
0x36: {  	p1 =	seq.s32 s10, $0x1;
	s10 =	sld [smem:$0x3FB6];
	_ =	sdelay $0x3  }
0x37: {  	[smem:$0x3FB6] =	sst s10  }
0x38: {  	s10 =	sld [smem:$0x3FB7]  }
0x39: {  	_ = 	snop;
	(pc) =	sbr.ind lr, $3  }
0x3a: {  	_ = 	snop  }
0x3b: {  	_ = 	snop  }
0x3c: {  	p2 =	seq.s32 s10, $0x1;
	s10 =	sld [smem:$0x3FB6]  }
0x3d: {  	_ =	shalt  }
0x3e: {  	_ =	shalt  }
0x3f: {  	_ =	shalt  }
0x40: {  	_ =	shalt  }
0x41: {  	_ =	shalt  }
0x42: {  	_ =	shalt  }
0x43: {  	_ =	shalt  }
0x44: {  	_ =	shalt  }
0x45: {  	_ =	shalt  }
0x46: {  	_ =	shalt  }
0x47: {  	_ =	shalt  }
0x48: {  	_ =	shalt  }
0x49: {  	_ =	shalt  }
0x4a: {  	_ =	shalt  }
0x4b: {  	_ =	shalt  }
0x4c: {  	_ =	shalt  }
0x4d: {  	_ =	shalt  }
0x4e: {  	_ =	shalt  }
0x4f: {  	_ =	shalt  }
0x50: {  	_ =	shalt  }
0x51: {  	_ =	shalt  }
0x52: {  	_ =	shalt  }
0x53: {  	_ =	shalt  }
0x54: {  	_ =	shalt  }
0x55: {  	_ =	shalt  }
0x56: {  	_ =	shalt  }
0x57: {  	_ =	shalt  }
0x58: {  	_ =	shalt  }
0x59: {  	_ =	shalt  }
0x5a: {  	_ =	shalt  }
0x5b: {  	_ =	shalt  }
0x5c: {  	_ =	shalt  }
0x5d: {  	_ =	shalt  }
0x5e: {  	_ =	shalt  }
0x5f: {  	_ =	shalt  }
0x60: {  	_ =	shalt  }
0x61: {  	_ =	shalt  }
0x62: {  	_ =	shalt  }
0x63: {  	_ =	shalt  }
0x64: {  	_ =	shalt  }
0x65: {  	_ =	shalt  }
0x66: {  	_ =	shalt  }
0x67: {  	_ =	shalt  }
0x68: {  	_ =	shalt  }
0x69: {  	_ =	shalt  }
0x6a: {  	_ =	shalt  }
0x6b: {  	_ =	shalt  }
0x6c: {  	_ =	shalt  }
0x6d: {  	_ =	shalt  }
0x6e: {  	_ =	shalt  }
0x6f: {  	_ =	shalt  }
0x70: {  	_ =	shalt  }
0x71: {  	_ =	shalt  }
0x72: {  	_ =	shalt  }
0x73: {  	_ =	shalt  }
0x74: {  	_ =	shalt  }
0x75: {  	_ =	shalt  }
0x76: {  	_ =	shalt  }
0x77: {  	_ =	shalt  }
0x78: {  	_ =	shalt  }
0x79: {  	_ =	shalt  }
0x7a: {  	_ =	shalt  }
0x7b: {  	_ =	shalt  }
0x7c: {  	_ =	shalt  }
0x7d: {  	_ =	shalt  }
0x7e: {  	_ =	shalt  }
0x7f: {  	_ =	shalt  }
0x80: {  	_ =	shalt  }
0x81: {  	_ =	shalt  }
0x82: {  	_ =	shalt  }
0x83: {  	_ =	shalt  }
0x84: {  	_ =	shalt  }
0x85: {  	_ =	shalt  }
0x86: {  	_ =	shalt  }
0x87: {  	_ =	shalt  }
.Lfunc_end0:
.L_simem_size_0:
called_computation_lowered:
.L_overlay_start_0:
0x88: {  	s2 =	sld [smem:$0x3FD9]  }
0x89: {  	s3 =	sld [smem:$0x3FFE];
	_ =	sdelay $0x1  }
0x8a: {  	s1 =	srdreg.scid  }
0x8b: {  	s0 =	sand.u32 $0x1, s1  }
0x8c: {  	s18 =	sshll.u32 s0, $0xA;
	s2 =	sadd.s32 s3, s2  }
0x8d: {  	s2 =	sadd.s32 s2, s18  }
0x8e: {  	[smem:$0x3FC2] =	sst s2  }
0x8f: {  	_ = 	snop  }
0x90: {  	s2 =	sld [smem:$0x3FC8]  }
0x91: {  	s19 =	sld [smem:$0x3FD0];
	(tm) =	ssettm $0x1  }
0x92: {  	s4 =	sld [smem:$0x3FFB];
	_ =	sdelay $0x3  }
0x93: {  	_ =	strace s4  }
0x94: {  	s4 =	sld [smem:$0x3FFC];
	_ =	sdelay $0x3  }
0x95: {  	_ =	strace s4  }
0x96: {  	s4 =	sld [smem:$0x3FFD];
	_ =	sdelay $0x3  }
0x97: {  	_ =	strace s4  }
0x98: {  	_ =	strace $0x8FFFFFFF  }
0x99: {  	s20 =	sld [smem:$0x3FDB];
	_ =	sdelay $0x1  }
0x9a: {  	s5 =	simm.s32 $_scs_section_size  }
0x9b: {  	s6 =	simm.s32 $_size__tile_overlayer_lowered;
	s7 =	simm.s32 $_tile_overlayer_lowered  }
0x9c: {  	s23 =	simm.s32 $0x1BFF;
	s22 =	sshll.u32 s7, $0x1;
	s4 =	sadd.s32 s5, s20  }
0x9d: {  	s8 =	simm.s32 $0x0;
	s21 =	sshll.u32 s6, $0x1;
	s6 =	sadd.s32 s22, s4  }
0x9e: {  	[timem:s8], [sflag:s23] =	dma.local [hbm:s6], s21  }
0x9f: {  	_ =	swait.ge [sflag:s23], s21  }
0xa0: {  	s5 =	ssub.s32 $0x0, s21;
	[sflag:s23] =	ssyncset.done $0x0  }
0xa1: {  	[sflag:s23] =	ssyncadd.s32 s5;
	_ =	sdelay $0x1  }
0xa2: {  	s24 =	simm.s32 $0x1B8B  }
0xa3: {  	_ =	swait.ge [sflag:s24], $0x1  }
0xa4: {  	[sflag:s24] =	ssyncset.done $0x0  }
0xa5: {  	s25 =	simm.s32 $0x1B8E;
	[sflag:s24] =	ssyncadd.s32 $0xFFFFFFFF  }
0xa6: {  	s26 =	simm.s32 $execute0_lowered;
	[smem:$0x3FD2] =	sst s25  }
0xa7: {  	s5 =	sshll.u32 s26, $0x1;
	_ =	strace $0x80000046;
	[dreg:$0x1] =	wrdreg $0xFFFFFFFF  }
0xa8: {  	s28 =	simm.s32 $_size_execute0_lowered;
	s4 =	sadd.s32 s4, s5;
	[dreg:$0x0] =	wrdreg $0x0  }
0xa9: {  	s5 =	sshll.u32 s28, $0x1;
	[dreg:$0x2] =	wrdreg s4  }
0xaa: {  	[dreg:$0x3] =	wrdreg s5  }
0xab: {  	[dreg:$0x4] =	wrdreg $0xC0  }
0xac: {  	_ =	task [dreg:s8], $0x5FFFF  }
0xad: {  	[dreg:$0x1] =	wrdreg $0xFFFFFFFF  }
0xae: {  	[dreg:$0x0] =	wrdreg $0x60  }
0xaf: {  	[dreg:$0x2] =	wrdreg s2  }
0xb0: {  	[dreg:$0x3] =	wrdreg s19  }
0xb1: {  	[dreg:$0x4] =	wrdreg $0x1F000  }
0xb2: {  	[dreg:$0x5] =	wrdreg $0x9  }
0xb3: {  	_ =	task.clear_ibuf [dreg:s8], $0x6FFFF;
	_ =	strace $0x90000046  }
0xb4: {  	s29 =	simm.s32 $0x9;
	_ =	strace $0x80000048  }
0xb5: {  	_ =	swait.ge [sflag:s29], $0x1  }
0xb6: {  	[sflag:s29] =	ssyncadd.s32 $0xFFFFFFFF  }
0xb7: {  	_ =	strace $0x90000048  }
0xb8: {  	_ =	sfence  }
0xb9: {  	s30 =	sld [smem:$0x0];
	_ =	sdelay $0x2  }
0xba: {  	s31 =	sshll.u32 s1, $0xD;
	s1 =	sshrl.u32 s1, $0x2  }
0xbb: {  	s3 =	sand.u32 $0x4000, s31;
	s1 =	sadd.s32 s1, s30  }
0xbc: {  	s0 =	sor.u32 s3, s0;
	s1 =	sshll.u32 s1, $0x11  }
0xbd: {  	s0 =	sor.u32 s1, s0  }
0xbe: {  	s0 =	sadd.s32 $0x8F2B, s0  }
0xbf: {  	[sflag:s0] =	ssyncadd.remote.s32 $0x1  }
0xc0: {  	_ =	sfence.sel $0xFFFF  }
0xc1: {  	[dreg:$0x0] =	wrdreg $0xFFFFFFFF;
	(pc) =	sbr.abs _section_cstart, $3  }
0xc2: {  	[dreg:$0x1] =	wrdreg $0xFFFFFFFF  }
0xc3: {  	_ =	task.clear_ibuf [dreg:s8], $0x2FFFF;
	_ =	strace $0x9FFFFFFF  }
0xc4: {  	(tm) =	ssettm $0x7FFFFFFF  }
0xc5: {  	_ =	shalt  }
tec
execute0_lowered:
.L_overlay_start_1:
0x0: {  	(tag) =	ssettag $0x1  }
0x1: {  	s5 =	rddreg [dreg:$0x0]  }
0x2: {  	s6 =	rddreg [dreg:$0x1]  }
0x3: {  	s1 =	rddreg [dreg:$0x2]  }
0x4: {  	s2 =	srdreg.scid;
	s0 =	rddreg [dreg:$0x3]  }
0x5: {  	s3 =	simm.s32 $0x0;
	s15 =	simm.s32 $0x20;
	s16 =	simm.s32 $0x10  }
0x6: {  	s17 =	simm.s32 $0x0;
	s4 =	sand.u32 $0x1, s2;
	s2 =	stileid.u32  }
0x7: {  	[smem:$0x7FF] =	sst s3;
	s7 =	ssub.s32 $0x2, s4;
	s9 =	smul.u32 $0xA00, s2  }
0x8: {  	_ =	strace $0x80000047;
	s26 =	sshll.u32 s4, $0x4;
	s10 =	smul.u32 $0x500, s2  }
0x9: {  	s11 =	sshll.u32 s4, $0x7;
	s12 =	smul.u32 $0x6400, s4;
	s13 =	sshll.u32 s2, $0x6  }
0xa: {  	s30 =	smul.u32 $0x640, s2;
	s8 =	sshrl.u32 s7, $0x1;
	s13 =	sor.u32 $0x1C02, s13  }
0xb: {  	s7 =	ssub.s32 s7, s8;
	s8 =	sor.u32 s2, s26;
	s28 =	sshrl.u32 s9, $0x2  }
.Ltmp0:
0xc: {  	s29 =	sor.u32 s11, s10;
	s31 =	sadd.s32 s12, s5;
	(pc) =	sbr.rel .LBB2_1-.Ltmp0, $4  }
0xd: {  	s10 =	simm.s32 $0x1;
	s11 =	simm.s32 $0x80;
	s12 =	simm.s32 $0x1C00  }
0xe: {  	s4 =	sadd.s32 s28, s1;
	s9 =	sshrl.u32 s29, $0x3;
	p0 =	sgt.u32 s8, $0x18  }
0xf: {  	s8 =	simm.s32 $0x1C80;
	s5 =	sadd.s32 s6, s9;
	s6 =	smax.u32 s7, $0x1  }
0x10: {  	v0 =	vimm.f32 $1.000000000e+00;
	v1 =	vimm.f32 $0.0e+00;
	s7 =	sadd.s32 s30, s31;
	s9 =	simm.s32 $0x2;
	s14 =	sshrl.u32 s4, $0x3  }
.LBB2_8:
0x11: {  	[bflag:$0x0] =	sbarrier.arrive $0xFFFF  }
.LBB2_9:
0x12: {  	s17 =	sadd.s32 $0x1, s17  }
0x13: {  	p1 =	sne.s32 s17, s6  }
.Ltmp1:
0x14: {  	[bflag:$0x0] =	sbarrier.arrive $0xFFFF;
	(pc) =	sbr.rel @!p1 .LBB2_10-.Ltmp1, $4  }
0x15: {  	[hbm:s5@s15], [sflag:s13] =	dma.strided [spmem:s14@s16], $0x50, s10, $0x10   }
0x16: {  	_ =	swait.ge [sflag:s9], $0x50  }
0x17: {  	[sflag:s9] =	ssyncset.done $0x0  }
0x18: {  	[sflag:s9] =	ssyncadd.s32 $0xFFFFFFB0  }
.LBB2_1:
0x19: {  	[tilespmem:$0x1C00] =	vst v0  }
0x1a: {  	[tilespmem:$0x1C10] =	vst v0  }
0x1b: {  	[tilespmem:$0x1C20] =	vst v0  }
0x1c: {  	[tilespmem:$0x1C30] =	vst v0  }
0x1d: {  	[tilespmem:$0x1C40] =	vst v0  }
0x1e: {  	[tilespmem:$0x1C50] =	vst v0  }
0x1f: {  	[tilespmem:$0x1C60] =	vst v0  }
0x20: {  	[tilespmem:$0x1C70] =	vst v0  }
0x21: {  	[tilespmem:$0x1C80] =	vst v1  }
0x22: {  	[tilespmem:$0x1C90] =	vst v1  }
0x23: {  	[tilespmem:$0x1CA0] =	vst v1  }
0x24: {  	[tilespmem:$0x1CB0] =	vst v1  }
0x25: {  	[tilespmem:$0x1CC0] =	vst v1  }
0x26: {  	[tilespmem:$0x1CD0] =	vst v1  }
0x27: {  	[tilespmem:$0x1CE0] =	vst v1  }
0x28: {  	[tilespmem:$0x1CF0] =	vst v1  }
0x29: {  	[tilespmem:$0x1D00] =	vst v1  }
0x2a: {  	[tilespmem:$0x1D10] =	vst v1  }
0x2b: {  	[tilespmem:$0x1D20] =	vst v1  }
0x2c: {  	[tilespmem:$0x1D30] =	vst v1  }
0x2d: {  	[tilespmem:$0x1D40] =	vst v1  }
0x2e: {  	[tilespmem:$0x1D50] =	vst v1  }
0x2f: {  	[tilespmem:$0x1D60] =	vst v1  }
0x30: {  	[tilespmem:$0x1D70] =	vst v1  }
0x31: {  	[tilespmem:$0x1D80] =	vst v1  }
0x32: {  	[tilespmem:$0x1D90] =	vst v1  }
0x33: {  	[tilespmem:$0x1DA0] =	vst v1  }
0x34: {  	[tilespmem:$0x1DB0] =	vst v1  }
0x35: {  	[tilespmem:$0x1DC0] =	vst v1  }
0x36: {  	[tilespmem:$0x1DD0] =	vst v1  }
0x37: {  	[tilespmem:$0x1DE0] =	vst v1  }
0x38: {  	[tilespmem:$0x1DF0] =	vst v1  }
0x39: {  	[tilespmem:$0x1E00] =	vst v1  }
0x3a: {  	[tilespmem:$0x1E10] =	vst v1  }
0x3b: {  	[tilespmem:$0x1E20] =	vst v1  }
0x3c: {  	[tilespmem:$0x1E30] =	vst v1  }
0x3d: {  	[tilespmem:$0x1E40] =	vst v1  }
0x3e: {  	[tilespmem:$0x1E50] =	vst v1  }
0x3f: {  	[tilespmem:$0x1E60] =	vst v1  }
0x40: {  	[tilespmem:$0x1E70] =	vst v1  }
0x41: {  	[tilespmem:$0x1E80] =	vst v1  }
0x42: {  	[tilespmem:$0x1E90] =	vst v1  }
0x43: {  	[tilespmem:$0x1EA0] =	vst v1  }
0x44: {  	[tilespmem:$0x1EB0] =	vst v1  }
0x45: {  	[tilespmem:$0x1EC0] =	vst v1  }
0x46: {  	[tilespmem:$0x1ED0] =	vst v1  }
0x47: {  	[tilespmem:$0x1EE0] =	vst v1  }
.Ltmp2:
0x48: {  	[tilespmem:$0x1EF0] =	vst v1;
	(pc) =	sbr.rel @p0 .LBB2_8-.Ltmp2, $4  }
0x49: {  	[spmem:s4] =	stream.linear.scatter [tilespmem:s8], [sflag:$0x2], $0x280, $0x38;
	[tilespmem:$0x2180] =	vst v63  }
0x4a: {  	_ =	swait.ge [sflag:s9], $0x280  }
0x4b: {  	[sflag:s9] =	ssyncset.done $0x0  }
0x4c: {  	s18 =	simm.s32 $0x0;
	s19 =	simm.s32 $0x10;
	[sflag:s9] =	ssyncadd.s32 $0xFFFFFD80  }
.LBB2_2:
0x4d: {  	p1 =	sne.s32 s19, $0x630  }
.Ltmp3:
0x4e: {  	_ = 	snop;
	(pc) =	sbr.rel @p1 .LBB2_2-.Ltmp3, $4  }
0x4f: {  	_ = 	snop  }
0x50: {  	s20 =	sadd.s32 s19, s7  }
0x51: {  	[tilespmem:s18], [sflag:$0x1] =	stream.linear.gather [hbm4b:s20+s3], $0x80, $0x38;
	[tilespmem:$0x2180] =	vst v63  }
0x52: {  	s19 =	sadd.s32 $0x20, s19;
	s18 =	sadd.s32 $0x80, s18  }
0x53: {  	_ =	swait.ge [sflag:s10], $0x80  }
0x54: {  	s18 =	simm.s32 $0x31;
	[sflag:s10] =	ssyncset.done $0x0  }
.LBB2_4:
0x55: {  	p1 =	sne.s32 s18, $0x1;
	s18 =	sadd.s32 $0xFFFFFFFF, s18;
	[sflag:s10] =	ssyncadd.s32 $0xFFFFFF80  }
.Ltmp4:
0x56: {  	(pc) =	sbr.rel @p1 .LBB2_4-.Ltmp4, $3  }
0x57: {  	_ =	sdelay $0x1  }
0x58: {  	_ =	swait.ge [sflag:s10], $0x80  }
0x59: {  	[sflag:s10] =	ssyncset.done $0x0  }
0x5a: {  	[sflag:s10] =	ssyncadd.s32 $0xFFFFFF80  }
0x5b: {  	s18 =	simm.s32 $0x0;
	[bflag:$0x0] =	sbarrier.arrive $0xFFFF  }
0x5c: {  	[spmem:s1] =	stream.indirect.scatter.add.f32 [tilespmem:s12], [sflag:$0x2], $0x1, s18, s11, $0xb8;
	[tilespmem:$0x2180] =	vst v63  }
0x5d: {  	_ =	swait.ge [sflag:s9], $0x80  }
0x5e: {  	s18 =	simm.s32 $0x200;
	[sflag:s9] =	ssyncset.done $0x0  }
.LBB2_6:
0x5f: {  	s19 =	sshra.s32 s18, $0x2;
	[sflag:s9] =	ssyncadd.s32 $0xFFFFFF80;
	p1 =	seq.s32 s18, $0x6200  }
0x60: {  	[spmem:s1] =	stream.indirect.scatter.add.f32 [tilespmem:s12], [sflag:$0x2], $0x1, s19, s11, $0xb8;
	[tilespmem:$0x2180] =	vst v63  }
.Ltmp5:
0x61: {  	_ = 	snop;
	(pc) =	sbr.rel @!p1 .LBB2_6-.Ltmp5, $4  }
0x62: {  	_ = 	snop  }
0x63: {  	s18 =	sadd.s32 $0x200, s18  }
0x64: {  	_ =	swait.ge [sflag:s9], $0x80  }
0x65: {  	[sflag:s9] =	ssyncset.done $0x0  }
.Ltmp6:
0x66: {  	(pc) =	sbr.rel .LBB2_9-.Ltmp6, $2  }
0x67: {  	_ =	sdelay $0x2  }
0x68: {  	[sflag:s9] =	ssyncadd.s32 $0xFFFFFF80  }
.LBB2_10:
0x69: {  	_ =	sfence.sel $0x180000  }
0x6a: {  	[bflag:$0x0] =	sbarrier.arrive $0xFFFF  }
0x6b: {  	p0 =	sne.s32 s2, $0x0;
	_ =	strace $0x90000047  }
0x6c: {  	s0 =	sadd.s32 @!p0 $0x100000, s0;
	[bflag:$0x2] =	sbarrier.arrive $0xFFFF  }
0x6d: {  	[sflag:s0] =	ssyncadd.tile.s32 @!p0 $0x1;
	_ =	shalt  }
.Lfunc_end2:
_tile_overlayer_lowered:
.L_overlay_start_2:
0x6e: {  	(tag) =	ssettag $0x2  }
0x6f: {  	s0 =	rddreg [dreg:$0x0];
	s2 =	stileid.u32  }
0x70: {  	s1 =	rddreg [dreg:$0x1];
	p0 =	sne.s32 s2, $0x0  }
0x71: {  	s3 =	rddreg [dreg:$0x2];
	[bflag:$0x3] =	sbarrier.arrive $0xFFFF;
	s2 =	simm.s32 @!p0 $0x1C02  }
0x72: {  	[timem:s3], [sflag:s2] =	dma.local @!p0 [hbm:s0], s1  }
0x73: {  	s0 =	simm.s32 @!p0 $0x2  }
0x74: {  	_ =	swait.ge @!p0 [sflag:s0], s1  }
0x75: {  	s1 =	ssub.s32 @!p0 $0x0, s1;
	[sflag:s0] =	ssyncset.done @!p0 $0x0  }
0x76: {  	[sflag:s0] =	ssyncadd.s32 @!p0 s1  }
0x77: {  	[bflag:$0x3] =	sbarrier.arrive $0xFFFF  }
0x78: {  	_ =	shalt  }

</sc_bundles>
